<compile_context>
chip_gen: v7x
topology: tpu7x:2x2x1
jax: 0.10.2.dev20260603
libtpu: 0.0.44.dev20260713+nightly
codegen_flags: <defaults>
</compile_context>

<pallas_src>
import functools

import jax
import jax.numpy as jnp
from jax import lax
from jax.experimental import pallas as pl
from jax.experimental.pallas import tpu as pltpu
from jax.experimental.pallas import tpu_sc as plsc

DIM = 64
NC = 2
NS = 16
NW = NC * NS
SPC = 1
NBUF = 8
DIM_PAD = 128


@functools.lru_cache(maxsize=None)
def _build(n_sent: int, seq: int):
    seq_pad = (seq + 7) // 8 * 8
    spw = n_sent // NW
    cpw = spw // SPC
    assert cpw % NBUF == 0 and cpw // NBUF >= 2
    n_main_groups = cpw // NBUF - 1
    mesh = plsc.VectorSubcoreMesh(core_axis_name="c", subcore_axis_name="s")

    @functools.partial(
        pl.kernel,
        mesh=mesh,
        out_type=jax.ShapeDtypeStruct((n_sent, seq_pad, DIM_PAD), jnp.float32),
        compiler_params=pltpu.CompilerParams(use_tc_tiling_on_sc=False),
        scratch_types=[
            pltpu.VMEM((spw, seq), jnp.int32),
            pltpu.VMEM((NBUF, seq, DIM), jnp.float32),
            pltpu.SemaphoreType.DMA((NBUF,)),
            pltpu.SemaphoreType.DMA((NBUF,)),
        ],
    )
    def gather_kernel(table_hbm, idx_hbm, out_hbm, idx_v, rows_v, gsem, wsem):
        wid = lax.axis_index("s") * NC + lax.axis_index("c")
        base = wid * spw
        pltpu.sync_copy(idx_hbm.at[pl.ds(base, spw)], idx_v)

        def odst(j):
            return out_hbm.at[base + j].at[pl.ds(0, seq), pl.ds(0, DIM)]

        for b in range(NBUF):
            pltpu.async_copy(table_hbm.at[idx_v.at[b]], rows_v.at[b], gsem.at[b])

        def group(g, carry):
            j0 = g * NBUF
            for b in range(NBUF):
                j = j0 + b
                pltpu.make_async_copy(
                    table_hbm.at[idx_v.at[j]], rows_v.at[b], gsem.at[b]
                ).wait()
                w = pltpu.async_copy(rows_v.at[b], odst(j), wsem.at[b])
                w.wait()
                pltpu.async_copy(
                    table_hbm.at[idx_v.at[j + NBUF]], rows_v.at[b], gsem.at[b]
                )
            return carry

        lax.fori_loop(0, n_main_groups, group, 0)

        j0 = n_main_groups * NBUF
        for b in range(NBUF):
            j = j0 + b
            pltpu.make_async_copy(
                table_hbm.at[idx_v.at[j]], rows_v.at[b], gsem.at[b]
            ).wait()
            pltpu.async_copy(rows_v.at[b], odst(j), wsem.at[b])
        for b in range(NBUF):
            j = j0 + b
            pltpu.make_async_copy(
                rows_v.at[b], odst(j), wsem.at[b]
            ).wait()

    return gather_kernel


def kernel(text, table):
    n_sent, seq = text.shape
    raw = _build(n_sent, seq)(table, text.astype(jnp.int32))
    return lax.slice(raw, (0, 0, 0), (n_sent, seq, DIM))

# --- scband reference (transcript-rebuilt; emitter-appended) ---
"""Pipeline reference for scband-embedding-74526272520216 (READ-ONLY COPY).

The authoritative reference and input builder live on the scoring server;
editing this copy changes nothing except your own understanding.
"""

import jax, jax.numpy as jnp
import numpy as np

VOCAB = 1000000
DIM = 64

def setup_inputs(seed: int = 0) -> dict:
    key = jax.random.key(seed)
    k1, k2 = jax.random.split(key)
    text = jax.random.randint(k1, (4096, 50), 0, VOCAB, dtype=jnp.int64 if jax.config.jax_enable_x64 else jnp.int32)
    table = jax.random.normal(k2, (VOCAB, DIM), dtype=jnp.float32)
    return {"text": text, "table": table}

def reference(text, table):
    # nn.Embedding forward: gather rows of the embedding table
    return jnp.take(table, text, axis=0)

if __name__ == "__main__":
    import jax
    _d = setup_inputs()
    print(jax.jit(kernel)(*tuple(_d.values())))

</pallas_src>

<mosaic_0001>
#map = affine_map<(d0, d1) -> (0, 0)>
#map1 = affine_map<(d0, d1) -> (0, 0, 0)>
module attributes {stable_mosaic.version = 14 : i64} {
  func.func @gather_kernel(%arg0: i32, %arg1: i32, %arg2: memref<1000000x64xf32, #tpu.memory_space<hbm>>, %arg3: memref<4096x50xi32, #tpu.memory_space<hbm>>, %arg4: memref<4096x56x128xf32, #tpu.memory_space<hbm>>, %arg5: memref<128x50xi32, #tpu.memory_space<vmem>>, %arg6: memref<8x50x64xf32, #tpu.memory_space<vmem>>, %arg7: memref<8x!tpu.dma_semaphore, #tpu.memory_space<semaphore_mem>>, %arg8: memref<8x!tpu.dma_semaphore, #tpu.memory_space<semaphore_mem>>) attributes {dimension_semantics = [#tpu.dimension_semantics<core_parallel>, #tpu.dimension_semantics<subcore_parallel>], iteration_bounds = array<i64: 2, 16>, scalar_prefetch = 0 : i64, scratch_operands = 4 : i64, tpu.core_type = #tpu.core_type<sc_vector_subcore>, window_params = [{transform_indices = #map}, {transform_indices = #map}, {transform_indices = #map1}]} {
    %mul3A = arith.constant 2 : i32
    %mul3A_0 = arith.muli %arg1, %mul3A : i32
    %add3A = arith.addi %mul3A_0, %arg0 : i32
    %mul3A_1 = arith.constant 128 : i32
    %mul3A_2 = arith.muli %add3A, %mul3A_1 : i32
    "tpu.region"() ({
      %run_scoped3A = tpu.sem_alloc : memref<!tpu.dma_semaphore, #tpu.memory_space<semaphore_mem>>
      %dma_start3A_694 = arith.constant 0 : i32
      %dma_start3A_695 = tpu.memref_slice %arg3[%mul3A_2, %dma_start3A_694] : memref<4096x50xi32, #tpu.memory_space<hbm>> -> memref<128x50xi32, #tpu.memory_space<hbm>>
      %dma_start3A_696 = arith.constant 0 : i32
      %dma_start3A_697 = tpu.memref_slice %arg3[%mul3A_2, %dma_start3A_696] : memref<4096x50xi32, #tpu.memory_space<hbm>> -> memref<128x50xi32, #tpu.memory_space<hbm>>
      tpu.enqueue_dma source(%dma_start3A_697 : memref<128x50xi32, #tpu.memory_space<hbm>>) target(%arg5 : memref<128x50xi32, #tpu.memory_space<vmem>>) target_semaphore(%run_scoped3A : memref<!tpu.dma_semaphore, #tpu.memory_space<semaphore_mem>>)
      %dma_wait3A_698 = arith.constant 0 : i32
      %dma_wait3A_699 = tpu.memref_slice %arg3[%mul3A_2, %dma_wait3A_698] : memref<4096x50xi32, #tpu.memory_space<hbm>> -> memref<128x50xi32, #tpu.memory_space<hbm>>
      %dma_wait3A_700 = arith.constant 0 : i32
      %dma_wait3A_701 = tpu.memref_slice %arg3[%mul3A_2, %dma_wait3A_700] : memref<4096x50xi32, #tpu.memory_space<hbm>> -> memref<128x50xi32, #tpu.memory_space<hbm>>
      tpu.wait_dma2 semaphore(%run_scoped3A : memref<!tpu.dma_semaphore, #tpu.memory_space<semaphore_mem>>) src(%dma_wait3A_701 : memref<128x50xi32, #tpu.memory_space<hbm>>) dst(%arg5 : memref<128x50xi32, #tpu.memory_space<vmem>>)
      tpu.yield
    }) : () -> ()
    %dma_start3A = arith.constant 0 : i32
    %dma_start3A_3 = arith.constant 0 : i32
    %dma_start3A_4 = arith.constant 0 : i32
    %dma_start3A_5 = arith.constant 0 : i32
    %dma_start3A_6 = arith.constant 0 : i32
    %dma_start3A_7 = tpu.memref_slice %arg6[%dma_start3A_3, %dma_start3A_5, %dma_start3A_6] : memref<8x50x64xf32, #tpu.memory_space<vmem>> -> memref<1x50x64xf32, #tpu.memory_space<vmem>>
    %dma_start3A_8 = tpu.memref_squeeze %dma_start3A_7 : memref<1x50x64xf32, #tpu.memory_space<vmem>> -> memref<50x64xf32, #tpu.memory_space<vmem>>
    %dma_start3A_9 = arith.constant 0 : i32
    %dma_start3A_10 = tpu.memref_slice %arg5[%dma_start3A, %dma_start3A_9] : memref<128x50xi32, #tpu.memory_space<vmem>> -> memref<1x50xi32, #tpu.memory_space<vmem>>
    %dma_start3A_11 = tpu.memref_squeeze %dma_start3A_10 : memref<1x50xi32, #tpu.memory_space<vmem>> -> memref<50xi32, #tpu.memory_space<vmem>>
    %dma_start3A_12 = arith.constant 0 : i32
    %dma_start3A_13 = arith.constant 0 : i32
    %dma_start3A_14 = tpu.memref_slice %arg2[%dma_start3A_12, %dma_start3A_13] : memref<1000000x64xf32, #tpu.memory_space<hbm>> -> memref<1000000x64xf32, #tpu.memory_space<hbm>>
    %dma_start3A_15 = tpu.memref_slice %arg7[%dma_start3A_4] : memref<8x!tpu.dma_semaphore, #tpu.memory_space<semaphore_mem>> -> memref<1x!tpu.dma_semaphore, #tpu.memory_space<semaphore_mem>>
    %dma_start3A_16 = tpu.memref_squeeze %dma_start3A_15 : memref<1x!tpu.dma_semaphore, #tpu.memory_space<semaphore_mem>> -> memref<!tpu.dma_semaphore, #tpu.memory_space<semaphore_mem>>
    tpu.enqueue_indirect_dma source(%dma_start3A_14 : memref<1000000x64xf32, #tpu.memory_space<hbm>>) target(%dma_start3A_8 : memref<50x64xf32, #tpu.memory_space<vmem>>) offsets(%dma_start3A_11 : memref<50xi32, #tpu.memory_space<vmem>>) semaphore(%dma_start3A_16 : memref<!tpu.dma_semaphore, #tpu.memory_space<semaphore_mem>>)
    %dma_start3A_17 = arith.constant 1 : i32
    %dma_start3A_18 = arith.constant 1 : i32
    %dma_start3A_19 = arith.constant 1 : i32
    %dma_start3A_20 = arith.constant 0 : i32
    %dma_start3A_21 = arith.constant 0 : i32
    %dma_start3A_22 = tpu.memref_slice %arg6[%dma_start3A_18, %dma_start3A_20, %dma_start3A_21] : memref<8x50x64xf32, #tpu.memory_space<vmem>> -> memref<1x50x64xf32, #tpu.memory_space<vmem>>
    %dma_start3A_23 = tpu.memref_squeeze %dma_start3A_22 : memref<1x50x64xf32, #tpu.memory_space<vmem>> -> memref<50x64xf32, #tpu.memory_space<vmem>>
    %dma_start3A_24 = arith.constant 0 : i32
    %dma_start3A_25 = tpu.memref_slice %arg5[%dma_start3A_17, %dma_start3A_24] : memref<128x50xi32, #tpu.memory_space<vmem>> -> memref<1x50xi32, #tpu.memory_space<vmem>>
    %dma_start3A_26 = tpu.memref_squeeze %dma_start3A_25 : memref<1x50xi32, #tpu.memory_space<vmem>> -> memref<50xi32, #tpu.memory_space<vmem>>
    %dma_start3A_27 = arith.constant 0 : i32
    %dma_start3A_28 = arith.constant 0 : i32
    %dma_start3A_29 = tpu.memref_slice %arg2[%dma_start3A_27, %dma_start3A_28] : memref<1000000x64xf32, #tpu.memory_space<hbm>> -> memref<1000000x64xf32, #tpu.memory_space<hbm>>
    %dma_start3A_30 = tpu.memref_slice %arg7[%dma_start3A_19] : memref<8x!tpu.dma_semaphore, #tpu.memory_space<semaphore_mem>> -> memref<1x!tpu.dma_semaphore, #tpu.memory_space<semaphore_mem>>
    %dma_start3A_31 = tpu.memref_squeeze %dma_start3A_30 : memref<1x!tpu.dma_semaphore, #tpu.memory_space<semaphore_mem>> -> memref<!tpu.dma_semaphore, #tpu.memory_space<semaphore_mem>>
    tpu.enqueue_indirect_dma source(%dma_start3A_29 : memref<1000000x64xf32, #tpu.memory_space<hbm>>) target(%dma_start3A_23 : memref<50x64xf32, #tpu.memory_space<vmem>>) offsets(%dma_start3A_26 : memref<50xi32, #tpu.memory_space<vmem>>) semaphore(%dma_start3A_31 : memref<!tpu.dma_semaphore, #tpu.memory_space<semaphore_mem>>)
    %dma_start3A_32 = arith.constant 2 : i32
    %dma_start3A_33 = arith.constant 2 : i32
    %dma_start3A_34 = arith.constant 2 : i32
    %dma_start3A_35 = arith.constant 0 : i32
    %dma_start3A_36 = arith.constant 0 : i32
    %dma_start3A_37 = tpu.memref_slice %arg6[%dma_start3A_33, %dma_start3A_35, %dma_start3A_36] : memref<8x50x64xf32, #tpu.memory_space<vmem>> -> memref<1x50x64xf32, #tpu.memory_space<vmem>>
    %dma_start3A_38 = tpu.memref_squeeze %dma_start3A_37 : memref<1x50x64xf32, #tpu.memory_space<vmem>> -> memref<50x64xf32, #tpu.memory_space<vmem>>
    %dma_start3A_39 = arith.constant 0 : i32
    %dma_start3A_40 = tpu.memref_slice %arg5[%dma_start3A_32, %dma_start3A_39] : memref<128x50xi32, #tpu.memory_space<vmem>> -> memref<1x50xi32, #tpu.memory_space<vmem>>
    %dma_start3A_41 = tpu.memref_squeeze %dma_start3A_40 : memref<1x50xi32, #tpu.memory_space<vmem>> -> memref<50xi32, #tpu.memory_space<vmem>>
    %dma_start3A_42 = arith.constant 0 : i32
    %dma_start3A_43 = arith.constant 0 : i32
    %dma_start3A_44 = tpu.memref_slice %arg2[%dma_start3A_42, %dma_start3A_43] : memref<1000000x64xf32, #tpu.memory_space<hbm>> -> memref<1000000x64xf32, #tpu.memory_space<hbm>>
    %dma_start3A_45 = tpu.memref_slice %arg7[%dma_start3A_34] : memref<8x!tpu.dma_semaphore, #tpu.memory_space<semaphore_mem>> -> memref<1x!tpu.dma_semaphore, #tpu.memory_space<semaphore_mem>>
    %dma_start3A_46 = tpu.memref_squeeze %dma_start3A_45 : memref<1x!tpu.dma_semaphore, #tpu.memory_space<semaphore_mem>> -> memref<!tpu.dma_semaphore, #tpu.memory_space<semaphore_mem>>
    tpu.enqueue_indirect_dma source(%dma_start3A_44 : memref<1000000x64xf32, #tpu.memory_space<hbm>>) target(%dma_start3A_38 : memref<50x64xf32, #tpu.memory_space<vmem>>) offsets(%dma_start3A_41 : memref<50xi32, #tpu.memory_space<vmem>>) semaphore(%dma_start3A_46 : memref<!tpu.dma_semaphore, #tpu.memory_space<semaphore_mem>>)
    %dma_start3A_47 = arith.constant 3 : i32
    %dma_start3A_48 = arith.constant 3 : i32
    %dma_start3A_49 = arith.constant 3 : i32
    %dma_start3A_50 = arith.constant 0 : i32
    %dma_start3A_51 = arith.constant 0 : i32
    %dma_start3A_52 = tpu.memref_slice %arg6[%dma_start3A_48, %dma_start3A_50, %dma_start3A_51] : memref<8x50x64xf32, #tpu.memory_space<vmem>> -> memref<1x50x64xf32, #tpu.memory_space<vmem>>
    %dma_start3A_53 = tpu.memref_squeeze %dma_start3A_52 : memref<1x50x64xf32, #tpu.memory_space<vmem>> -> memref<50x64xf32, #tpu.memory_space<vmem>>
    %dma_start3A_54 = arith.constant 0 : i32
    %dma_start3A_55 = tpu.memref_slice %arg5[%dma_start3A_47, %dma_start3A_54] : memref<128x50xi32, #tpu.memory_space<vmem>> -> memref<1x50xi32, #tpu.memory_space<vmem>>
    %dma_start3A_56 = tpu.memref_squeeze %dma_start3A_55 : memref<1x50xi32, #tpu.memory_space<vmem>> -> memref<50xi32, #tpu.memory_space<vmem>>
    %dma_start3A_57 = arith.constant 0 : i32
    %dma_start3A_58 = arith.constant 0 : i32
    %dma_start3A_59 = tpu.memref_slice %arg2[%dma_start3A_57, %dma_start3A_58] : memref<1000000x64xf32, #tpu.memory_space<hbm>> -> memref<1000000x64xf32, #tpu.memory_space<hbm>>
    %dma_start3A_60 = tpu.memref_slice %arg7[%dma_start3A_49] : memref<8x!tpu.dma_semaphore, #tpu.memory_space<semaphore_mem>> -> memref<1x!tpu.dma_semaphore, #tpu.memory_space<semaphore_mem>>
    %dma_start3A_61 = tpu.memref_squeeze %dma_start3A_60 : memref<1x!tpu.dma_semaphore, #tpu.memory_space<semaphore_mem>> -> memref<!tpu.dma_semaphore, #tpu.memory_space<semaphore_mem>>
    tpu.enqueue_indirect_dma source(%dma_start3A_59 : memref<1000000x64xf32, #tpu.memory_space<hbm>>) target(%dma_start3A_53 : memref<50x64xf32, #tpu.memory_space<vmem>>) offsets(%dma_start3A_56 : memref<50xi32, #tpu.memory_space<vmem>>) semaphore(%dma_start3A_61 : memref<!tpu.dma_semaphore, #tpu.memory_space<semaphore_mem>>)
    %dma_start3A_62 = arith.constant 4 : i32
    %dma_start3A_63 = arith.constant 4 : i32
    %dma_start3A_64 = arith.constant 4 : i32
    %dma_start3A_65 = arith.constant 0 : i32
    %dma_start3A_66 = arith.constant 0 : i32
    %dma_start3A_67 = tpu.memref_slice %arg6[%dma_start3A_63, %dma_start3A_65, %dma_start3A_66] : memref<8x50x64xf32, #tpu.memory_space<vmem>> -> memref<1x50x64xf32, #tpu.memory_space<vmem>>
    %dma_start3A_68 = tpu.memref_squeeze %dma_start3A_67 : memref<1x50x64xf32, #tpu.memory_space<vmem>> -> memref<50x64xf32, #tpu.memory_space<vmem>>
    %dma_start3A_69 = arith.constant 0 : i32
    %dma_start3A_70 = tpu.memref_slice %arg5[%dma_start3A_62, %dma_start3A_69] : memref<128x50xi32, #tpu.memory_space<vmem>> -> memref<1x50xi32, #tpu.memory_space<vmem>>
    %dma_start3A_71 = tpu.memref_squeeze %dma_start3A_70 : memref<1x50xi32, #tpu.memory_space<vmem>> -> memref<50xi32, #tpu.memory_space<vmem>>
    %dma_start3A_72 = arith.constant 0 : i32
    %dma_start3A_73 = arith.constant 0 : i32
    %dma_start3A_74 = tpu.memref_slice %arg2[%dma_start3A_72, %dma_start3A_73] : memref<1000000x64xf32, #tpu.memory_space<hbm>> -> memref<1000000x64xf32, #tpu.memory_space<hbm>>
    %dma_start3A_75 = tpu.memref_slice %arg7[%dma_start3A_64] : memref<8x!tpu.dma_semaphore, #tpu.memory_space<semaphore_mem>> -> memref<1x!tpu.dma_semaphore, #tpu.memory_space<semaphore_mem>>
    %dma_start3A_76 = tpu.memref_squeeze %dma_start3A_75 : memref<1x!tpu.dma_semaphore, #tpu.memory_space<semaphore_mem>> -> memref<!tpu.dma_semaphore, #tpu.memory_space<semaphore_mem>>
    tpu.enqueue_indirect_dma source(%dma_start3A_74 : memref<1000000x64xf32, #tpu.memory_space<hbm>>) target(%dma_start3A_68 : memref<50x64xf32, #tpu.memory_space<vmem>>) offsets(%dma_start3A_71 : memref<50xi32, #tpu.memory_space<vmem>>) semaphore(%dma_start3A_76 : memref<!tpu.dma_semaphore, #tpu.memory_space<semaphore_mem>>)
    %dma_start3A_77 = arith.constant 5 : i32
    %dma_start3A_78 = arith.constant 5 : i32
    %dma_start3A_79 = arith.constant 5 : i32
    %dma_start3A_80 = arith.constant 0 : i32
    %dma_start3A_81 = arith.constant 0 : i32
    %dma_start3A_82 = tpu.memref_slice %arg6[%dma_start3A_78, %dma_start3A_80, %dma_start3A_81] : memref<8x50x64xf32, #tpu.memory_space<vmem>> -> memref<1x50x64xf32, #tpu.memory_space<vmem>>
    %dma_start3A_83 = tpu.memref_squeeze %dma_start3A_82 : memref<1x50x64xf32, #tpu.memory_space<vmem>> -> memref<50x64xf32, #tpu.memory_space<vmem>>
    %dma_start3A_84 = arith.constant 0 : i32
    %dma_start3A_85 = tpu.memref_slice %arg5[%dma_start3A_77, %dma_start3A_84] : memref<128x50xi32, #tpu.memory_space<vmem>> -> memref<1x50xi32, #tpu.memory_space<vmem>>
    %dma_start3A_86 = tpu.memref_squeeze %dma_start3A_85 : memref<1x50xi32, #tpu.memory_space<vmem>> -> memref<50xi32, #tpu.memory_space<vmem>>
    %dma_start3A_87 = arith.constant 0 : i32
    %dma_start3A_88 = arith.constant 0 : i32
    %dma_start3A_89 = tpu.memref_slice %arg2[%dma_start3A_87, %dma_start3A_88] : memref<1000000x64xf32, #tpu.memory_space<hbm>> -> memref<1000000x64xf32, #tpu.memory_space<hbm>>
    %dma_start3A_90 = tpu.memref_slice %arg7[%dma_start3A_79] : memref<8x!tpu.dma_semaphore, #tpu.memory_space<semaphore_mem>> -> memref<1x!tpu.dma_semaphore, #tpu.memory_space<semaphore_mem>>
    %dma_start3A_91 = tpu.memref_squeeze %dma_start3A_90 : memref<1x!tpu.dma_semaphore, #tpu.memory_space<semaphore_mem>> -> memref<!tpu.dma_semaphore, #tpu.memory_space<semaphore_mem>>
    tpu.enqueue_indirect_dma source(%dma_start3A_89 : memref<1000000x64xf32, #tpu.memory_space<hbm>>) target(%dma_start3A_83 : memref<50x64xf32, #tpu.memory_space<vmem>>) offsets(%dma_start3A_86 : memref<50xi32, #tpu.memory_space<vmem>>) semaphore(%dma_start3A_91 : memref<!tpu.dma_semaphore, #tpu.memory_space<semaphore_mem>>)
    %dma_start3A_92 = arith.constant 6 : i32
    %dma_start3A_93 = arith.constant 6 : i32
    %dma_start3A_94 = arith.constant 6 : i32
    %dma_start3A_95 = arith.constant 0 : i32
    %dma_start3A_96 = arith.constant 0 : i32
    %dma_start3A_97 = tpu.memref_slice %arg6[%dma_start3A_93, %dma_start3A_95, %dma_start3A_96] : memref<8x50x64xf32, #tpu.memory_space<vmem>> -> memref<1x50x64xf32, #tpu.memory_space<vmem>>
    %dma_start3A_98 = tpu.memref_squeeze %dma_start3A_97 : memref<1x50x64xf32, #tpu.memory_space<vmem>> -> memref<50x64xf32, #tpu.memory_space<vmem>>
    %dma_start3A_99 = arith.constant 0 : i32
    %dma_start3A_100 = tpu.memref_slice %arg5[%dma_start3A_92, %dma_start3A_99] : memref<128x50xi32, #tpu.memory_space<vmem>> -> memref<1x50xi32, #tpu.memory_space<vmem>>
    %dma_start3A_101 = tpu.memref_squeeze %dma_start3A_100 : memref<1x50xi32, #tpu.memory_space<vmem>> -> memref<50xi32, #tpu.memory_space<vmem>>
    %dma_start3A_102 = arith.constant 0 : i32
    %dma_start3A_103 = arith.constant 0 : i32
    %dma_start3A_104 = tpu.memref_slice %arg2[%dma_start3A_102, %dma_start3A_103] : memref<1000000x64xf32, #tpu.memory_space<hbm>> -> memref<1000000x64xf32, #tpu.memory_space<hbm>>
    %dma_start3A_105 = tpu.memref_slice %arg7[%dma_start3A_94] : memref<8x!tpu.dma_semaphore, #tpu.memory_space<semaphore_mem>> -> memref<1x!tpu.dma_semaphore, #tpu.memory_space<semaphore_mem>>
    %dma_start3A_106 = tpu.memref_squeeze %dma_start3A_105 : memref<1x!tpu.dma_semaphore, #tpu.memory_space<semaphore_mem>> -> memref<!tpu.dma_semaphore, #tpu.memory_space<semaphore_mem>>
    tpu.enqueue_indirect_dma source(%dma_start3A_104 : memref<1000000x64xf32, #tpu.memory_space<hbm>>) target(%dma_start3A_98 : memref<50x64xf32, #tpu.memory_space<vmem>>) offsets(%dma_start3A_101 : memref<50xi32, #tpu.memory_space<vmem>>) semaphore(%dma_start3A_106 : memref<!tpu.dma_semaphore, #tpu.memory_space<semaphore_mem>>)
    %dma_start3A_107 = arith.constant 7 : i32
    %dma_start3A_108 = arith.constant 7 : i32
    %dma_start3A_109 = arith.constant 7 : i32
    %dma_start3A_110 = arith.constant 0 : i32
    %dma_start3A_111 = arith.constant 0 : i32
    %dma_start3A_112 = tpu.memref_slice %arg6[%dma_start3A_108, %dma_start3A_110, %dma_start3A_111] : memref<8x50x64xf32, #tpu.memory_space<vmem>> -> memref<1x50x64xf32, #tpu.memory_space<vmem>>
    %dma_start3A_113 = tpu.memref_squeeze %dma_start3A_112 : memref<1x50x64xf32, #tpu.memory_space<vmem>> -> memref<50x64xf32, #tpu.memory_space<vmem>>
    %dma_start3A_114 = arith.constant 0 : i32
    %dma_start3A_115 = tpu.memref_slice %arg5[%dma_start3A_107, %dma_start3A_114] : memref<128x50xi32, #tpu.memory_space<vmem>> -> memref<1x50xi32, #tpu.memory_space<vmem>>
    %dma_start3A_116 = tpu.memref_squeeze %dma_start3A_115 : memref<1x50xi32, #tpu.memory_space<vmem>> -> memref<50xi32, #tpu.memory_space<vmem>>
    %dma_start3A_117 = arith.constant 0 : i32
    %dma_start3A_118 = arith.constant 0 : i32
    %dma_start3A_119 = tpu.memref_slice %arg2[%dma_start3A_117, %dma_start3A_118] : memref<1000000x64xf32, #tpu.memory_space<hbm>> -> memref<1000000x64xf32, #tpu.memory_space<hbm>>
    %dma_start3A_120 = tpu.memref_slice %arg7[%dma_start3A_109] : memref<8x!tpu.dma_semaphore, #tpu.memory_space<semaphore_mem>> -> memref<1x!tpu.dma_semaphore, #tpu.memory_space<semaphore_mem>>
    %dma_start3A_121 = tpu.memref_squeeze %dma_start3A_120 : memref<1x!tpu.dma_semaphore, #tpu.memory_space<semaphore_mem>> -> memref<!tpu.dma_semaphore, #tpu.memory_space<semaphore_mem>>
    tpu.enqueue_indirect_dma source(%dma_start3A_119 : memref<1000000x64xf32, #tpu.memory_space<hbm>>) target(%dma_start3A_113 : memref<50x64xf32, #tpu.memory_space<vmem>>) offsets(%dma_start3A_116 : memref<50xi32, #tpu.memory_space<vmem>>) semaphore(%dma_start3A_121 : memref<!tpu.dma_semaphore, #tpu.memory_space<semaphore_mem>>)
    %scan3A = arith.constant 0 : i32
    %scan3A_122 = arith.constant 0 : i32
    %scan3A_123 = arith.constant 15 : i32
    %scan3A_124 = arith.addi %scan3A_122, %scan3A_123 : i32
    %scan3A_125 = arith.constant 1 : i32
    scf.for %scan3A_694 = %scan3A_122 to %scan3A_124 step %scan3A_125  : i32 {
      %mul3A_695 = arith.constant 8 : i32
      %mul3A_696 = arith.muli %scan3A_694, %mul3A_695 : i32
      %add3A_697 = arith.constant 0 : i32
      %add3A_698 = arith.addi %mul3A_696, %add3A_697 : i32
      %dma_wait3A_699 = arith.constant 0 : i32
      %dma_wait3A_700 = arith.constant 0 : i32
      %dma_wait3A_701 = arith.constant 0 : i32
      %dma_wait3A_702 = arith.constant 0 : i32
      %dma_wait3A_703 = tpu.memref_slice %arg6[%dma_wait3A_699, %dma_wait3A_701, %dma_wait3A_702] : memref<8x50x64xf32, #tpu.memory_space<vmem>> -> memref<1x50x64xf32, #tpu.memory_space<vmem>>
      %dma_wait3A_704 = tpu.memref_squeeze %dma_wait3A_703 : memref<1x50x64xf32, #tpu.memory_space<vmem>> -> memref<50x64xf32, #tpu.memory_space<vmem>>
      %dma_wait3A_705 = arith.constant 0 : i32
      %dma_wait3A_706 = tpu.memref_slice %arg5[%add3A_698, %dma_wait3A_705] : memref<128x50xi32, #tpu.memory_space<vmem>> -> memref<1x50xi32, #tpu.memory_space<vmem>>
      %dma_wait3A_707 = tpu.memref_squeeze %dma_wait3A_706 : memref<1x50xi32, #tpu.memory_space<vmem>> -> memref<50xi32, #tpu.memory_space<vmem>>
      %dma_wait3A_708 = arith.constant 0 : i32
      %dma_wait3A_709 = arith.constant 0 : i32
      %dma_wait3A_710 = tpu.memref_slice %arg2[%dma_wait3A_708, %dma_wait3A_709] : memref<1000000x64xf32, #tpu.memory_space<hbm>> -> memref<1000000x64xf32, #tpu.memory_space<hbm>>
      %dma_wait3A_711 = tpu.memref_slice %arg7[%dma_wait3A_700] : memref<8x!tpu.dma_semaphore, #tpu.memory_space<semaphore_mem>> -> memref<1x!tpu.dma_semaphore, #tpu.memory_space<semaphore_mem>>
      %dma_wait3A_712 = tpu.memref_squeeze %dma_wait3A_711 : memref<1x!tpu.dma_semaphore, #tpu.memory_space<semaphore_mem>> -> memref<!tpu.dma_semaphore, #tpu.memory_space<semaphore_mem>>
      tpu.wait_indirect_dma semaphore(%dma_wait3A_712 : memref<!tpu.dma_semaphore, #tpu.memory_space<semaphore_mem>>) src(%dma_wait3A_710 : memref<1000000x64xf32, #tpu.memory_space<hbm>>) dst(%dma_wait3A_704 : memref<50x64xf32, #tpu.memory_space<vmem>>)
      %add3A_713 = arith.addi %mul3A_2, %add3A_698 : i32
      %dma_start3A_714 = arith.constant 0 : i32
      %dma_start3A_715 = arith.constant 0 : i32
      %dma_start3A_716 = arith.constant 0 : i32
      %dma_start3A_717 = arith.constant 0 : i32
      %dma_start3A_718 = tpu.memref_slice %arg6[%dma_start3A_714, %dma_start3A_716, %dma_start3A_717] : memref<8x50x64xf32, #tpu.memory_space<vmem>> -> memref<1x50x64xf32, #tpu.memory_space<vmem>>
      %dma_start3A_719 = tpu.memref_squeeze %dma_start3A_718 : memref<1x50x64xf32, #tpu.memory_space<vmem>> -> memref<50x64xf32, #tpu.memory_space<vmem>>
      %dma_start3A_720 = arith.constant 0 : i32
      %dma_start3A_721 = arith.constant 0 : i32
      %dma_start3A_722 = tpu.memref_slice %arg4[%add3A_713, %dma_start3A_720, %dma_start3A_721] : memref<4096x56x128xf32, #tpu.memory_space<hbm>> -> memref<1x56x128xf32, #tpu.memory_space<hbm>>
      %dma_start3A_723 = tpu.memref_squeeze %dma_start3A_722 : memref<1x56x128xf32, #tpu.memory_space<hbm>> -> memref<56x128xf32, #tpu.memory_space<hbm>>
      %dma_start3A_724 = arith.constant 0 : i32
      %dma_start3A_725 = arith.constant 0 : i32
      %dma_start3A_726 = tpu.memref_slice %dma_start3A_723[%dma_start3A_724, %dma_start3A_725] : memref<56x128xf32, #tpu.memory_space<hbm>> -> memref<50x64xf32, #tpu.memory_space<hbm>>
      %dma_start3A_727 = tpu.memref_slice %arg8[%dma_start3A_715] : memref<8x!tpu.dma_semaphore, #tpu.memory_space<semaphore_mem>> -> memref<1x!tpu.dma_semaphore, #tpu.memory_space<semaphore_mem>>
      %dma_start3A_728 = tpu.memref_squeeze %dma_start3A_727 : memref<1x!tpu.dma_semaphore, #tpu.memory_space<semaphore_mem>> -> memref<!tpu.dma_semaphore, #tpu.memory_space<semaphore_mem>>
      %dma_start3A_729 = arith.constant 0 : i32
      %dma_start3A_730 = arith.constant 0 : i32
      %dma_start3A_731 = tpu.memref_slice %arg4[%add3A_713, %dma_start3A_729, %dma_start3A_730] : memref<4096x56x128xf32, #tpu.memory_space<hbm>> -> memref<1x56x128xf32, #tpu.memory_space<hbm>>
      %dma_start3A_732 = tpu.memref_squeeze %dma_start3A_731 : memref<1x56x128xf32, #tpu.memory_space<hbm>> -> memref<56x128xf32, #tpu.memory_space<hbm>>
      %dma_start3A_733 = arith.constant 0 : i32
      %dma_start3A_734 = arith.constant 0 : i32
      %dma_start3A_735 = tpu.memref_slice %dma_start3A_732[%dma_start3A_733, %dma_start3A_734] : memref<56x128xf32, #tpu.memory_space<hbm>> -> memref<50x64xf32, #tpu.memory_space<hbm>>
      %dma_start3A_736 = arith.constant 0 : i32
      %dma_start3A_737 = arith.constant 0 : i32
      %dma_start3A_738 = tpu.memref_slice %arg6[%dma_start3A_714, %dma_start3A_736, %dma_start3A_737] : memref<8x50x64xf32, #tpu.memory_space<vmem>> -> memref<1x50x64xf32, #tpu.memory_space<vmem>>
      %dma_start3A_739 = tpu.memref_squeeze %dma_start3A_738 : memref<1x50x64xf32, #tpu.memory_space<vmem>> -> memref<50x64xf32, #tpu.memory_space<vmem>>
      tpu.enqueue_dma source(%dma_start3A_739 : memref<50x64xf32, #tpu.memory_space<vmem>>) target(%dma_start3A_735 : memref<50x64xf32, #tpu.memory_space<hbm>>) target_semaphore(%dma_start3A_728 : memref<!tpu.dma_semaphore, #tpu.memory_space<semaphore_mem>>)
      %dma_wait3A_740 = arith.constant 0 : i32
      %dma_wait3A_741 = arith.constant 0 : i32
      %dma_wait3A_742 = arith.constant 0 : i32
      %dma_wait3A_743 = arith.constant 0 : i32
      %dma_wait3A_744 = tpu.memref_slice %arg6[%dma_wait3A_740, %dma_wait3A_742, %dma_wait3A_743] : memref<8x50x64xf32, #tpu.memory_space<vmem>> -> memref<1x50x64xf32, #tpu.memory_space<vmem>>
      %dma_wait3A_745 = tpu.memref_squeeze %dma_wait3A_744 : memref<1x50x64xf32, #tpu.memory_space<vmem>> -> memref<50x64xf32, #tpu.memory_space<vmem>>
      %dma_wait3A_746 = arith.constant 0 : i32
      %dma_wait3A_747 = arith.constant 0 : i32
      %dma_wait3A_748 = tpu.memref_slice %arg4[%add3A_713, %dma_wait3A_746, %dma_wait3A_747] : memref<4096x56x128xf32, #tpu.memory_space<hbm>> -> memref<1x56x128xf32, #tpu.memory_space<hbm>>
      %dma_wait3A_749 = tpu.memref_squeeze %dma_wait3A_748 : memref<1x56x128xf32, #tpu.memory_space<hbm>> -> memref<56x128xf32, #tpu.memory_space<hbm>>
      %dma_wait3A_750 = arith.constant 0 : i32
      %dma_wait3A_751 = arith.constant 0 : i32
      %dma_wait3A_752 = tpu.memref_slice %dma_wait3A_749[%dma_wait3A_750, %dma_wait3A_751] : memref<56x128xf32, #tpu.memory_space<hbm>> -> memref<50x64xf32, #tpu.memory_space<hbm>>
      %dma_wait3A_753 = tpu.memref_slice %arg8[%dma_wait3A_741] : memref<8x!tpu.dma_semaphore, #tpu.memory_space<semaphore_mem>> -> memref<1x!tpu.dma_semaphore, #tpu.memory_space<semaphore_mem>>
      %dma_wait3A_754 = tpu.memref_squeeze %dma_wait3A_753 : memref<1x!tpu.dma_semaphore, #tpu.memory_space<semaphore_mem>> -> memref<!tpu.dma_semaphore, #tpu.memory_space<semaphore_mem>>
      %dma_wait3A_755 = arith.constant 0 : i32
      %dma_wait3A_756 = arith.constant 0 : i32
      %dma_wait3A_757 = tpu.memref_slice %arg4[%add3A_713, %dma_wait3A_755, %dma_wait3A_756] : memref<4096x56x128xf32, #tpu.memory_space<hbm>> -> memref<1x56x128xf32, #tpu.memory_space<hbm>>
      %dma_wait3A_758 = tpu.memref_squeeze %dma_wait3A_757 : memref<1x56x128xf32, #tpu.memory_space<hbm>> -> memref<56x128xf32, #tpu.memory_space<hbm>>
      %dma_wait3A_759 = arith.constant 0 : i32
      %dma_wait3A_760 = arith.constant 0 : i32
      %dma_wait3A_761 = tpu.memref_slice %dma_wait3A_758[%dma_wait3A_759, %dma_wait3A_760] : memref<56x128xf32, #tpu.memory_space<hbm>> -> memref<50x64xf32, #tpu.memory_space<hbm>>
      %dma_wait3A_762 = arith.constant 0 : i32
      %dma_wait3A_763 = arith.constant 0 : i32
      %dma_wait3A_764 = tpu.memref_slice %arg6[%dma_wait3A_740, %dma_wait3A_762, %dma_wait3A_763] : memref<8x50x64xf32, #tpu.memory_space<vmem>> -> memref<1x50x64xf32, #tpu.memory_space<vmem>>
      %dma_wait3A_765 = tpu.memref_squeeze %dma_wait3A_764 : memref<1x50x64xf32, #tpu.memory_space<vmem>> -> memref<50x64xf32, #tpu.memory_space<vmem>>
      tpu.wait_dma2 semaphore(%dma_wait3A_754 : memref<!tpu.dma_semaphore, #tpu.memory_space<semaphore_mem>>) src(%dma_wait3A_765 : memref<50x64xf32, #tpu.memory_space<vmem>>) dst(%dma_wait3A_761 : memref<50x64xf32, #tpu.memory_space<hbm>>)
      %add3A_766 = arith.constant 8 : i32
      %add3A_767 = arith.addi %add3A_698, %add3A_766 : i32
      %dma_start3A_768 = arith.constant 0 : i32
      %dma_start3A_769 = arith.constant 0 : i32
      %dma_start3A_770 = arith.constant 0 : i32
      %dma_start3A_771 = arith.constant 0 : i32
      %dma_start3A_772 = tpu.memref_slice %arg6[%dma_start3A_768, %dma_start3A_770, %dma_start3A_771] : memref<8x50x64xf32, #tpu.memory_space<vmem>> -> memref<1x50x64xf32, #tpu.memory_space<vmem>>
      %dma_start3A_773 = tpu.memref_squeeze %dma_start3A_772 : memref<1x50x64xf32, #tpu.memory_space<vmem>> -> memref<50x64xf32, #tpu.memory_space<vmem>>
      %dma_start3A_774 = arith.constant 0 : i32
      %dma_start3A_775 = tpu.memref_slice %arg5[%add3A_767, %dma_start3A_774] : memref<128x50xi32, #tpu.memory_space<vmem>> -> memref<1x50xi32, #tpu.memory_space<vmem>>
      %dma_start3A_776 = tpu.memref_squeeze %dma_start3A_775 : memref<1x50xi32, #tpu.memory_space<vmem>> -> memref<50xi32, #tpu.memory_space<vmem>>
      %dma_start3A_777 = arith.constant 0 : i32
      %dma_start3A_778 = arith.constant 0 : i32
      %dma_start3A_779 = tpu.memref_slice %arg2[%dma_start3A_777, %dma_start3A_778] : memref<1000000x64xf32, #tpu.memory_space<hbm>> -> memref<1000000x64xf32, #tpu.memory_space<hbm>>
      %dma_start3A_780 = tpu.memref_slice %arg7[%dma_start3A_769] : memref<8x!tpu.dma_semaphore, #tpu.memory_space<semaphore_mem>> -> memref<1x!tpu.dma_semaphore, #tpu.memory_space<semaphore_mem>>
      %dma_start3A_781 = tpu.memref_squeeze %dma_start3A_780 : memref<1x!tpu.dma_semaphore, #tpu.memory_space<semaphore_mem>> -> memref<!tpu.dma_semaphore, #tpu.memory_space<semaphore_mem>>
      tpu.enqueue_indirect_dma source(%dma_start3A_779 : memref<1000000x64xf32, #tpu.memory_space<hbm>>) target(%dma_start3A_773 : memref<50x64xf32, #tpu.memory_space<vmem>>) offsets(%dma_start3A_776 : memref<50xi32, #tpu.memory_space<vmem>>) semaphore(%dma_start3A_781 : memref<!tpu.dma_semaphore, #tpu.memory_space<semaphore_mem>>)
      %add3A_782 = arith.constant 1 : i32
      %add3A_783 = arith.addi %mul3A_696, %add3A_782 : i32
      %dma_wait3A_784 = arith.constant 1 : i32
      %dma_wait3A_785 = arith.constant 1 : i32
      %dma_wait3A_786 = arith.constant 0 : i32
      %dma_wait3A_787 = arith.constant 0 : i32
      %dma_wait3A_788 = tpu.memref_slice %arg6[%dma_wait3A_784, %dma_wait3A_786, %dma_wait3A_787] : memref<8x50x64xf32, #tpu.memory_space<vmem>> -> memref<1x50x64xf32, #tpu.memory_space<vmem>>
      %dma_wait3A_789 = tpu.memref_squeeze %dma_wait3A_788 : memref<1x50x64xf32, #tpu.memory_space<vmem>> -> memref<50x64xf32, #tpu.memory_space<vmem>>
      %dma_wait3A_790 = arith.constant 0 : i32
      %dma_wait3A_791 = tpu.memref_slice %arg5[%add3A_783, %dma_wait3A_790] : memref<128x50xi32, #tpu.memory_space<vmem>> -> memref<1x50xi32, #tpu.memory_space<vmem>>
      %dma_wait3A_792 = tpu.memref_squeeze %dma_wait3A_791 : memref<1x50xi32, #tpu.memory_space<vmem>> -> memref<50xi32, #tpu.memory_space<vmem>>
      %dma_wait3A_793 = arith.constant 0 : i32
      %dma_wait3A_794 = arith.constant 0 : i32
      %dma_wait3A_795 = tpu.memref_slice %arg2[%dma_wait3A_793, %dma_wait3A_794] : memref<1000000x64xf32, #tpu.memory_space<hbm>> -> memref<1000000x64xf32, #tpu.memory_space<hbm>>
      %dma_wait3A_796 = tpu.memref_slice %arg7[%dma_wait3A_785] : memref<8x!tpu.dma_semaphore, #tpu.memory_space<semaphore_mem>> -> memref<1x!tpu.dma_semaphore, #tpu.memory_space<semaphore_mem>>
      %dma_wait3A_797 = tpu.memref_squeeze %dma_wait3A_796 : memref<1x!tpu.dma_semaphore, #tpu.memory_space<semaphore_mem>> -> memref<!tpu.dma_semaphore, #tpu.memory_space<semaphore_mem>>
      tpu.wait_indirect_dma semaphore(%dma_wait3A_797 : memref<!tpu.dma_semaphore, #tpu.memory_space<semaphore_mem>>) src(%dma_wait3A_795 : memref<1000000x64xf32, #tpu.memory_space<hbm>>) dst(%dma_wait3A_789 : memref<50x64xf32, #tpu.memory_space<vmem>>)
      %add3A_798 = arith.addi %mul3A_2, %add3A_783 : i32
      %dma_start3A_799 = arith.constant 1 : i32
      %dma_start3A_800 = arith.constant 1 : i32
      %dma_start3A_801 = arith.constant 0 : i32
      %dma_start3A_802 = arith.constant 0 : i32
      %dma_start3A_803 = tpu.memref_slice %arg6[%dma_start3A_799, %dma_start3A_801, %dma_start3A_802] : memref<8x50x64xf32, #tpu.memory_space<vmem>> -> memref<1x50x64xf32, #tpu.memory_space<vmem>>
      %dma_start3A_804 = tpu.memref_squeeze %dma_start3A_803 : memref<1x50x64xf32, #tpu.memory_space<vmem>> -> memref<50x64xf32, #tpu.memory_space<vmem>>
      %dma_start3A_805 = arith.constant 0 : i32
      %dma_start3A_806 = arith.constant 0 : i32
      %dma_start3A_807 = tpu.memref_slice %arg4[%add3A_798, %dma_start3A_805, %dma_start3A_806] : memref<4096x56x128xf32, #tpu.memory_space<hbm>> -> memref<1x56x128xf32, #tpu.memory_space<hbm>>
      %dma_start3A_808 = tpu.memref_squeeze %dma_start3A_807 : memref<1x56x128xf32, #tpu.memory_space<hbm>> -> memref<56x128xf32, #tpu.memory_space<hbm>>
      %dma_start3A_809 = arith.constant 0 : i32
      %dma_start3A_810 = arith.constant 0 : i32
      %dma_start3A_811 = tpu.memref_slice %dma_start3A_808[%dma_start3A_809, %dma_start3A_810] : memref<56x128xf32, #tpu.memory_space<hbm>> -> memref<50x64xf32, #tpu.memory_space<hbm>>
      %dma_start3A_812 = tpu.memref_slice %arg8[%dma_start3A_800] : memref<8x!tpu.dma_semaphore, #tpu.memory_space<semaphore_mem>> -> memref<1x!tpu.dma_semaphore, #tpu.memory_space<semaphore_mem>>
      %dma_start3A_813 = tpu.memref_squeeze %dma_start3A_812 : memref<1x!tpu.dma_semaphore, #tpu.memory_space<semaphore_mem>> -> memref<!tpu.dma_semaphore, #tpu.memory_space<semaphore_mem>>
      %dma_start3A_814 = arith.constant 0 : i32
      %dma_start3A_815 = arith.constant 0 : i32
      %dma_start3A_816 = tpu.memref_slice %arg4[%add3A_798, %dma_start3A_814, %dma_start3A_815] : memref<4096x56x128xf32, #tpu.memory_space<hbm>> -> memref<1x56x128xf32, #tpu.memory_space<hbm>>
      %dma_start3A_817 = tpu.memref_squeeze %dma_start3A_816 : memref<1x56x128xf32, #tpu.memory_space<hbm>> -> memref<56x128xf32, #tpu.memory_space<hbm>>
      %dma_start3A_818 = arith.constant 0 : i32
      %dma_start3A_819 = arith.constant 0 : i32
      %dma_start3A_820 = tpu.memref_slice %dma_start3A_817[%dma_start3A_818, %dma_start3A_819] : memref<56x128xf32, #tpu.memory_space<hbm>> -> memref<50x64xf32, #tpu.memory_space<hbm>>
      %dma_start3A_821 = arith.constant 0 : i32
      %dma_start3A_822 = arith.constant 0 : i32
      %dma_start3A_823 = tpu.memref_slice %arg6[%dma_start3A_799, %dma_start3A_821, %dma_start3A_822] : memref<8x50x64xf32, #tpu.memory_space<vmem>> -> memref<1x50x64xf32, #tpu.memory_space<vmem>>
      %dma_start3A_824 = tpu.memref_squeeze %dma_start3A_823 : memref<1x50x64xf32, #tpu.memory_space<vmem>> -> memref<50x64xf32, #tpu.memory_space<vmem>>
      tpu.enqueue_dma source(%dma_start3A_824 : memref<50x64xf32, #tpu.memory_space<vmem>>) target(%dma_start3A_820 : memref<50x64xf32, #tpu.memory_space<hbm>>) target_semaphore(%dma_start3A_813 : memref<!tpu.dma_semaphore, #tpu.memory_space<semaphore_mem>>)
      %dma_wait3A_825 = arith.constant 1 : i32
      %dma_wait3A_826 = arith.constant 1 : i32
      %dma_wait3A_827 = arith.constant 0 : i32
      %dma_wait3A_828 = arith.constant 0 : i32
      %dma_wait3A_829 = tpu.memref_slice %arg6[%dma_wait3A_825, %dma_wait3A_827, %dma_wait3A_828] : memref<8x50x64xf32, #tpu.memory_space<vmem>> -> memref<1x50x64xf32, #tpu.memory_space<vmem>>
      %dma_wait3A_830 = tpu.memref_squeeze %dma_wait3A_829 : memref<1x50x64xf32, #tpu.memory_space<vmem>> -> memref<50x64xf32, #tpu.memory_space<vmem>>
      %dma_wait3A_831 = arith.constant 0 : i32
      %dma_wait3A_832 = arith.constant 0 : i32
      %dma_wait3A_833 = tpu.memref_slice %arg4[%add3A_798, %dma_wait3A_831, %dma_wait3A_832] : memref<4096x56x128xf32, #tpu.memory_space<hbm>> -> memref<1x56x128xf32, #tpu.memory_space<hbm>>
      %dma_wait3A_834 = tpu.memref_squeeze %dma_wait3A_833 : memref<1x56x128xf32, #tpu.memory_space<hbm>> -> memref<56x128xf32, #tpu.memory_space<hbm>>
      %dma_wait3A_835 = arith.constant 0 : i32
      %dma_wait3A_836 = arith.constant 0 : i32
      %dma_wait3A_837 = tpu.memref_slice %dma_wait3A_834[%dma_wait3A_835, %dma_wait3A_836] : memref<56x128xf32, #tpu.memory_space<hbm>> -> memref<50x64xf32, #tpu.memory_space<hbm>>
      %dma_wait3A_838 = tpu.memref_slice %arg8[%dma_wait3A_826] : memref<8x!tpu.dma_semaphore, #tpu.memory_space<semaphore_mem>> -> memref<1x!tpu.dma_semaphore, #tpu.memory_space<semaphore_mem>>
      %dma_wait3A_839 = tpu.memref_squeeze %dma_wait3A_838 : memref<1x!tpu.dma_semaphore, #tpu.memory_space<semaphore_mem>> -> memref<!tpu.dma_semaphore, #tpu.memory_space<semaphore_mem>>
      %dma_wait3A_840 = arith.constant 0 : i32
      %dma_wait3A_841 = arith.constant 0 : i32
      %dma_wait3A_842 = tpu.memref_slice %arg4[%add3A_798, %dma_wait3A_840, %dma_wait3A_841] : memref<4096x56x128xf32, #tpu.memory_space<hbm>> -> memref<1x56x128xf32, #tpu.memory_space<hbm>>
      %dma_wait3A_843 = tpu.memref_squeeze %dma_wait3A_842 : memref<1x56x128xf32, #tpu.memory_space<hbm>> -> memref<56x128xf32, #tpu.memory_space<hbm>>
      %dma_wait3A_844 = arith.constant 0 : i32
      %dma_wait3A_845 = arith.constant 0 : i32
      %dma_wait3A_846 = tpu.memref_slice %dma_wait3A_843[%dma_wait3A_844, %dma_wait3A_845] : memref<56x128xf32, #tpu.memory_space<hbm>> -> memref<50x64xf32, #tpu.memory_space<hbm>>
      %dma_wait3A_847 = arith.constant 0 : i32
      %dma_wait3A_848 = arith.constant 0 : i32
      %dma_wait3A_849 = tpu.memref_slice %arg6[%dma_wait3A_825, %dma_wait3A_847, %dma_wait3A_848] : memref<8x50x64xf32, #tpu.memory_space<vmem>> -> memref<1x50x64xf32, #tpu.memory_space<vmem>>
      %dma_wait3A_850 = tpu.memref_squeeze %dma_wait3A_849 : memref<1x50x64xf32, #tpu.memory_space<vmem>> -> memref<50x64xf32, #tpu.memory_space<vmem>>
      tpu.wait_dma2 semaphore(%dma_wait3A_839 : memref<!tpu.dma_semaphore, #tpu.memory_space<semaphore_mem>>) src(%dma_wait3A_850 : memref<50x64xf32, #tpu.memory_space<vmem>>) dst(%dma_wait3A_846 : memref<50x64xf32, #tpu.memory_space<hbm>>)
      %add3A_851 = arith.constant 8 : i32
      %add3A_852 = arith.addi %add3A_783, %add3A_851 : i32
      %dma_start3A_853 = arith.constant 1 : i32
      %dma_start3A_854 = arith.constant 1 : i32
      %dma_start3A_855 = arith.constant 0 : i32
      %dma_start3A_856 = arith.constant 0 : i32
      %dma_start3A_857 = tpu.memref_slice %arg6[%dma_start3A_853, %dma_start3A_855, %dma_start3A_856] : memref<8x50x64xf32, #tpu.memory_space<vmem>> -> memref<1x50x64xf32, #tpu.memory_space<vmem>>
      %dma_start3A_858 = tpu.memref_squeeze %dma_start3A_857 : memref<1x50x64xf32, #tpu.memory_space<vmem>> -> memref<50x64xf32, #tpu.memory_space<vmem>>
      %dma_start3A_859 = arith.constant 0 : i32
      %dma_start3A_860 = tpu.memref_slice %arg5[%add3A_852, %dma_start3A_859] : memref<128x50xi32, #tpu.memory_space<vmem>> -> memref<1x50xi32, #tpu.memory_space<vmem>>
      %dma_start3A_861 = tpu.memref_squeeze %dma_start3A_860 : memref<1x50xi32, #tpu.memory_space<vmem>> -> memref<50xi32, #tpu.memory_space<vmem>>
      %dma_start3A_862 = arith.constant 0 : i32
      %dma_start3A_863 = arith.constant 0 : i32
      %dma_start3A_864 = tpu.memref_slice %arg2[%dma_start3A_862, %dma_start3A_863] : memref<1000000x64xf32, #tpu.memory_space<hbm>> -> memref<1000000x64xf32, #tpu.memory_space<hbm>>
      %dma_start3A_865 = tpu.memref_slice %arg7[%dma_start3A_854] : memref<8x!tpu.dma_semaphore, #tpu.memory_space<semaphore_mem>> -> memref<1x!tpu.dma_semaphore, #tpu.memory_space<semaphore_mem>>
      %dma_start3A_866 = tpu.memref_squeeze %dma_start3A_865 : memref<1x!tpu.dma_semaphore, #tpu.memory_space<semaphore_mem>> -> memref<!tpu.dma_semaphore, #tpu.memory_space<semaphore_mem>>
      tpu.enqueue_indirect_dma source(%dma_start3A_864 : memref<1000000x64xf32, #tpu.memory_space<hbm>>) target(%dma_start3A_858 : memref<50x64xf32, #tpu.memory_space<vmem>>) offsets(%dma_start3A_861 : memref<50xi32, #tpu.memory_space<vmem>>) semaphore(%dma_start3A_866 : memref<!tpu.dma_semaphore, #tpu.memory_space<semaphore_mem>>)
      %add3A_867 = arith.constant 2 : i32
      %add3A_868 = arith.addi %mul3A_696, %add3A_867 : i32
      %dma_wait3A_869 = arith.constant 2 : i32
      %dma_wait3A_870 = arith.constant 2 : i32
      %dma_wait3A_871 = arith.constant 0 : i32
      %dma_wait3A_872 = arith.constant 0 : i32
      %dma_wait3A_873 = tpu.memref_slice %arg6[%dma_wait3A_869, %dma_wait3A_871, %dma_wait3A_872] : memref<8x50x64xf32, #tpu.memory_space<vmem>> -> memref<1x50x64xf32, #tpu.memory_space<vmem>>
      %dma_wait3A_874 = tpu.memref_squeeze %dma_wait3A_873 : memref<1x50x64xf32, #tpu.memory_space<vmem>> -> memref<50x64xf32, #tpu.memory_space<vmem>>
      %dma_wait3A_875 = arith.constant 0 : i32
      %dma_wait3A_876 = tpu.memref_slice %arg5[%add3A_868, %dma_wait3A_875] : memref<128x50xi32, #tpu.memory_space<vmem>> -> memref<1x50xi32, #tpu.memory_space<vmem>>
      %dma_wait3A_877 = tpu.memref_squeeze %dma_wait3A_876 : memref<1x50xi32, #tpu.memory_space<vmem>> -> memref<50xi32, #tpu.memory_space<vmem>>
      %dma_wait3A_878 = arith.constant 0 : i32
      %dma_wait3A_879 = arith.constant 0 : i32
      %dma_wait3A_880 = tpu.memref_slice %arg2[%dma_wait3A_878, %dma_wait3A_879] : memref<1000000x64xf32, #tpu.memory_space<hbm>> -> memref<1000000x64xf32, #tpu.memory_space<hbm>>
      %dma_wait3A_881 = tpu.memref_slice %arg7[%dma_wait3A_870] : memref<8x!tpu.dma_semaphore, #tpu.memory_space<semaphore_mem>> -> memref<1x!tpu.dma_semaphore, #tpu.memory_space<semaphore_mem>>
      %dma_wait3A_882 = tpu.memref_squeeze %dma_wait3A_881 : memref<1x!tpu.dma_semaphore, #tpu.memory_space<semaphore_mem>> -> memref<!tpu.dma_semaphore, #tpu.memory_space<semaphore_mem>>
      tpu.wait_indirect_dma semaphore(%dma_wait3A_882 : memref<!tpu.dma_semaphore, #tpu.memory_space<semaphore_mem>>) src(%dma_wait3A_880 : memref<1000000x64xf32, #tpu.memory_space<hbm>>) dst(%dma_wait3A_874 : memref<50x64xf32, #tpu.memory_space<vmem>>)
      %add3A_883 = arith.addi %mul3A_2, %add3A_868 : i32
      %dma_start3A_884 = arith.constant 2 : i32
      %dma_start3A_885 = arith.constant 2 : i32
      %dma_start3A_886 = arith.constant 0 : i32
      %dma_start3A_887 = arith.constant 0 : i32
      %dma_start3A_888 = tpu.memref_slice %arg6[%dma_start3A_884, %dma_start3A_886, %dma_start3A_887] : memref<8x50x64xf32, #tpu.memory_space<vmem>> -> memref<1x50x64xf32, #tpu.memory_space<vmem>>
      %dma_start3A_889 = tpu.memref_squeeze %dma_start3A_888 : memref<1x50x64xf32, #tpu.memory_space<vmem>> -> memref<50x64xf32, #tpu.memory_space<vmem>>
      %dma_start3A_890 = arith.constant 0 : i32
      %dma_start3A_891 = arith.constant 0 : i32
      %dma_start3A_892 = tpu.memref_slice %arg4[%add3A_883, %dma_start3A_890, %dma_start3A_891] : memref<4096x56x128xf32, #tpu.memory_space<hbm>> -> memref<1x56x128xf32, #tpu.memory_space<hbm>>
      %dma_start3A_893 = tpu.memref_squeeze %dma_start3A_892 : memref<1x56x128xf32, #tpu.memory_space<hbm>> -> memref<56x128xf32, #tpu.memory_space<hbm>>
      %dma_start3A_894 = arith.constant 0 : i32
      %dma_start3A_895 = arith.constant 0 : i32
      %dma_start3A_896 = tpu.memref_slice %dma_start3A_893[%dma_start3A_894, %dma_start3A_895] : memref<56x128xf32, #tpu.memory_space<hbm>> -> memref<50x64xf32, #tpu.memory_space<hbm>>
      %dma_start3A_897 = tpu.memref_slice %arg8[%dma_start3A_885] : memref<8x!tpu.dma_semaphore, #tpu.memory_space<semaphore_mem>> -> memref<1x!tpu.dma_semaphore, #tpu.memory_space<semaphore_mem>>
      %dma_start3A_898 = tpu.memref_squeeze %dma_start3A_897 : memref<1x!tpu.dma_semaphore, #tpu.memory_space<semaphore_mem>> -> memref<!tpu.dma_semaphore, #tpu.memory_space<semaphore_mem>>
      %dma_start3A_899 = arith.constant 0 : i32
      %dma_start3A_900 = arith.constant 0 : i32
      %dma_start3A_901 = tpu.memref_slice %arg4[%add3A_883, %dma_start3A_899, %dma_start3A_900] : memref<4096x56x128xf32, #tpu.memory_space<hbm>> -> memref<1x56x128xf32, #tpu.memory_space<hbm>>
      %dma_start3A_902 = tpu.memref_squeeze %dma_start3A_901 : memref<1x56x128xf32, #tpu.memory_space<hbm>> -> memref<56x128xf32, #tpu.memory_space<hbm>>
      %dma_start3A_903 = arith.constant 0 : i32
      %dma_start3A_904 = arith.constant 0 : i32
      %dma_start3A_905 = tpu.memref_slice %dma_start3A_902[%dma_start3A_903, %dma_start3A_904] : memref<56x128xf32, #tpu.memory_space<hbm>> -> memref<50x64xf32, #tpu.memory_space<hbm>>
      %dma_start3A_906 = arith.constant 0 : i32
      %dma_start3A_907 = arith.constant 0 : i32
      %dma_start3A_908 = tpu.memref_slice %arg6[%dma_start3A_884, %dma_start3A_906, %dma_start3A_907] : memref<8x50x64xf32, #tpu.memory_space<vmem>> -> memref<1x50x64xf32, #tpu.memory_space<vmem>>
      %dma_start3A_909 = tpu.memref_squeeze %dma_start3A_908 : memref<1x50x64xf32, #tpu.memory_space<vmem>> -> memref<50x64xf32, #tpu.memory_space<vmem>>
      tpu.enqueue_dma source(%dma_start3A_909 : memref<50x64xf32, #tpu.memory_space<vmem>>) target(%dma_start3A_905 : memref<50x64xf32, #tpu.memory_space<hbm>>) target_semaphore(%dma_start3A_898 : memref<!tpu.dma_semaphore, #tpu.memory_space<semaphore_mem>>)
      %dma_wait3A_910 = arith.constant 2 : i32
      %dma_wait3A_911 = arith.constant 2 : i32
      %dma_wait3A_912 = arith.constant 0 : i32
      %dma_wait3A_913 = arith.constant 0 : i32
      %dma_wait3A_914 = tpu.memref_slice %arg6[%dma_wait3A_910, %dma_wait3A_912, %dma_wait3A_913] : memref<8x50x64xf32, #tpu.memory_space<vmem>> -> memref<1x50x64xf32, #tpu.memory_space<vmem>>
      %dma_wait3A_915 = tpu.memref_squeeze %dma_wait3A_914 : memref<1x50x64xf32, #tpu.memory_space<vmem>> -> memref<50x64xf32, #tpu.memory_space<vmem>>
      %dma_wait3A_916 = arith.constant 0 : i32
      %dma_wait3A_917 = arith.constant 0 : i32
      %dma_wait3A_918 = tpu.memref_slice %arg4[%add3A_883, %dma_wait3A_916, %dma_wait3A_917] : memref<4096x56x128xf32, #tpu.memory_space<hbm>> -> memref<1x56x128xf32, #tpu.memory_space<hbm>>
      %dma_wait3A_919 = tpu.memref_squeeze %dma_wait3A_918 : memref<1x56x128xf32, #tpu.memory_space<hbm>> -> memref<56x128xf32, #tpu.memory_space<hbm>>
      %dma_wait3A_920 = arith.constant 0 : i32
      %dma_wait3A_921 = arith.constant 0 : i32
      %dma_wait3A_922 = tpu.memref_slice %dma_wait3A_919[%dma_wait3A_920, %dma_wait3A_921] : memref<56x128xf32, #tpu.memory_space<hbm>> -> memref<50x64xf32, #tpu.memory_space<hbm>>
      %dma_wait3A_923 = tpu.memref_slice %arg8[%dma_wait3A_911] : memref<8x!tpu.dma_semaphore, #tpu.memory_space<semaphore_mem>> -> memref<1x!tpu.dma_semaphore, #tpu.memory_space<semaphore_mem>>
      %dma_wait3A_924 = tpu.memref_squeeze %dma_wait3A_923 : memref<1x!tpu.dma_semaphore, #tpu.memory_space<semaphore_mem>> -> memref<!tpu.dma_semaphore, #tpu.memory_space<semaphore_mem>>
      %dma_wait3A_925 = arith.constant 0 : i32
      %dma_wait3A_926 = arith.constant 0 : i32
      %dma_wait3A_927 = tpu.memref_slice %arg4[%add3A_883, %dma_wait3A_925, %dma_wait3A_926] : memref<4096x56x128xf32, #tpu.memory_space<hbm>> -> memref<1x56x128xf32, #tpu.memory_space<hbm>>
      %dma_wait3A_928 = tpu.memref_squeeze %dma_wait3A_927 : memref<1x56x128xf32, #tpu.memory_space<hbm>> -> memref<56x128xf32, #tpu.memory_space<hbm>>
      %dma_wait3A_929 = arith.constant 0 : i32
      %dma_wait3A_930 = arith.constant 0 : i32
      %dma_wait3A_931 = tpu.memref_slice %dma_wait3A_928[%dma_wait3A_929, %dma_wait3A_930] : memref<56x128xf32, #tpu.memory_space<hbm>> -> memref<50x64xf32, #tpu.memory_space<hbm>>
      %dma_wait3A_932 = arith.constant 0 : i32
      %dma_wait3A_933 = arith.constant 0 : i32
      %dma_wait3A_934 = tpu.memref_slice %arg6[%dma_wait3A_910, %dma_wait3A_932, %dma_wait3A_933] : memref<8x50x64xf32, #tpu.memory_space<vmem>> -> memref<1x50x64xf32, #tpu.memory_space<vmem>>
      %dma_wait3A_935 = tpu.memref_squeeze %dma_wait3A_934 : memref<1x50x64xf32, #tpu.memory_space<vmem>> -> memref<50x64xf32, #tpu.memory_space<vmem>>
      tpu.wait_dma2 semaphore(%dma_wait3A_924 : memref<!tpu.dma_semaphore, #tpu.memory_space<semaphore_mem>>) src(%dma_wait3A_935 : memref<50x64xf32, #tpu.memory_space<vmem>>) dst(%dma_wait3A_931 : memref<50x64xf32, #tpu.memory_space<hbm>>)
      %add3A_936 = arith.constant 8 : i32
      %add3A_937 = arith.addi %add3A_868, %add3A_936 : i32
      %dma_start3A_938 = arith.constant 2 : i32
      %dma_start3A_939 = arith.constant 2 : i32
      %dma_start3A_940 = arith.constant 0 : i32
      %dma_start3A_941 = arith.constant 0 : i32
      %dma_start3A_942 = tpu.memref_slice %arg6[%dma_start3A_938, %dma_start3A_940, %dma_start3A_941] : memref<8x50x64xf32, #tpu.memory_space<vmem>> -> memref<1x50x64xf32, #tpu.memory_space<vmem>>
      %dma_start3A_943 = tpu.memref_squeeze %dma_start3A_942 : memref<1x50x64xf32, #tpu.memory_space<vmem>> -> memref<50x64xf32, #tpu.memory_space<vmem>>
      %dma_start3A_944 = arith.constant 0 : i32
      %dma_start3A_945 = tpu.memref_slice %arg5[%add3A_937, %dma_start3A_944] : memref<128x50xi32, #tpu.memory_space<vmem>> -> memref<1x50xi32, #tpu.memory_space<vmem>>
      %dma_start3A_946 = tpu.memref_squeeze %dma_start3A_945 : memref<1x50xi32, #tpu.memory_space<vmem>> -> memref<50xi32, #tpu.memory_space<vmem>>
      %dma_start3A_947 = arith.constant 0 : i32
      %dma_start3A_948 = arith.constant 0 : i32
      %dma_start3A_949 = tpu.memref_slice %arg2[%dma_start3A_947, %dma_start3A_948] : memref<1000000x64xf32, #tpu.memory_space<hbm>> -> memref<1000000x64xf32, #tpu.memory_space<hbm>>
      %dma_start3A_950 = tpu.memref_slice %arg7[%dma_start3A_939] : memref<8x!tpu.dma_semaphore, #tpu.memory_space<semaphore_mem>> -> memref<1x!tpu.dma_semaphore, #tpu.memory_space<semaphore_mem>>
      %dma_start3A_951 = tpu.memref_squeeze %dma_start3A_950 : memref<1x!tpu.dma_semaphore, #tpu.memory_space<semaphore_mem>> -> memref<!tpu.dma_semaphore, #tpu.memory_space<semaphore_mem>>
      tpu.enqueue_indirect_dma source(%dma_start3A_949 : memref<1000000x64xf32, #tpu.memory_space<hbm>>) target(%dma_start3A_943 : memref<50x64xf32, #tpu.memory_space<vmem>>) offsets(%dma_start3A_946 : memref<50xi32, #tpu.memory_space<vmem>>) semaphore(%dma_start3A_951 : memref<!tpu.dma_semaphore, #tpu.memory_space<semaphore_mem>>)
      %add3A_952 = arith.constant 3 : i32
      %add3A_953 = arith.addi %mul3A_696, %add3A_952 : i32
      %dma_wait3A_954 = arith.constant 3 : i32
      %dma_wait3A_955 = arith.constant 3 : i32
      %dma_wait3A_956 = arith.constant 0 : i32
      %dma_wait3A_957 = arith.constant 0 : i32
      %dma_wait3A_958 = tpu.memref_slice %arg6[%dma_wait3A_954, %dma_wait3A_956, %dma_wait3A_957] : memref<8x50x64xf32, #tpu.memory_space<vmem>> -> memref<1x50x64xf32, #tpu.memory_space<vmem>>
      %dma_wait3A_959 = tpu.memref_squeeze %dma_wait3A_958 : memref<1x50x64xf32, #tpu.memory_space<vmem>> -> memref<50x64xf32, #tpu.memory_space<vmem>>
      %dma_wait3A_960 = arith.constant 0 : i32
      %dma_wait3A_961 = tpu.memref_slice %arg5[%add3A_953, %dma_wait3A_960] : memref<128x50xi32, #tpu.memory_space<vmem>> -> memref<1x50xi32, #tpu.memory_space<vmem>>
      %dma_wait3A_962 = tpu.memref_squeeze %dma_wait3A_961 : memref<1x50xi32, #tpu.memory_space<vmem>> -> memref<50xi32, #tpu.memory_space<vmem>>
      %dma_wait3A_963 = arith.constant 0 : i32
      %dma_wait3A_964 = arith.constant 0 : i32
      %dma_wait3A_965 = tpu.memref_slice %arg2[%dma_wait3A_963, %dma_wait3A_964] : memref<1000000x64xf32, #tpu.memory_space<hbm>> -> memref<1000000x64xf32, #tpu.memory_space<hbm>>
      %dma_wait3A_966 = tpu.memref_slice %arg7[%dma_wait3A_955] : memref<8x!tpu.dma_semaphore, #tpu.memory_space<semaphore_mem>> -> memref<1x!tpu.dma_semaphore, #tpu.memory_space<semaphore_mem>>
      %dma_wait3A_967 = tpu.memref_squeeze %dma_wait3A_966 : memref<1x!tpu.dma_semaphore, #tpu.memory_space<semaphore_mem>> -> memref<!tpu.dma_semaphore, #tpu.memory_space<semaphore_mem>>
      tpu.wait_indirect_dma semaphore(%dma_wait3A_967 : memref<!tpu.dma_semaphore, #tpu.memory_space<semaphore_mem>>) src(%dma_wait3A_965 : memref<1000000x64xf32, #tpu.memory_space<hbm>>) dst(%dma_wait3A_959 : memref<50x64xf32, #tpu.memory_space<vmem>>)
      %add3A_968 = arith.addi %mul3A_2, %add3A_953 : i32
      %dma_start3A_969 = arith.constant 3 : i32
      %dma_start3A_970 = arith.constant 3 : i32
      %dma_start3A_971 = arith.constant 0 : i32
      %dma_start3A_972 = arith.constant 0 : i32
      %dma_start3A_973 = tpu.memref_slice %arg6[%dma_start3A_969, %dma_start3A_971, %dma_start3A_972] : memref<8x50x64xf32, #tpu.memory_space<vmem>> -> memref<1x50x64xf32, #tpu.memory_space<vmem>>
      %dma_start3A_974 = tpu.memref_squeeze %dma_start3A_973 : memref<1x50x64xf32, #tpu.memory_space<vmem>> -> memref<50x64xf32, #tpu.memory_space<vmem>>
      %dma_start3A_975 = arith.constant 0 : i32
      %dma_start3A_976 = arith.constant 0 : i32
      %dma_start3A_977 = tpu.memref_slice %arg4[%add3A_968, %dma_start3A_975, %dma_start3A_976] : memref<4096x56x128xf32, #tpu.memory_space<hbm>> -> memref<1x56x128xf32, #tpu.memory_space<hbm>>
      %dma_start3A_978 = tpu.memref_squeeze %dma_start3A_977 : memref<1x56x128xf32, #tpu.memory_space<hbm>> -> memref<56x128xf32, #tpu.memory_space<hbm>>
      %dma_start3A_979 = arith.constant 0 : i32
      %dma_start3A_980 = arith.constant 0 : i32
      %dma_start3A_981 = tpu.memref_slice %dma_start3A_978[%dma_start3A_979, %dma_start3A_980] : memref<56x128xf32, #tpu.memory_space<hbm>> -> memref<50x64xf32, #tpu.memory_space<hbm>>
      %dma_start3A_982 = tpu.memref_slice %arg8[%dma_start3A_970] : memref<8x!tpu.dma_semaphore, #tpu.memory_space<semaphore_mem>> -> memref<1x!tpu.dma_semaphore, #tpu.memory_space<semaphore_mem>>
      %dma_start3A_983 = tpu.memref_squeeze %dma_start3A_982 : memref<1x!tpu.dma_semaphore, #tpu.memory_space<semaphore_mem>> -> memref<!tpu.dma_semaphore, #tpu.memory_space<semaphore_mem>>
      %dma_start3A_984 = arith.constant 0 : i32
      %dma_start3A_985 = arith.constant 0 : i32
      %dma_start3A_986 = tpu.memref_slice %arg4[%add3A_968, %dma_start3A_984, %dma_start3A_985] : memref<4096x56x128xf32, #tpu.memory_space<hbm>> -> memref<1x56x128xf32, #tpu.memory_space<hbm>>
      %dma_start3A_987 = tpu.memref_squeeze %dma_start3A_986 : memref<1x56x128xf32, #tpu.memory_space<hbm>> -> memref<56x128xf32, #tpu.memory_space<hbm>>
      %dma_start3A_988 = arith.constant 0 : i32
      %dma_start3A_989 = arith.constant 0 : i32
      %dma_start3A_990 = tpu.memref_slice %dma_start3A_987[%dma_start3A_988, %dma_start3A_989] : memref<56x128xf32, #tpu.memory_space<hbm>> -> memref<50x64xf32, #tpu.memory_space<hbm>>
      %dma_start3A_991 = arith.constant 0 : i32
      %dma_start3A_992 = arith.constant 0 : i32
      %dma_start3A_993 = tpu.memref_slice %arg6[%dma_start3A_969, %dma_start3A_991, %dma_start3A_992] : memref<8x50x64xf32, #tpu.memory_space<vmem>> -> memref<1x50x64xf32, #tpu.memory_space<vmem>>
      %dma_start3A_994 = tpu.memref_squeeze %dma_start3A_993 : memref<1x50x64xf32, #tpu.memory_space<vmem>> -> memref<50x64xf32, #tpu.memory_space<vmem>>
      tpu.enqueue_dma source(%dma_start3A_994 : memref<50x64xf32, #tpu.memory_space<vmem>>) target(%dma_start3A_990 : memref<50x64xf32, #tpu.memory_space<hbm>>) target_semaphore(%dma_start3A_983 : memref<!tpu.dma_semaphore, #tpu.memory_space<semaphore_mem>>)
      %dma_wait3A_995 = arith.constant 3 : i32
      %dma_wait3A_996 = arith.constant 3 : i32
      %dma_wait3A_997 = arith.constant 0 : i32
      %dma_wait3A_998 = arith.constant 0 : i32
      %dma_wait3A_999 = tpu.memref_slice %arg6[%dma_wait3A_995, %dma_wait3A_997, %dma_wait3A_998] : memref<8x50x64xf32, #tpu.memory_space<vmem>> -> memref<1x50x64xf32, #tpu.memory_space<vmem>>
      %dma_wait3A_1000 = tpu.memref_squeeze %dma_wait3A_999 : memref<1x50x64xf32, #tpu.memory_space<vmem>> -> memref<50x64xf32, #tpu.memory_space<vmem>>
      %dma_wait3A_1001 = arith.constant 0 : i32
      %dma_wait3A_1002 = arith.constant 0 : i32
      %dma_wait3A_1003 = tpu.memref_slice %arg4[%add3A_968, %dma_wait3A_1001, %dma_wait3A_1002] : memref<4096x56x128xf32, #tpu.memory_space<hbm>> -> memref<1x56x128xf32, #tpu.memory_space<hbm>>
      %dma_wait3A_1004 = tpu.memref_squeeze %dma_wait3A_1003 : memref<1x56x128xf32, #tpu.memory_space<hbm>> -> memref<56x128xf32, #tpu.memory_space<hbm>>
      %dma_wait3A_1005 = arith.constant 0 : i32
      %dma_wait3A_1006 = arith.constant 0 : i32
      %dma_wait3A_1007 = tpu.memref_slice %dma_wait3A_1004[%dma_wait3A_1005, %dma_wait3A_1006] : memref<56x128xf32, #tpu.memory_space<hbm>> -> memref<50x64xf32, #tpu.memory_space<hbm>>
      %dma_wait3A_1008 = tpu.memref_slice %arg8[%dma_wait3A_996] : memref<8x!tpu.dma_semaphore, #tpu.memory_space<semaphore_mem>> -> memref<1x!tpu.dma_semaphore, #tpu.memory_space<semaphore_mem>>
      %dma_wait3A_1009 = tpu.memref_squeeze %dma_wait3A_1008 : memref<1x!tpu.dma_semaphore, #tpu.memory_space<semaphore_mem>> -> memref<!tpu.dma_semaphore, #tpu.memory_space<semaphore_mem>>
      %dma_wait3A_1010 = arith.constant 0 : i32
      %dma_wait3A_1011 = arith.constant 0 : i32
      %dma_wait3A_1012 = tpu.memref_slice %arg4[%add3A_968, %dma_wait3A_1010, %dma_wait3A_1011] : memref<4096x56x128xf32, #tpu.memory_space<hbm>> -> memref<1x56x128xf32, #tpu.memory_space<hbm>>
      %dma_wait3A_1013 = tpu.memref_squeeze %dma_wait3A_1012 : memref<1x56x128xf32, #tpu.memory_space<hbm>> -> memref<56x128xf32, #tpu.memory_space<hbm>>
      %dma_wait3A_1014 = arith.constant 0 : i32
      %dma_wait3A_1015 = arith.constant 0 : i32
      %dma_wait3A_1016 = tpu.memref_slice %dma_wait3A_1013[%dma_wait3A_1014, %dma_wait3A_1015] : memref<56x128xf32, #tpu.memory_space<hbm>> -> memref<50x64xf32, #tpu.memory_space<hbm>>
      %dma_wait3A_1017 = arith.constant 0 : i32
      %dma_wait3A_1018 = arith.constant 0 : i32
      %dma_wait3A_1019 = tpu.memref_slice %arg6[%dma_wait3A_995, %dma_wait3A_1017, %dma_wait3A_1018] : memref<8x50x64xf32, #tpu.memory_space<vmem>> -> memref<1x50x64xf32, #tpu.memory_space<vmem>>
      %dma_wait3A_1020 = tpu.memref_squeeze %dma_wait3A_1019 : memref<1x50x64xf32, #tpu.memory_space<vmem>> -> memref<50x64xf32, #tpu.memory_space<vmem>>
      tpu.wait_dma2 semaphore(%dma_wait3A_1009 : memref<!tpu.dma_semaphore, #tpu.memory_space<semaphore_mem>>) src(%dma_wait3A_1020 : memref<50x64xf32, #tpu.memory_space<vmem>>) dst(%dma_wait3A_1016 : memref<50x64xf32, #tpu.memory_space<hbm>>)
      %add3A_1021 = arith.constant 8 : i32
      %add3A_1022 = arith.addi %add3A_953, %add3A_1021 : i32
      %dma_start3A_1023 = arith.constant 3 : i32
      %dma_start3A_1024 = arith.constant 3 : i32
      %dma_start3A_1025 = arith.constant 0 : i32
      %dma_start3A_1026 = arith.constant 0 : i32
      %dma_start3A_1027 = tpu.memref_slice %arg6[%dma_start3A_1023, %dma_start3A_1025, %dma_start3A_1026] : memref<8x50x64xf32, #tpu.memory_space<vmem>> -> memref<1x50x64xf32, #tpu.memory_space<vmem>>
      %dma_start3A_1028 = tpu.memref_squeeze %dma_start3A_1027 : memref<1x50x64xf32, #tpu.memory_space<vmem>> -> memref<50x64xf32, #tpu.memory_space<vmem>>
      %dma_start3A_1029 = arith.constant 0 : i32
      %dma_start3A_1030 = tpu.memref_slice %arg5[%add3A_1022, %dma_start3A_1029] : memref<128x50xi32, #tpu.memory_space<vmem>> -> memref<1x50xi32, #tpu.memory_space<vmem>>
      %dma_start3A_1031 = tpu.memref_squeeze %dma_start3A_1030 : memref<1x50xi32, #tpu.memory_space<vmem>> -> memref<50xi32, #tpu.memory_space<vmem>>
      %dma_start3A_1032 = arith.constant 0 : i32
      %dma_start3A_1033 = arith.constant 0 : i32
      %dma_start3A_1034 = tpu.memref_slice %arg2[%dma_start3A_1032, %dma_start3A_1033] : memref<1000000x64xf32, #tpu.memory_space<hbm>> -> memref<1000000x64xf32, #tpu.memory_space<hbm>>
      %dma_start3A_1035 = tpu.memref_slice %arg7[%dma_start3A_1024] : memref<8x!tpu.dma_semaphore, #tpu.memory_space<semaphore_mem>> -> memref<1x!tpu.dma_semaphore, #tpu.memory_space<semaphore_mem>>
      %dma_start3A_1036 = tpu.memref_squeeze %dma_start3A_1035 : memref<1x!tpu.dma_semaphore, #tpu.memory_space<semaphore_mem>> -> memref<!tpu.dma_semaphore, #tpu.memory_space<semaphore_mem>>
      tpu.enqueue_indirect_dma source(%dma_start3A_1034 : memref<1000000x64xf32, #tpu.memory_space<hbm>>) target(%dma_start3A_1028 : memref<50x64xf32, #tpu.memory_space<vmem>>) offsets(%dma_start3A_1031 : memref<50xi32, #tpu.memory_space<vmem>>) semaphore(%dma_start3A_1036 : memref<!tpu.dma_semaphore, #tpu.memory_space<semaphore_mem>>)
      %add3A_1037 = arith.constant 4 : i32
      %add3A_1038 = arith.addi %mul3A_696, %add3A_1037 : i32
      %dma_wait3A_1039 = arith.constant 4 : i32
      %dma_wait3A_1040 = arith.constant 4 : i32
      %dma_wait3A_1041 = arith.constant 0 : i32
      %dma_wait3A_1042 = arith.constant 0 : i32
      %dma_wait3A_1043 = tpu.memref_slice %arg6[%dma_wait3A_1039, %dma_wait3A_1041, %dma_wait3A_1042] : memref<8x50x64xf32, #tpu.memory_space<vmem>> -> memref<1x50x64xf32, #tpu.memory_space<vmem>>
      %dma_wait3A_1044 = tpu.memref_squeeze %dma_wait3A_1043 : memref<1x50x64xf32, #tpu.memory_space<vmem>> -> memref<50x64xf32, #tpu.memory_space<vmem>>
      %dma_wait3A_1045 = arith.constant 0 : i32
      %dma_wait3A_1046 = tpu.memref_slice %arg5[%add3A_1038, %dma_wait3A_1045] : memref<128x50xi32, #tpu.memory_space<vmem>> -> memref<1x50xi32, #tpu.memory_space<vmem>>
      %dma_wait3A_1047 = tpu.memref_squeeze %dma_wait3A_1046 : memref<1x50xi32, #tpu.memory_space<vmem>> -> memref<50xi32, #tpu.memory_space<vmem>>
      %dma_wait3A_1048 = arith.constant 0 : i32
      %dma_wait3A_1049 = arith.constant 0 : i32
      %dma_wait3A_1050 = tpu.memref_slice %arg2[%dma_wait3A_1048, %dma_wait3A_1049] : memref<1000000x64xf32, #tpu.memory_space<hbm>> -> memref<1000000x64xf32, #tpu.memory_space<hbm>>
      %dma_wait3A_1051 = tpu.memref_slice %arg7[%dma_wait3A_1040] : memref<8x!tpu.dma_semaphore, #tpu.memory_space<semaphore_mem>> -> memref<1x!tpu.dma_semaphore, #tpu.memory_space<semaphore_mem>>
      %dma_wait3A_1052 = tpu.memref_squeeze %dma_wait3A_1051 : memref<1x!tpu.dma_semaphore, #tpu.memory_space<semaphore_mem>> -> memref<!tpu.dma_semaphore, #tpu.memory_space<semaphore_mem>>
      tpu.wait_indirect_dma semaphore(%dma_wait3A_1052 : memref<!tpu.dma_semaphore, #tpu.memory_space<semaphore_mem>>) src(%dma_wait3A_1050 : memref<1000000x64xf32, #tpu.memory_space<hbm>>) dst(%dma_wait3A_1044 : memref<50x64xf32, #tpu.memory_space<vmem>>)
      %add3A_1053 = arith.addi %mul3A_2, %add3A_1038 : i32
      %dma_start3A_1054 = arith.constant 4 : i32
      %dma_start3A_1055 = arith.constant 4 : i32
      %dma_start3A_1056 = arith.constant 0 : i32
      %dma_start3A_1057 = arith.constant 0 : i32
      %dma_start3A_1058 = tpu.memref_slice %arg6[%dma_start3A_1054, %dma_start3A_1056, %dma_start3A_1057] : memref<8x50x64xf32, #tpu.memory_space<vmem>> -> memref<1x50x64xf32, #tpu.memory_space<vmem>>
      %dma_start3A_1059 = tpu.memref_squeeze %dma_start3A_1058 : memref<1x50x64xf32, #tpu.memory_space<vmem>> -> memref<50x64xf32, #tpu.memory_space<vmem>>
      %dma_start3A_1060 = arith.constant 0 : i32
      %dma_start3A_1061 = arith.constant 0 : i32
      %dma_start3A_1062 = tpu.memref_slice %arg4[%add3A_1053, %dma_start3A_1060, %dma_start3A_1061] : memref<4096x56x128xf32, #tpu.memory_space<hbm>> -> memref<1x56x128xf32, #tpu.memory_space<hbm>>
      %dma_start3A_1063 = tpu.memref_squeeze %dma_start3A_1062 : memref<1x56x128xf32, #tpu.memory_space<hbm>> -> memref<56x128xf32, #tpu.memory_space<hbm>>
      %dma_start3A_1064 = arith.constant 0 : i32
      %dma_start3A_1065 = arith.constant 0 : i32
      %dma_start3A_1066 = tpu.memref_slice %dma_start3A_1063[%dma_start3A_1064, %dma_start3A_1065] : memref<56x128xf32, #tpu.memory_space<hbm>> -> memref<50x64xf32, #tpu.memory_space<hbm>>
      %dma_start3A_1067 = tpu.memref_slice %arg8[%dma_start3A_1055] : memref<8x!tpu.dma_semaphore, #tpu.memory_space<semaphore_mem>> -> memref<1x!tpu.dma_semaphore, #tpu.memory_space<semaphore_mem>>
      %dma_start3A_1068 = tpu.memref_squeeze %dma_start3A_1067 : memref<1x!tpu.dma_semaphore, #tpu.memory_space<semaphore_mem>> -> memref<!tpu.dma_semaphore, #tpu.memory_space<semaphore_mem>>
      %dma_start3A_1069 = arith.constant 0 : i32
      %dma_start3A_1070 = arith.constant 0 : i32
      %dma_start3A_1071 = tpu.memref_slice %arg4[%add3A_1053, %dma_start3A_1069, %dma_start3A_1070] : memref<4096x56x128xf32, #tpu.memory_space<hbm>> -> memref<1x56x128xf32, #tpu.memory_space<hbm>>
      %dma_start3A_1072 = tpu.memref_squeeze %dma_start3A_1071 : memref<1x56x128xf32, #tpu.memory_space<hbm>> -> memref<56x128xf32, #tpu.memory_space<hbm>>
      %dma_start3A_1073 = arith.constant 0 : i32
      %dma_start3A_1074 = arith.constant 0 : i32
      %dma_start3A_1075 = tpu.memref_slice %dma_start3A_1072[%dma_start3A_1073, %dma_start3A_1074] : memref<56x128xf32, #tpu.memory_space<hbm>> -> memref<50x64xf32, #tpu.memory_space<hbm>>
      %dma_start3A_1076 = arith.constant 0 : i32
      %dma_start3A_1077 = arith.constant 0 : i32
      %dma_start3A_1078 = tpu.memref_slice %arg6[%dma_start3A_1054, %dma_start3A_1076, %dma_start3A_1077] : memref<8x50x64xf32, #tpu.memory_space<vmem>> -> memref<1x50x64xf32, #tpu.memory_space<vmem>>
      %dma_start3A_1079 = tpu.memref_squeeze %dma_start3A_1078 : memref<1x50x64xf32, #tpu.memory_space<vmem>> -> memref<50x64xf32, #tpu.memory_space<vmem>>
      tpu.enqueue_dma source(%dma_start3A_1079 : memref<50x64xf32, #tpu.memory_space<vmem>>) target(%dma_start3A_1075 : memref<50x64xf32, #tpu.memory_space<hbm>>) target_semaphore(%dma_start3A_1068 : memref<!tpu.dma_semaphore, #tpu.memory_space<semaphore_mem>>)
      %dma_wait3A_1080 = arith.constant 4 : i32
      %dma_wait3A_1081 = arith.constant 4 : i32
      %dma_wait3A_1082 = arith.constant 0 : i32
      %dma_wait3A_1083 = arith.constant 0 : i32
      %dma_wait3A_1084 = tpu.memref_slice %arg6[%dma_wait3A_1080, %dma_wait3A_1082, %dma_wait3A_1083] : memref<8x50x64xf32, #tpu.memory_space<vmem>> -> memref<1x50x64xf32, #tpu.memory_space<vmem>>
      %dma_wait3A_1085 = tpu.memref_squeeze %dma_wait3A_1084 : memref<1x50x64xf32, #tpu.memory_space<vmem>> -> memref<50x64xf32, #tpu.memory_space<vmem>>
      %dma_wait3A_1086 = arith.constant 0 : i32
      %dma_wait3A_1087 = arith.constant 0 : i32
      %dma_wait3A_1088 = tpu.memref_slice %arg4[%add3A_1053, %dma_wait3A_1086, %dma_wait3A_1087] : memref<4096x56x128xf32, #tpu.memory_space<hbm>> -> memref<1x56x128xf32, #tpu.memory_space<hbm>>
      %dma_wait3A_1089 = tpu.memref_squeeze %dma_wait3A_1088 : memref<1x56x128xf32, #tpu.memory_space<hbm>> -> memref<56x128xf32, #tpu.memory_space<hbm>>
      %dma_wait3A_1090 = arith.constant 0 : i32
      %dma_wait3A_1091 = arith.constant 0 : i32
      %dma_wait3A_1092 = tpu.memref_slice %dma_wait3A_1089[%dma_wait3A_1090, %dma_wait3A_1091] : memref<56x128xf32, #tpu.memory_space<hbm>> -> memref<50x64xf32, #tpu.memory_space<hbm>>
      %dma_wait3A_1093 = tpu.memref_slice %arg8[%dma_wait3A_1081] : memref<8x!tpu.dma_semaphore, #tpu.memory_space<semaphore_mem>> -> memref<1x!tpu.dma_semaphore, #tpu.memory_space<semaphore_mem>>
      %dma_wait3A_1094 = tpu.memref_squeeze %dma_wait3A_1093 : memref<1x!tpu.dma_semaphore, #tpu.memory_space<semaphore_mem>> -> memref<!tpu.dma_semaphore, #tpu.memory_space<semaphore_mem>>
      %dma_wait3A_1095 = arith.constant 0 : i32
      %dma_wait3A_1096 = arith.constant 0 : i32
      %dma_wait3A_1097 = tpu.memref_slice %arg4[%add3A_1053, %dma_wait3A_1095, %dma_wait3A_1096] : memref<4096x56x128xf32, #tpu.memory_space<hbm>> -> memref<1x56x128xf32, #tpu.memory_space<hbm>>
      %dma_wait3A_1098 = tpu.memref_squeeze %dma_wait3A_1097 : memref<1x56x128xf32, #tpu.memory_space<hbm>> -> memref<56x128xf32, #tpu.memory_space<hbm>>
      %dma_wait3A_1099 = arith.constant 0 : i32
      %dma_wait3A_1100 = arith.constant 0 : i32
      %dma_wait3A_1101 = tpu.memref_slice %dma_wait3A_1098[%dma_wait3A_1099, %dma_wait3A_1100] : memref<56x128xf32, #tpu.memory_space<hbm>> -> memref<50x64xf32, #tpu.memory_space<hbm>>
      %dma_wait3A_1102 = arith.constant 0 : i32
      %dma_wait3A_1103 = arith.constant 0 : i32
      %dma_wait3A_1104 = tpu.memref_slice %arg6[%dma_wait3A_1080, %dma_wait3A_1102, %dma_wait3A_1103] : memref<8x50x64xf32, #tpu.memory_space<vmem>> -> memref<1x50x64xf32, #tpu.memory_space<vmem>>
      %dma_wait3A_1105 = tpu.memref_squeeze %dma_wait3A_1104 : memref<1x50x64xf32, #tpu.memory_space<vmem>> -> memref<50x64xf32, #tpu.memory_space<vmem>>
      tpu.wait_dma2 semaphore(%dma_wait3A_1094 : memref<!tpu.dma_semaphore, #tpu.memory_space<semaphore_mem>>) src(%dma_wait3A_1105 : memref<50x64xf32, #tpu.memory_space<vmem>>) dst(%dma_wait3A_1101 : memref<50x64xf32, #tpu.memory_space<hbm>>)
      %add3A_1106 = arith.constant 8 : i32
      %add3A_1107 = arith.addi %add3A_1038, %add3A_1106 : i32
      %dma_start3A_1108 = arith.constant 4 : i32
      %dma_start3A_1109 = arith.constant 4 : i32
      %dma_start3A_1110 = arith.constant 0 : i32
      %dma_start3A_1111 = arith.constant 0 : i32
      %dma_start3A_1112 = tpu.memref_slice %arg6[%dma_start3A_1108, %dma_start3A_1110, %dma_start3A_1111] : memref<8x50x64xf32, #tpu.memory_space<vmem>> -> memref<1x50x64xf32, #tpu.memory_space<vmem>>
      %dma_start3A_1113 = tpu.memref_squeeze %dma_start3A_1112 : memref<1x50x64xf32, #tpu.memory_space<vmem>> -> memref<50x64xf32, #tpu.memory_space<vmem>>
      %dma_start3A_1114 = arith.constant 0 : i32
      %dma_start3A_1115 = tpu.memref_slice %arg5[%add3A_1107, %dma_start3A_1114] : memref<128x50xi32, #tpu.memory_space<vmem>> -> memref<1x50xi32, #tpu.memory_space<vmem>>
      %dma_start3A_1116 = tpu.memref_squeeze %dma_start3A_1115 : memref<1x50xi32, #tpu.memory_space<vmem>> -> memref<50xi32, #tpu.memory_space<vmem>>
      %dma_start3A_1117 = arith.constant 0 : i32
      %dma_start3A_1118 = arith.constant 0 : i32
      %dma_start3A_1119 = tpu.memref_slice %arg2[%dma_start3A_1117, %dma_start3A_1118] : memref<1000000x64xf32, #tpu.memory_space<hbm>> -> memref<1000000x64xf32, #tpu.memory_space<hbm>>
      %dma_start3A_1120 = tpu.memref_slice %arg7[%dma_start3A_1109] : memref<8x!tpu.dma_semaphore, #tpu.memory_space<semaphore_mem>> -> memref<1x!tpu.dma_semaphore, #tpu.memory_space<semaphore_mem>>
      %dma_start3A_1121 = tpu.memref_squeeze %dma_start3A_1120 : memref<1x!tpu.dma_semaphore, #tpu.memory_space<semaphore_mem>> -> memref<!tpu.dma_semaphore, #tpu.memory_space<semaphore_mem>>
      tpu.enqueue_indirect_dma source(%dma_start3A_1119 : memref<1000000x64xf32, #tpu.memory_space<hbm>>) target(%dma_start3A_1113 : memref<50x64xf32, #tpu.memory_space<vmem>>) offsets(%dma_start3A_1116 : memref<50xi32, #tpu.memory_space<vmem>>) semaphore(%dma_start3A_1121 : memref<!tpu.dma_semaphore, #tpu.memory_space<semaphore_mem>>)
      %add3A_1122 = arith.constant 5 : i32
      %add3A_1123 = arith.addi %mul3A_696, %add3A_1122 : i32
      %dma_wait3A_1124 = arith.constant 5 : i32
      %dma_wait3A_1125 = arith.constant 5 : i32
      %dma_wait3A_1126 = arith.constant 0 : i32
      %dma_wait3A_1127 = arith.constant 0 : i32
      %dma_wait3A_1128 = tpu.memref_slice %arg6[%dma_wait3A_1124, %dma_wait3A_1126, %dma_wait3A_1127] : memref<8x50x64xf32, #tpu.memory_space<vmem>> -> memref<1x50x64xf32, #tpu.memory_space<vmem>>
      %dma_wait3A_1129 = tpu.memref_squeeze %dma_wait3A_1128 : memref<1x50x64xf32, #tpu.memory_space<vmem>> -> memref<50x64xf32, #tpu.memory_space<vmem>>
      %dma_wait3A_1130 = arith.constant 0 : i32
      %dma_wait3A_1131 = tpu.memref_slice %arg5[%add3A_1123, %dma_wait3A_1130] : memref<128x50xi32, #tpu.memory_space<vmem>> -> memref<1x50xi32, #tpu.memory_space<vmem>>
      %dma_wait3A_1132 = tpu.memref_squeeze %dma_wait3A_1131 : memref<1x50xi32, #tpu.memory_space<vmem>> -> memref<50xi32, #tpu.memory_space<vmem>>
      %dma_wait3A_1133 = arith.constant 0 : i32
      %dma_wait3A_1134 = arith.constant 0 : i32
      %dma_wait3A_1135 = tpu.memref_slice %arg2[%dma_wait3A_1133, %dma_wait3A_1134] : memref<1000000x64xf32, #tpu.memory_space<hbm>> -> memref<1000000x64xf32, #tpu.memory_space<hbm>>
      %dma_wait3A_1136 = tpu.memref_slice %arg7[%dma_wait3A_1125] : memref<8x!tpu.dma_semaphore, #tpu.memory_space<semaphore_mem>> -> memref<1x!tpu.dma_semaphore, #tpu.memory_space<semaphore_mem>>
      %dma_wait3A_1137 = tpu.memref_squeeze %dma_wait3A_1136 : memref<1x!tpu.dma_semaphore, #tpu.memory_space<semaphore_mem>> -> memref<!tpu.dma_semaphore, #tpu.memory_space<semaphore_mem>>
      tpu.wait_indirect_dma semaphore(%dma_wait3A_1137 : memref<!tpu.dma_semaphore, #tpu.memory_space<semaphore_mem>>) src(%dma_wait3A_1135 : memref<1000000x64xf32, #tpu.memory_space<hbm>>) dst(%dma_wait3A_1129 : memref<50x64xf32, #tpu.memory_space<vmem>>)
      %add3A_1138 = arith.addi %mul3A_2, %add3A_1123 : i32
      %dma_start3A_1139 = arith.constant 5 : i32
      %dma_start3A_1140 = arith.constant 5 : i32
      %dma_start3A_1141 = arith.constant 0 : i32
      %dma_start3A_1142 = arith.constant 0 : i32
      %dma_start3A_1143 = tpu.memref_slice %arg6[%dma_start3A_1139, %dma_start3A_1141, %dma_start3A_1142] : memref<8x50x64xf32, #tpu.memory_space<vmem>> -> memref<1x50x64xf32, #tpu.memory_space<vmem>>
      %dma_start3A_1144 = tpu.memref_squeeze %dma_start3A_1143 : memref<1x50x64xf32, #tpu.memory_space<vmem>> -> memref<50x64xf32, #tpu.memory_space<vmem>>
      %dma_start3A_1145 = arith.constant 0 : i32
      %dma_start3A_1146 = arith.constant 0 : i32
      %dma_start3A_1147 = tpu.memref_slice %arg4[%add3A_1138, %dma_start3A_1145, %dma_start3A_1146] : memref<4096x56x128xf32, #tpu.memory_space<hbm>> -> memref<1x56x128xf32, #tpu.memory_space<hbm>>
      %dma_start3A_1148 = tpu.memref_squeeze %dma_start3A_1147 : memref<1x56x128xf32, #tpu.memory_space<hbm>> -> memref<56x128xf32, #tpu.memory_space<hbm>>
      %dma_start3A_1149 = arith.constant 0 : i32
      %dma_start3A_1150 = arith.constant 0 : i32
      %dma_start3A_1151 = tpu.memref_slice %dma_start3A_1148[%dma_start3A_1149, %dma_start3A_1150] : memref<56x128xf32, #tpu.memory_space<hbm>> -> memref<50x64xf32, #tpu.memory_space<hbm>>
      %dma_start3A_1152 = tpu.memref_slice %arg8[%dma_start3A_1140] : memref<8x!tpu.dma_semaphore, #tpu.memory_space<semaphore_mem>> -> memref<1x!tpu.dma_semaphore, #tpu.memory_space<semaphore_mem>>
      %dma_start3A_1153 = tpu.memref_squeeze %dma_start3A_1152 : memref<1x!tpu.dma_semaphore, #tpu.memory_space<semaphore_mem>> -> memref<!tpu.dma_semaphore, #tpu.memory_space<semaphore_mem>>
      %dma_start3A_1154 = arith.constant 0 : i32
      %dma_start3A_1155 = arith.constant 0 : i32
      %dma_start3A_1156 = tpu.memref_slice %arg4[%add3A_1138, %dma_start3A_1154, %dma_start3A_1155] : memref<4096x56x128xf32, #tpu.memory_space<hbm>> -> memref<1x56x128xf32, #tpu.memory_space<hbm>>
      %dma_start3A_1157 = tpu.memref_squeeze %dma_start3A_1156 : memref<1x56x128xf32, #tpu.memory_space<hbm>> -> memref<56x128xf32, #tpu.memory_space<hbm>>
      %dma_start3A_1158 = arith.constant 0 : i32
      %dma_start3A_1159 = arith.constant 0 : i32
      %dma_start3A_1160 = tpu.memref_slice %dma_start3A_1157[%dma_start3A_1158, %dma_start3A_1159] : memref<56x128xf32, #tpu.memory_space<hbm>> -> memref<50x64xf32, #tpu.memory_space<hbm>>
      %dma_start3A_1161 = arith.constant 0 : i32
      %dma_start3A_1162 = arith.constant 0 : i32
      %dma_start3A_1163 = tpu.memref_slice %arg6[%dma_start3A_1139, %dma_start3A_1161, %dma_start3A_1162] : memref<8x50x64xf32, #tpu.memory_space<vmem>> -> memref<1x50x64xf32, #tpu.memory_space<vmem>>
      %dma_start3A_1164 = tpu.memref_squeeze %dma_start3A_1163 : memref<1x50x64xf32, #tpu.memory_space<vmem>> -> memref<50x64xf32, #tpu.memory_space<vmem>>
      tpu.enqueue_dma source(%dma_start3A_1164 : memref<50x64xf32, #tpu.memory_space<vmem>>) target(%dma_start3A_1160 : memref<50x64xf32, #tpu.memory_space<hbm>>) target_semaphore(%dma_start3A_1153 : memref<!tpu.dma_semaphore, #tpu.memory_space<semaphore_mem>>)
      %dma_wait3A_1165 = arith.constant 5 : i32
      %dma_wait3A_1166 = arith.constant 5 : i32
      %dma_wait3A_1167 = arith.constant 0 : i32
      %dma_wait3A_1168 = arith.constant 0 : i32
      %dma_wait3A_1169 = tpu.memref_slice %arg6[%dma_wait3A_1165, %dma_wait3A_1167, %dma_wait3A_1168] : memref<8x50x64xf32, #tpu.memory_space<vmem>> -> memref<1x50x64xf32, #tpu.memory_space<vmem>>
      %dma_wait3A_1170 = tpu.memref_squeeze %dma_wait3A_1169 : memref<1x50x64xf32, #tpu.memory_space<vmem>> -> memref<50x64xf32, #tpu.memory_space<vmem>>
      %dma_wait3A_1171 = arith.constant 0 : i32
      %dma_wait3A_1172 = arith.constant 0 : i32
      %dma_wait3A_1173 = tpu.memref_slice %arg4[%add3A_1138, %dma_wait3A_1171, %dma_wait3A_1172] : memref<4096x56x128xf32, #tpu.memory_space<hbm>> -> memref<1x56x128xf32, #tpu.memory_space<hbm>>
      %dma_wait3A_1174 = tpu.memref_squeeze %dma_wait3A_1173 : memref<1x56x128xf32, #tpu.memory_space<hbm>> -> memref<56x128xf32, #tpu.memory_space<hbm>>
      %dma_wait3A_1175 = arith.constant 0 : i32
      %dma_wait3A_1176 = arith.constant 0 : i32
      %dma_wait3A_1177 = tpu.memref_slice %dma_wait3A_1174[%dma_wait3A_1175, %dma_wait3A_1176] : memref<56x128xf32, #tpu.memory_space<hbm>> -> memref<50x64xf32, #tpu.memory_space<hbm>>
      %dma_wait3A_1178 = tpu.memref_slice %arg8[%dma_wait3A_1166] : memref<8x!tpu.dma_semaphore, #tpu.memory_space<semaphore_mem>> -> memref<1x!tpu.dma_semaphore, #tpu.memory_space<semaphore_mem>>
      %dma_wait3A_1179 = tpu.memref_squeeze %dma_wait3A_1178 : memref<1x!tpu.dma_semaphore, #tpu.memory_space<semaphore_mem>> -> memref<!tpu.dma_semaphore, #tpu.memory_space<semaphore_mem>>
      %dma_wait3A_1180 = arith.constant 0 : i32
      %dma_wait3A_1181 = arith.constant 0 : i32
      %dma_wait3A_1182 = tpu.memref_slice %arg4[%add3A_1138, %dma_wait3A_1180, %dma_wait3A_1181] : memref<4096x56x128xf32, #tpu.memory_space<hbm>> -> memref<1x56x128xf32, #tpu.memory_space<hbm>>
      %dma_wait3A_1183 = tpu.memref_squeeze %dma_wait3A_1182 : memref<1x56x128xf32, #tpu.memory_space<hbm>> -> memref<56x128xf32, #tpu.memory_space<hbm>>
      %dma_wait3A_1184 = arith.constant 0 : i32
      %dma_wait3A_1185 = arith.constant 0 : i32
      %dma_wait3A_1186 = tpu.memref_slice %dma_wait3A_1183[%dma_wait3A_1184, %dma_wait3A_1185] : memref<56x128xf32, #tpu.memory_space<hbm>> -> memref<50x64xf32, #tpu.memory_space<hbm>>
      %dma_wait3A_1187 = arith.constant 0 : i32
      %dma_wait3A_1188 = arith.constant 0 : i32
      %dma_wait3A_1189 = tpu.memref_slice %arg6[%dma_wait3A_1165, %dma_wait3A_1187, %dma_wait3A_1188] : memref<8x50x64xf32, #tpu.memory_space<vmem>> -> memref<1x50x64xf32, #tpu.memory_space<vmem>>
      %dma_wait3A_1190 = tpu.memref_squeeze %dma_wait3A_1189 : memref<1x50x64xf32, #tpu.memory_space<vmem>> -> memref<50x64xf32, #tpu.memory_space<vmem>>
      tpu.wait_dma2 semaphore(%dma_wait3A_1179 : memref<!tpu.dma_semaphore, #tpu.memory_space<semaphore_mem>>) src(%dma_wait3A_1190 : memref<50x64xf32, #tpu.memory_space<vmem>>) dst(%dma_wait3A_1186 : memref<50x64xf32, #tpu.memory_space<hbm>>)
      %add3A_1191 = arith.constant 8 : i32
      %add3A_1192 = arith.addi %add3A_1123, %add3A_1191 : i32
      %dma_start3A_1193 = arith.constant 5 : i32
      %dma_start3A_1194 = arith.constant 5 : i32
      %dma_start3A_1195 = arith.constant 0 : i32
      %dma_start3A_1196 = arith.constant 0 : i32
      %dma_start3A_1197 = tpu.memref_slice %arg6[%dma_start3A_1193, %dma_start3A_1195, %dma_start3A_1196] : memref<8x50x64xf32, #tpu.memory_space<vmem>> -> memref<1x50x64xf32, #tpu.memory_space<vmem>>
      %dma_start3A_1198 = tpu.memref_squeeze %dma_start3A_1197 : memref<1x50x64xf32, #tpu.memory_space<vmem>> -> memref<50x64xf32, #tpu.memory_space<vmem>>
      %dma_start3A_1199 = arith.constant 0 : i32
      %dma_start3A_1200 = tpu.memref_slice %arg5[%add3A_1192, %dma_start3A_1199] : memref<128x50xi32, #tpu.memory_space<vmem>> -> memref<1x50xi32, #tpu.memory_space<vmem>>
      %dma_start3A_1201 = tpu.memref_squeeze %dma_start3A_1200 : memref<1x50xi32, #tpu.memory_space<vmem>> -> memref<50xi32, #tpu.memory_space<vmem>>
      %dma_start3A_1202 = arith.constant 0 : i32
      %dma_start3A_1203 = arith.constant 0 : i32
      %dma_start3A_1204 = tpu.memref_slice %arg2[%dma_start3A_1202, %dma_start3A_1203] : memref<1000000x64xf32, #tpu.memory_space<hbm>> -> memref<1000000x64xf32, #tpu.memory_space<hbm>>
      %dma_start3A_1205 = tpu.memref_slice %arg7[%dma_start3A_1194] : memref<8x!tpu.dma_semaphore, #tpu.memory_space<semaphore_mem>> -> memref<1x!tpu.dma_semaphore, #tpu.memory_space<semaphore_mem>>
      %dma_start3A_1206 = tpu.memref_squeeze %dma_start3A_1205 : memref<1x!tpu.dma_semaphore, #tpu.memory_space<semaphore_mem>> -> memref<!tpu.dma_semaphore, #tpu.memory_space<semaphore_mem>>
      tpu.enqueue_indirect_dma source(%dma_start3A_1204 : memref<1000000x64xf32, #tpu.memory_space<hbm>>) target(%dma_start3A_1198 : memref<50x64xf32, #tpu.memory_space<vmem>>) offsets(%dma_start3A_1201 : memref<50xi32, #tpu.memory_space<vmem>>) semaphore(%dma_start3A_1206 : memref<!tpu.dma_semaphore, #tpu.memory_space<semaphore_mem>>)
      %add3A_1207 = arith.constant 6 : i32
      %add3A_1208 = arith.addi %mul3A_696, %add3A_1207 : i32
      %dma_wait3A_1209 = arith.constant 6 : i32
      %dma_wait3A_1210 = arith.constant 6 : i32
      %dma_wait3A_1211 = arith.constant 0 : i32
      %dma_wait3A_1212 = arith.constant 0 : i32
      %dma_wait3A_1213 = tpu.memref_slice %arg6[%dma_wait3A_1209, %dma_wait3A_1211, %dma_wait3A_1212] : memref<8x50x64xf32, #tpu.memory_space<vmem>> -> memref<1x50x64xf32, #tpu.memory_space<vmem>>
      %dma_wait3A_1214 = tpu.memref_squeeze %dma_wait3A_1213 : memref<1x50x64xf32, #tpu.memory_space<vmem>> -> memref<50x64xf32, #tpu.memory_space<vmem>>
      %dma_wait3A_1215 = arith.constant 0 : i32
      %dma_wait3A_1216 = tpu.memref_slice %arg5[%add3A_1208, %dma_wait3A_1215] : memref<128x50xi32, #tpu.memory_space<vmem>> -> memref<1x50xi32, #tpu.memory_space<vmem>>
      %dma_wait3A_1217 = tpu.memref_squeeze %dma_wait3A_1216 : memref<1x50xi32, #tpu.memory_space<vmem>> -> memref<50xi32, #tpu.memory_space<vmem>>
      %dma_wait3A_1218 = arith.constant 0 : i32
      %dma_wait3A_1219 = arith.constant 0 : i32
      %dma_wait3A_1220 = tpu.memref_slice %arg2[%dma_wait3A_1218, %dma_wait3A_1219] : memref<1000000x64xf32, #tpu.memory_space<hbm>> -> memref<1000000x64xf32, #tpu.memory_space<hbm>>
      %dma_wait3A_1221 = tpu.memref_slice %arg7[%dma_wait3A_1210] : memref<8x!tpu.dma_semaphore, #tpu.memory_space<semaphore_mem>> -> memref<1x!tpu.dma_semaphore, #tpu.memory_space<semaphore_mem>>
      %dma_wait3A_1222 = tpu.memref_squeeze %dma_wait3A_1221 : memref<1x!tpu.dma_semaphore, #tpu.memory_space<semaphore_mem>> -> memref<!tpu.dma_semaphore, #tpu.memory_space<semaphore_mem>>
      tpu.wait_indirect_dma semaphore(%dma_wait3A_1222 : memref<!tpu.dma_semaphore, #tpu.memory_space<semaphore_mem>>) src(%dma_wait3A_1220 : memref<1000000x64xf32, #tpu.memory_space<hbm>>) dst(%dma_wait3A_1214 : memref<50x64xf32, #tpu.memory_space<vmem>>)
      %add3A_1223 = arith.addi %mul3A_2, %add3A_1208 : i32
      %dma_start3A_1224 = arith.constant 6 : i32
      %dma_start3A_1225 = arith.constant 6 : i32
      %dma_start3A_1226 = arith.constant 0 : i32
      %dma_start3A_1227 = arith.constant 0 : i32
      %dma_start3A_1228 = tpu.memref_slice %arg6[%dma_start3A_1224, %dma_start3A_1226, %dma_start3A_1227] : memref<8x50x64xf32, #tpu.memory_space<vmem>> -> memref<1x50x64xf32, #tpu.memory_space<vmem>>
      %dma_start3A_1229 = tpu.memref_squeeze %dma_start3A_1228 : memref<1x50x64xf32, #tpu.memory_space<vmem>> -> memref<50x64xf32, #tpu.memory_space<vmem>>
      %dma_start3A_1230 = arith.constant 0 : i32
      %dma_start3A_1231 = arith.constant 0 : i32
      %dma_start3A_1232 = tpu.memref_slice %arg4[%add3A_1223, %dma_start3A_1230, %dma_start3A_1231] : memref<4096x56x128xf32, #tpu.memory_space<hbm>> -> memref<1x56x128xf32, #tpu.memory_space<hbm>>
      %dma_start3A_1233 = tpu.memref_squeeze %dma_start3A_1232 : memref<1x56x128xf32, #tpu.memory_space<hbm>> -> memref<56x128xf32, #tpu.memory_space<hbm>>
      %dma_start3A_1234 = arith.constant 0 : i32
      %dma_start3A_1235 = arith.constant 0 : i32
      %dma_start3A_1236 = tpu.memref_slice %dma_start3A_1233[%dma_start3A_1234, %dma_start3A_1235] : memref<56x128xf32, #tpu.memory_space<hbm>> -> memref<50x64xf32, #tpu.memory_space<hbm>>
      %dma_start3A_1237 = tpu.memref_slice %arg8[%dma_start3A_1225] : memref<8x!tpu.dma_semaphore, #tpu.memory_space<semaphore_mem>> -> memref<1x!tpu.dma_semaphore, #tpu.memory_space<semaphore_mem>>
      %dma_start3A_1238 = tpu.memref_squeeze %dma_start3A_1237 : memref<1x!tpu.dma_semaphore, #tpu.memory_space<semaphore_mem>> -> memref<!tpu.dma_semaphore, #tpu.memory_space<semaphore_mem>>
      %dma_start3A_1239 = arith.constant 0 : i32
      %dma_start3A_1240 = arith.constant 0 : i32
      %dma_start3A_1241 = tpu.memref_slice %arg4[%add3A_1223, %dma_start3A_1239, %dma_start3A_1240] : memref<4096x56x128xf32, #tpu.memory_space<hbm>> -> memref<1x56x128xf32, #tpu.memory_space<hbm>>
      %dma_start3A_1242 = tpu.memref_squeeze %dma_start3A_1241 : memref<1x56x128xf32, #tpu.memory_space<hbm>> -> memref<56x128xf32, #tpu.memory_space<hbm>>
      %dma_start3A_1243 = arith.constant 0 : i32
      %dma_start3A_1244 = arith.constant 0 : i32
      %dma_start3A_1245 = tpu.memref_slice %dma_start3A_1242[%dma_start3A_1243, %dma_start3A_1244] : memref<56x128xf32, #tpu.memory_space<hbm>> -> memref<50x64xf32, #tpu.memory_space<hbm>>
      %dma_start3A_1246 = arith.constant 0 : i32
      %dma_start3A_1247 = arith.constant 0 : i32
      %dma_start3A_1248 = tpu.memref_slice %arg6[%dma_start3A_1224, %dma_start3A_1246, %dma_start3A_1247] : memref<8x50x64xf32, #tpu.memory_space<vmem>> -> memref<1x50x64xf32, #tpu.memory_space<vmem>>
      %dma_start3A_1249 = tpu.memref_squeeze %dma_start3A_1248 : memref<1x50x64xf32, #tpu.memory_space<vmem>> -> memref<50x64xf32, #tpu.memory_space<vmem>>
      tpu.enqueue_dma source(%dma_start3A_1249 : memref<50x64xf32, #tpu.memory_space<vmem>>) target(%dma_start3A_1245 : memref<50x64xf32, #tpu.memory_space<hbm>>) target_semaphore(%dma_start3A_1238 : memref<!tpu.dma_semaphore, #tpu.memory_space<semaphore_mem>>)
      %dma_wait3A_1250 = arith.constant 6 : i32
      %dma_wait3A_1251 = arith.constant 6 : i32
      %dma_wait3A_1252 = arith.constant 0 : i32
      %dma_wait3A_1253 = arith.constant 0 : i32
      %dma_wait3A_1254 = tpu.memref_slice %arg6[%dma_wait3A_1250, %dma_wait3A_1252, %dma_wait3A_1253] : memref<8x50x64xf32, #tpu.memory_space<vmem>> -> memref<1x50x64xf32, #tpu.memory_space<vmem>>
      %dma_wait3A_1255 = tpu.memref_squeeze %dma_wait3A_1254 : memref<1x50x64xf32, #tpu.memory_space<vmem>> -> memref<50x64xf32, #tpu.memory_space<vmem>>
      %dma_wait3A_1256 = arith.constant 0 : i32
      %dma_wait3A_1257 = arith.constant 0 : i32
      %dma_wait3A_1258 = tpu.memref_slice %arg4[%add3A_1223, %dma_wait3A_1256, %dma_wait3A_1257] : memref<4096x56x128xf32, #tpu.memory_space<hbm>> -> memref<1x56x128xf32, #tpu.memory_space<hbm>>
      %dma_wait3A_1259 = tpu.memref_squeeze %dma_wait3A_1258 : memref<1x56x128xf32, #tpu.memory_space<hbm>> -> memref<56x128xf32, #tpu.memory_space<hbm>>
      %dma_wait3A_1260 = arith.constant 0 : i32
      %dma_wait3A_1261 = arith.constant 0 : i32
      %dma_wait3A_1262 = tpu.memref_slice %dma_wait3A_1259[%dma_wait3A_1260, %dma_wait3A_1261] : memref<56x128xf32, #tpu.memory_space<hbm>> -> memref<50x64xf32, #tpu.memory_space<hbm>>
      %dma_wait3A_1263 = tpu.memref_slice %arg8[%dma_wait3A_1251] : memref<8x!tpu.dma_semaphore, #tpu.memory_space<semaphore_mem>> -> memref<1x!tpu.dma_semaphore, #tpu.memory_space<semaphore_mem>>
      %dma_wait3A_1264 = tpu.memref_squeeze %dma_wait3A_1263 : memref<1x!tpu.dma_semaphore, #tpu.memory_space<semaphore_mem>> -> memref<!tpu.dma_semaphore, #tpu.memory_space<semaphore_mem>>
      %dma_wait3A_1265 = arith.constant 0 : i32
      %dma_wait3A_1266 = arith.constant 0 : i32
      %dma_wait3A_1267 = tpu.memref_slice %arg4[%add3A_1223, %dma_wait3A_1265, %dma_wait3A_1266] : memref<4096x56x128xf32, #tpu.memory_space<hbm>> -> memref<1x56x128xf32, #tpu.memory_space<hbm>>
      %dma_wait3A_1268 = tpu.memref_squeeze %dma_wait3A_1267 : memref<1x56x128xf32, #tpu.memory_space<hbm>> -> memref<56x128xf32, #tpu.memory_space<hbm>>
      %dma_wait3A_1269 = arith.constant 0 : i32
      %dma_wait3A_1270 = arith.constant 0 : i32
      %dma_wait3A_1271 = tpu.memref_slice %dma_wait3A_1268[%dma_wait3A_1269, %dma_wait3A_1270] : memref<56x128xf32, #tpu.memory_space<hbm>> -> memref<50x64xf32, #tpu.memory_space<hbm>>
      %dma_wait3A_1272 = arith.constant 0 : i32
      %dma_wait3A_1273 = arith.constant 0 : i32
      %dma_wait3A_1274 = tpu.memref_slice %arg6[%dma_wait3A_1250, %dma_wait3A_1272, %dma_wait3A_1273] : memref<8x50x64xf32, #tpu.memory_space<vmem>> -> memref<1x50x64xf32, #tpu.memory_space<vmem>>
      %dma_wait3A_1275 = tpu.memref_squeeze %dma_wait3A_1274 : memref<1x50x64xf32, #tpu.memory_space<vmem>> -> memref<50x64xf32, #tpu.memory_space<vmem>>
      tpu.wait_dma2 semaphore(%dma_wait3A_1264 : memref<!tpu.dma_semaphore, #tpu.memory_space<semaphore_mem>>) src(%dma_wait3A_1275 : memref<50x64xf32, #tpu.memory_space<vmem>>) dst(%dma_wait3A_1271 : memref<50x64xf32, #tpu.memory_space<hbm>>)
      %add3A_1276 = arith.constant 8 : i32
      %add3A_1277 = arith.addi %add3A_1208, %add3A_1276 : i32
      %dma_start3A_1278 = arith.constant 6 : i32
      %dma_start3A_1279 = arith.constant 6 : i32
      %dma_start3A_1280 = arith.constant 0 : i32
      %dma_start3A_1281 = arith.constant 0 : i32
      %dma_start3A_1282 = tpu.memref_slice %arg6[%dma_start3A_1278, %dma_start3A_1280, %dma_start3A_1281] : memref<8x50x64xf32, #tpu.memory_space<vmem>> -> memref<1x50x64xf32, #tpu.memory_space<vmem>>
      %dma_start3A_1283 = tpu.memref_squeeze %dma_start3A_1282 : memref<1x50x64xf32, #tpu.memory_space<vmem>> -> memref<50x64xf32, #tpu.memory_space<vmem>>
      %dma_start3A_1284 = arith.constant 0 : i32
      %dma_start3A_1285 = tpu.memref_slice %arg5[%add3A_1277, %dma_start3A_1284] : memref<128x50xi32, #tpu.memory_space<vmem>> -> memref<1x50xi32, #tpu.memory_space<vmem>>
      %dma_start3A_1286 = tpu.memref_squeeze %dma_start3A_1285 : memref<1x50xi32, #tpu.memory_space<vmem>> -> memref<50xi32, #tpu.memory_space<vmem>>
      %dma_start3A_1287 = arith.constant 0 : i32
      %dma_start3A_1288 = arith.constant 0 : i32
      %dma_start3A_1289 = tpu.memref_slice %arg2[%dma_start3A_1287, %dma_start3A_1288] : memref<1000000x64xf32, #tpu.memory_space<hbm>> -> memref<1000000x64xf32, #tpu.memory_space<hbm>>
      %dma_start3A_1290 = tpu.memref_slice %arg7[%dma_start3A_1279] : memref<8x!tpu.dma_semaphore, #tpu.memory_space<semaphore_mem>> -> memref<1x!tpu.dma_semaphore, #tpu.memory_space<semaphore_mem>>
      %dma_start3A_1291 = tpu.memref_squeeze %dma_start3A_1290 : memref<1x!tpu.dma_semaphore, #tpu.memory_space<semaphore_mem>> -> memref<!tpu.dma_semaphore, #tpu.memory_space<semaphore_mem>>
      tpu.enqueue_indirect_dma source(%dma_start3A_1289 : memref<1000000x64xf32, #tpu.memory_space<hbm>>) target(%dma_start3A_1283 : memref<50x64xf32, #tpu.memory_space<vmem>>) offsets(%dma_start3A_1286 : memref<50xi32, #tpu.memory_space<vmem>>) semaphore(%dma_start3A_1291 : memref<!tpu.dma_semaphore, #tpu.memory_space<semaphore_mem>>)
      %add3A_1292 = arith.constant 7 : i32
      %add3A_1293 = arith.addi %mul3A_696, %add3A_1292 : i32
      %dma_wait3A_1294 = arith.constant 7 : i32
      %dma_wait3A_1295 = arith.constant 7 : i32
      %dma_wait3A_1296 = arith.constant 0 : i32
      %dma_wait3A_1297 = arith.constant 0 : i32
      %dma_wait3A_1298 = tpu.memref_slice %arg6[%dma_wait3A_1294, %dma_wait3A_1296, %dma_wait3A_1297] : memref<8x50x64xf32, #tpu.memory_space<vmem>> -> memref<1x50x64xf32, #tpu.memory_space<vmem>>
      %dma_wait3A_1299 = tpu.memref_squeeze %dma_wait3A_1298 : memref<1x50x64xf32, #tpu.memory_space<vmem>> -> memref<50x64xf32, #tpu.memory_space<vmem>>
      %dma_wait3A_1300 = arith.constant 0 : i32
      %dma_wait3A_1301 = tpu.memref_slice %arg5[%add3A_1293, %dma_wait3A_1300] : memref<128x50xi32, #tpu.memory_space<vmem>> -> memref<1x50xi32, #tpu.memory_space<vmem>>
      %dma_wait3A_1302 = tpu.memref_squeeze %dma_wait3A_1301 : memref<1x50xi32, #tpu.memory_space<vmem>> -> memref<50xi32, #tpu.memory_space<vmem>>
      %dma_wait3A_1303 = arith.constant 0 : i32
      %dma_wait3A_1304 = arith.constant 0 : i32
      %dma_wait3A_1305 = tpu.memref_slice %arg2[%dma_wait3A_1303, %dma_wait3A_1304] : memref<1000000x64xf32, #tpu.memory_space<hbm>> -> memref<1000000x64xf32, #tpu.memory_space<hbm>>
      %dma_wait3A_1306 = tpu.memref_slice %arg7[%dma_wait3A_1295] : memref<8x!tpu.dma_semaphore, #tpu.memory_space<semaphore_mem>> -> memref<1x!tpu.dma_semaphore, #tpu.memory_space<semaphore_mem>>
      %dma_wait3A_1307 = tpu.memref_squeeze %dma_wait3A_1306 : memref<1x!tpu.dma_semaphore, #tpu.memory_space<semaphore_mem>> -> memref<!tpu.dma_semaphore, #tpu.memory_space<semaphore_mem>>
      tpu.wait_indirect_dma semaphore(%dma_wait3A_1307 : memref<!tpu.dma_semaphore, #tpu.memory_space<semaphore_mem>>) src(%dma_wait3A_1305 : memref<1000000x64xf32, #tpu.memory_space<hbm>>) dst(%dma_wait3A_1299 : memref<50x64xf32, #tpu.memory_space<vmem>>)
      %add3A_1308 = arith.addi %mul3A_2, %add3A_1293 : i32
      %dma_start3A_1309 = arith.constant 7 : i32
      %dma_start3A_1310 = arith.constant 7 : i32
      %dma_start3A_1311 = arith.constant 0 : i32
      %dma_start3A_1312 = arith.constant 0 : i32
      %dma_start3A_1313 = tpu.memref_slice %arg6[%dma_start3A_1309, %dma_start3A_1311, %dma_start3A_1312] : memref<8x50x64xf32, #tpu.memory_space<vmem>> -> memref<1x50x64xf32, #tpu.memory_space<vmem>>
      %dma_start3A_1314 = tpu.memref_squeeze %dma_start3A_1313 : memref<1x50x64xf32, #tpu.memory_space<vmem>> -> memref<50x64xf32, #tpu.memory_space<vmem>>
      %dma_start3A_1315 = arith.constant 0 : i32
      %dma_start3A_1316 = arith.constant 0 : i32
      %dma_start3A_1317 = tpu.memref_slice %arg4[%add3A_1308, %dma_start3A_1315, %dma_start3A_1316] : memref<4096x56x128xf32, #tpu.memory_space<hbm>> -> memref<1x56x128xf32, #tpu.memory_space<hbm>>
      %dma_start3A_1318 = tpu.memref_squeeze %dma_start3A_1317 : memref<1x56x128xf32, #tpu.memory_space<hbm>> -> memref<56x128xf32, #tpu.memory_space<hbm>>
      %dma_start3A_1319 = arith.constant 0 : i32
      %dma_start3A_1320 = arith.constant 0 : i32
      %dma_start3A_1321 = tpu.memref_slice %dma_start3A_1318[%dma_start3A_1319, %dma_start3A_1320] : memref<56x128xf32, #tpu.memory_space<hbm>> -> memref<50x64xf32, #tpu.memory_space<hbm>>
      %dma_start3A_1322 = tpu.memref_slice %arg8[%dma_start3A_1310] : memref<8x!tpu.dma_semaphore, #tpu.memory_space<semaphore_mem>> -> memref<1x!tpu.dma_semaphore, #tpu.memory_space<semaphore_mem>>
      %dma_start3A_1323 = tpu.memref_squeeze %dma_start3A_1322 : memref<1x!tpu.dma_semaphore, #tpu.memory_space<semaphore_mem>> -> memref<!tpu.dma_semaphore, #tpu.memory_space<semaphore_mem>>
      %dma_start3A_1324 = arith.constant 0 : i32
      %dma_start3A_1325 = arith.constant 0 : i32
      %dma_start3A_1326 = tpu.memref_slice %arg4[%add3A_1308, %dma_start3A_1324, %dma_start3A_1325] : memref<4096x56x128xf32, #tpu.memory_space<hbm>> -> memref<1x56x128xf32, #tpu.memory_space<hbm>>
      %dma_start3A_1327 = tpu.memref_squeeze %dma_start3A_1326 : memref<1x56x128xf32, #tpu.memory_space<hbm>> -> memref<56x128xf32, #tpu.memory_space<hbm>>
      %dma_start3A_1328 = arith.constant 0 : i32
      %dma_start3A_1329 = arith.constant 0 : i32
      %dma_start3A_1330 = tpu.memref_slice %dma_start3A_1327[%dma_start3A_1328, %dma_start3A_1329] : memref<56x128xf32, #tpu.memory_space<hbm>> -> memref<50x64xf32, #tpu.memory_space<hbm>>
      %dma_start3A_1331 = arith.constant 0 : i32
      %dma_start3A_1332 = arith.constant 0 : i32
      %dma_start3A_1333 = tpu.memref_slice %arg6[%dma_start3A_1309, %dma_start3A_1331, %dma_start3A_1332] : memref<8x50x64xf32, #tpu.memory_space<vmem>> -> memref<1x50x64xf32, #tpu.memory_space<vmem>>
      %dma_start3A_1334 = tpu.memref_squeeze %dma_start3A_1333 : memref<1x50x64xf32, #tpu.memory_space<vmem>> -> memref<50x64xf32, #tpu.memory_space<vmem>>
      tpu.enqueue_dma source(%dma_start3A_1334 : memref<50x64xf32, #tpu.memory_space<vmem>>) target(%dma_start3A_1330 : memref<50x64xf32, #tpu.memory_space<hbm>>) target_semaphore(%dma_start3A_1323 : memref<!tpu.dma_semaphore, #tpu.memory_space<semaphore_mem>>)
      %dma_wait3A_1335 = arith.constant 7 : i32
      %dma_wait3A_1336 = arith.constant 7 : i32
      %dma_wait3A_1337 = arith.constant 0 : i32
      %dma_wait3A_1338 = arith.constant 0 : i32
      %dma_wait3A_1339 = tpu.memref_slice %arg6[%dma_wait3A_1335, %dma_wait3A_1337, %dma_wait3A_1338] : memref<8x50x64xf32, #tpu.memory_space<vmem>> -> memref<1x50x64xf32, #tpu.memory_space<vmem>>
      %dma_wait3A_1340 = tpu.memref_squeeze %dma_wait3A_1339 : memref<1x50x64xf32, #tpu.memory_space<vmem>> -> memref<50x64xf32, #tpu.memory_space<vmem>>
      %dma_wait3A_1341 = arith.constant 0 : i32
      %dma_wait3A_1342 = arith.constant 0 : i32
      %dma_wait3A_1343 = tpu.memref_slice %arg4[%add3A_1308, %dma_wait3A_1341, %dma_wait3A_1342] : memref<4096x56x128xf32, #tpu.memory_space<hbm>> -> memref<1x56x128xf32, #tpu.memory_space<hbm>>
      %dma_wait3A_1344 = tpu.memref_squeeze %dma_wait3A_1343 : memref<1x56x128xf32, #tpu.memory_space<hbm>> -> memref<56x128xf32, #tpu.memory_space<hbm>>
      %dma_wait3A_1345 = arith.constant 0 : i32
      %dma_wait3A_1346 = arith.constant 0 : i32
      %dma_wait3A_1347 = tpu.memref_slice %dma_wait3A_1344[%dma_wait3A_1345, %dma_wait3A_1346] : memref<56x128xf32, #tpu.memory_space<hbm>> -> memref<50x64xf32, #tpu.memory_space<hbm>>
      %dma_wait3A_1348 = tpu.memref_slice %arg8[%dma_wait3A_1336] : memref<8x!tpu.dma_semaphore, #tpu.memory_space<semaphore_mem>> -> memref<1x!tpu.dma_semaphore, #tpu.memory_space<semaphore_mem>>
      %dma_wait3A_1349 = tpu.memref_squeeze %dma_wait3A_1348 : memref<1x!tpu.dma_semaphore, #tpu.memory_space<semaphore_mem>> -> memref<!tpu.dma_semaphore, #tpu.memory_space<semaphore_mem>>
      %dma_wait3A_1350 = arith.constant 0 : i32
      %dma_wait3A_1351 = arith.constant 0 : i32
      %dma_wait3A_1352 = tpu.memref_slice %arg4[%add3A_1308, %dma_wait3A_1350, %dma_wait3A_1351] : memref<4096x56x128xf32, #tpu.memory_space<hbm>> -> memref<1x56x128xf32, #tpu.memory_space<hbm>>
      %dma_wait3A_1353 = tpu.memref_squeeze %dma_wait3A_1352 : memref<1x56x128xf32, #tpu.memory_space<hbm>> -> memref<56x128xf32, #tpu.memory_space<hbm>>
      %dma_wait3A_1354 = arith.constant 0 : i32
      %dma_wait3A_1355 = arith.constant 0 : i32
      %dma_wait3A_1356 = tpu.memref_slice %dma_wait3A_1353[%dma_wait3A_1354, %dma_wait3A_1355] : memref<56x128xf32, #tpu.memory_space<hbm>> -> memref<50x64xf32, #tpu.memory_space<hbm>>
      %dma_wait3A_1357 = arith.constant 0 : i32
      %dma_wait3A_1358 = arith.constant 0 : i32
      %dma_wait3A_1359 = tpu.memref_slice %arg6[%dma_wait3A_1335, %dma_wait3A_1357, %dma_wait3A_1358] : memref<8x50x64xf32, #tpu.memory_space<vmem>> -> memref<1x50x64xf32, #tpu.memory_space<vmem>>
      %dma_wait3A_1360 = tpu.memref_squeeze %dma_wait3A_1359 : memref<1x50x64xf32, #tpu.memory_space<vmem>> -> memref<50x64xf32, #tpu.memory_space<vmem>>
      tpu.wait_dma2 semaphore(%dma_wait3A_1349 : memref<!tpu.dma_semaphore, #tpu.memory_space<semaphore_mem>>) src(%dma_wait3A_1360 : memref<50x64xf32, #tpu.memory_space<vmem>>) dst(%dma_wait3A_1356 : memref<50x64xf32, #tpu.memory_space<hbm>>)
      %add3A_1361 = arith.constant 8 : i32
      %add3A_1362 = arith.addi %add3A_1293, %add3A_1361 : i32
      %dma_start3A_1363 = arith.constant 7 : i32
      %dma_start3A_1364 = arith.constant 7 : i32
      %dma_start3A_1365 = arith.constant 0 : i32
      %dma_start3A_1366 = arith.constant 0 : i32
      %dma_start3A_1367 = tpu.memref_slice %arg6[%dma_start3A_1363, %dma_start3A_1365, %dma_start3A_1366] : memref<8x50x64xf32, #tpu.memory_space<vmem>> -> memref<1x50x64xf32, #tpu.memory_space<vmem>>
      %dma_start3A_1368 = tpu.memref_squeeze %dma_start3A_1367 : memref<1x50x64xf32, #tpu.memory_space<vmem>> -> memref<50x64xf32, #tpu.memory_space<vmem>>
      %dma_start3A_1369 = arith.constant 0 : i32
      %dma_start3A_1370 = tpu.memref_slice %arg5[%add3A_1362, %dma_start3A_1369] : memref<128x50xi32, #tpu.memory_space<vmem>> -> memref<1x50xi32, #tpu.memory_space<vmem>>
      %dma_start3A_1371 = tpu.memref_squeeze %dma_start3A_1370 : memref<1x50xi32, #tpu.memory_space<vmem>> -> memref<50xi32, #tpu.memory_space<vmem>>
      %dma_start3A_1372 = arith.constant 0 : i32
      %dma_start3A_1373 = arith.constant 0 : i32
      %dma_start3A_1374 = tpu.memref_slice %arg2[%dma_start3A_1372, %dma_start3A_1373] : memref<1000000x64xf32, #tpu.memory_space<hbm>> -> memref<1000000x64xf32, #tpu.memory_space<hbm>>
      %dma_start3A_1375 = tpu.memref_slice %arg7[%dma_start3A_1364] : memref<8x!tpu.dma_semaphore, #tpu.memory_space<semaphore_mem>> -> memref<1x!tpu.dma_semaphore, #tpu.memory_space<semaphore_mem>>
      %dma_start3A_1376 = tpu.memref_squeeze %dma_start3A_1375 : memref<1x!tpu.dma_semaphore, #tpu.memory_space<semaphore_mem>> -> memref<!tpu.dma_semaphore, #tpu.memory_space<semaphore_mem>>
      tpu.enqueue_indirect_dma source(%dma_start3A_1374 : memref<1000000x64xf32, #tpu.memory_space<hbm>>) target(%dma_start3A_1368 : memref<50x64xf32, #tpu.memory_space<vmem>>) offsets(%dma_start3A_1371 : memref<50xi32, #tpu.memory_space<vmem>>) semaphore(%dma_start3A_1376 : memref<!tpu.dma_semaphore, #tpu.memory_space<semaphore_mem>>)
    }
    %scan3A_126 = arith.constant 15 : i32
    %dma_wait3A = arith.constant 120 : i32
    %dma_wait3A_127 = arith.constant 0 : i32
    %dma_wait3A_128 = arith.constant 0 : i32
    %dma_wait3A_129 = arith.constant 0 : i32
    %dma_wait3A_130 = arith.constant 0 : i32
    %dma_wait3A_131 = tpu.memref_slice %arg6[%dma_wait3A_127, %dma_wait3A_129, %dma_wait3A_130] : memref<8x50x64xf32, #tpu.memory_space<vmem>> -> memref<1x50x64xf32, #tpu.memory_space<vmem>>
    %dma_wait3A_132 = tpu.memref_squeeze %dma_wait3A_131 : memref<1x50x64xf32, #tpu.memory_space<vmem>> -> memref<50x64xf32, #tpu.memory_space<vmem>>
    %dma_wait3A_133 = arith.constant 0 : i32
    %dma_wait3A_134 = tpu.memref_slice %arg5[%dma_wait3A, %dma_wait3A_133] : memref<128x50xi32, #tpu.memory_space<vmem>> -> memref<1x50xi32, #tpu.memory_space<vmem>>
    %dma_wait3A_135 = tpu.memref_squeeze %dma_wait3A_134 : memref<1x50xi32, #tpu.memory_space<vmem>> -> memref<50xi32, #tpu.memory_space<vmem>>
    %dma_wait3A_136 = arith.constant 0 : i32
    %dma_wait3A_137 = arith.constant 0 : i32
    %dma_wait3A_138 = tpu.memref_slice %arg2[%dma_wait3A_136, %dma_wait3A_137] : memref<1000000x64xf32, #tpu.memory_space<hbm>> -> memref<1000000x64xf32, #tpu.memory_space<hbm>>
    %dma_wait3A_139 = tpu.memref_slice %arg7[%dma_wait3A_128] : memref<8x!tpu.dma_semaphore, #tpu.memory_space<semaphore_mem>> -> memref<1x!tpu.dma_semaphore, #tpu.memory_space<semaphore_mem>>
    %dma_wait3A_140 = tpu.memref_squeeze %dma_wait3A_139 : memref<1x!tpu.dma_semaphore, #tpu.memory_space<semaphore_mem>> -> memref<!tpu.dma_semaphore, #tpu.memory_space<semaphore_mem>>
    tpu.wait_indirect_dma semaphore(%dma_wait3A_140 : memref<!tpu.dma_semaphore, #tpu.memory_space<semaphore_mem>>) src(%dma_wait3A_138 : memref<1000000x64xf32, #tpu.memory_space<hbm>>) dst(%dma_wait3A_132 : memref<50x64xf32, #tpu.memory_space<vmem>>)
    %add3A_141 = arith.constant 120 : i32
    %add3A_142 = arith.addi %mul3A_2, %add3A_141 : i32
    %dma_start3A_143 = arith.constant 0 : i32
    %dma_start3A_144 = arith.constant 0 : i32
    %dma_start3A_145 = arith.constant 0 : i32
    %dma_start3A_146 = arith.constant 0 : i32
    %dma_start3A_147 = tpu.memref_slice %arg6[%dma_start3A_143, %dma_start3A_145, %dma_start3A_146] : memref<8x50x64xf32, #tpu.memory_space<vmem>> -> memref<1x50x64xf32, #tpu.memory_space<vmem>>
    %dma_start3A_148 = tpu.memref_squeeze %dma_start3A_147 : memref<1x50x64xf32, #tpu.memory_space<vmem>> -> memref<50x64xf32, #tpu.memory_space<vmem>>
    %dma_start3A_149 = arith.constant 0 : i32
    %dma_start3A_150 = arith.constant 0 : i32
    %dma_start3A_151 = tpu.memref_slice %arg4[%add3A_142, %dma_start3A_149, %dma_start3A_150] : memref<4096x56x128xf32, #tpu.memory_space<hbm>> -> memref<1x56x128xf32, #tpu.memory_space<hbm>>
    %dma_start3A_152 = tpu.memref_squeeze %dma_start3A_151 : memref<1x56x128xf32, #tpu.memory_space<hbm>> -> memref<56x128xf32, #tpu.memory_space<hbm>>
    %dma_start3A_153 = arith.constant 0 : i32
    %dma_start3A_154 = arith.constant 0 : i32
    %dma_start3A_155 = tpu.memref_slice %dma_start3A_152[%dma_start3A_153, %dma_start3A_154] : memref<56x128xf32, #tpu.memory_space<hbm>> -> memref<50x64xf32, #tpu.memory_space<hbm>>
    %dma_start3A_156 = tpu.memref_slice %arg8[%dma_start3A_144] : memref<8x!tpu.dma_semaphore, #tpu.memory_space<semaphore_mem>> -> memref<1x!tpu.dma_semaphore, #tpu.memory_space<semaphore_mem>>
    %dma_start3A_157 = tpu.memref_squeeze %dma_start3A_156 : memref<1x!tpu.dma_semaphore, #tpu.memory_space<semaphore_mem>> -> memref<!tpu.dma_semaphore, #tpu.memory_space<semaphore_mem>>
    %dma_start3A_158 = arith.constant 0 : i32
    %dma_start3A_159 = arith.constant 0 : i32
    %dma_start3A_160 = tpu.memref_slice %arg4[%add3A_142, %dma_start3A_158, %dma_start3A_159] : memref<4096x56x128xf32, #tpu.memory_space<hbm>> -> memref<1x56x128xf32, #tpu.memory_space<hbm>>
    %dma_start3A_161 = tpu.memref_squeeze %dma_start3A_160 : memref<1x56x128xf32, #tpu.memory_space<hbm>> -> memref<56x128xf32, #tpu.memory_space<hbm>>
    %dma_start3A_162 = arith.constant 0 : i32
    %dma_start3A_163 = arith.constant 0 : i32
    %dma_start3A_164 = tpu.memref_slice %dma_start3A_161[%dma_start3A_162, %dma_start3A_163] : memref<56x128xf32, #tpu.memory_space<hbm>> -> memref<50x64xf32, #tpu.memory_space<hbm>>
    %dma_start3A_165 = arith.constant 0 : i32
    %dma_start3A_166 = arith.constant 0 : i32
    %dma_start3A_167 = tpu.memref_slice %arg6[%dma_start3A_143, %dma_start3A_165, %dma_start3A_166] : memref<8x50x64xf32, #tpu.memory_space<vmem>> -> memref<1x50x64xf32, #tpu.memory_space<vmem>>
    %dma_start3A_168 = tpu.memref_squeeze %dma_start3A_167 : memref<1x50x64xf32, #tpu.memory_space<vmem>> -> memref<50x64xf32, #tpu.memory_space<vmem>>
    tpu.enqueue_dma source(%dma_start3A_168 : memref<50x64xf32, #tpu.memory_space<vmem>>) target(%dma_start3A_164 : memref<50x64xf32, #tpu.memory_space<hbm>>) target_semaphore(%dma_start3A_157 : memref<!tpu.dma_semaphore, #tpu.memory_space<semaphore_mem>>)
    %dma_wait3A_169 = arith.constant 121 : i32
    %dma_wait3A_170 = arith.constant 1 : i32
    %dma_wait3A_171 = arith.constant 1 : i32
    %dma_wait3A_172 = arith.constant 0 : i32
    %dma_wait3A_173 = arith.constant 0 : i32
    %dma_wait3A_174 = tpu.memref_slice %arg6[%dma_wait3A_170, %dma_wait3A_172, %dma_wait3A_173] : memref<8x50x64xf32, #tpu.memory_space<vmem>> -> memref<1x50x64xf32, #tpu.memory_space<vmem>>
    %dma_wait3A_175 = tpu.memref_squeeze %dma_wait3A_174 : memref<1x50x64xf32, #tpu.memory_space<vmem>> -> memref<50x64xf32, #tpu.memory_space<vmem>>
    %dma_wait3A_176 = arith.constant 0 : i32
    %dma_wait3A_177 = tpu.memref_slice %arg5[%dma_wait3A_169, %dma_wait3A_176] : memref<128x50xi32, #tpu.memory_space<vmem>> -> memref<1x50xi32, #tpu.memory_space<vmem>>
    %dma_wait3A_178 = tpu.memref_squeeze %dma_wait3A_177 : memref<1x50xi32, #tpu.memory_space<vmem>> -> memref<50xi32, #tpu.memory_space<vmem>>
    %dma_wait3A_179 = arith.constant 0 : i32
    %dma_wait3A_180 = arith.constant 0 : i32
    %dma_wait3A_181 = tpu.memref_slice %arg2[%dma_wait3A_179, %dma_wait3A_180] : memref<1000000x64xf32, #tpu.memory_space<hbm>> -> memref<1000000x64xf32, #tpu.memory_space<hbm>>
    %dma_wait3A_182 = tpu.memref_slice %arg7[%dma_wait3A_171] : memref<8x!tpu.dma_semaphore, #tpu.memory_space<semaphore_mem>> -> memref<1x!tpu.dma_semaphore, #tpu.memory_space<semaphore_mem>>
    %dma_wait3A_183 = tpu.memref_squeeze %dma_wait3A_182 : memref<1x!tpu.dma_semaphore, #tpu.memory_space<semaphore_mem>> -> memref<!tpu.dma_semaphore, #tpu.memory_space<semaphore_mem>>
    tpu.wait_indirect_dma semaphore(%dma_wait3A_183 : memref<!tpu.dma_semaphore, #tpu.memory_space<semaphore_mem>>) src(%dma_wait3A_181 : memref<1000000x64xf32, #tpu.memory_space<hbm>>) dst(%dma_wait3A_175 : memref<50x64xf32, #tpu.memory_space<vmem>>)
    %add3A_184 = arith.constant 121 : i32
    %add3A_185 = arith.addi %mul3A_2, %add3A_184 : i32
    %dma_start3A_186 = arith.constant 1 : i32
    %dma_start3A_187 = arith.constant 1 : i32
    %dma_start3A_188 = arith.constant 0 : i32
    %dma_start3A_189 = arith.constant 0 : i32
    %dma_start3A_190 = tpu.memref_slice %arg6[%dma_start3A_186, %dma_start3A_188, %dma_start3A_189] : memref<8x50x64xf32, #tpu.memory_space<vmem>> -> memref<1x50x64xf32, #tpu.memory_space<vmem>>
    %dma_start3A_191 = tpu.memref_squeeze %dma_start3A_190 : memref<1x50x64xf32, #tpu.memory_space<vmem>> -> memref<50x64xf32, #tpu.memory_space<vmem>>
    %dma_start3A_192 = arith.constant 0 : i32
    %dma_start3A_193 = arith.constant 0 : i32
    %dma_start3A_194 = tpu.memref_slice %arg4[%add3A_185, %dma_start3A_192, %dma_start3A_193] : memref<4096x56x128xf32, #tpu.memory_space<hbm>> -> memref<1x56x128xf32, #tpu.memory_space<hbm>>
    %dma_start3A_195 = tpu.memref_squeeze %dma_start3A_194 : memref<1x56x128xf32, #tpu.memory_space<hbm>> -> memref<56x128xf32, #tpu.memory_space<hbm>>
    %dma_start3A_196 = arith.constant 0 : i32
    %dma_start3A_197 = arith.constant 0 : i32
    %dma_start3A_198 = tpu.memref_slice %dma_start3A_195[%dma_start3A_196, %dma_start3A_197] : memref<56x128xf32, #tpu.memory_space<hbm>> -> memref<50x64xf32, #tpu.memory_space<hbm>>
    %dma_start3A_199 = tpu.memref_slice %arg8[%dma_start3A_187] : memref<8x!tpu.dma_semaphore, #tpu.memory_space<semaphore_mem>> -> memref<1x!tpu.dma_semaphore, #tpu.memory_space<semaphore_mem>>
    %dma_start3A_200 = tpu.memref_squeeze %dma_start3A_199 : memref<1x!tpu.dma_semaphore, #tpu.memory_space<semaphore_mem>> -> memref<!tpu.dma_semaphore, #tpu.memory_space<semaphore_mem>>
    %dma_start3A_201 = arith.constant 0 : i32
    %dma_start3A_202 = arith.constant 0 : i32
    %dma_start3A_203 = tpu.memref_slice %arg4[%add3A_185, %dma_start3A_201, %dma_start3A_202] : memref<4096x56x128xf32, #tpu.memory_space<hbm>> -> memref<1x56x128xf32, #tpu.memory_space<hbm>>
    %dma_start3A_204 = tpu.memref_squeeze %dma_start3A_203 : memref<1x56x128xf32, #tpu.memory_space<hbm>> -> memref<56x128xf32, #tpu.memory_space<hbm>>
    %dma_start3A_205 = arith.constant 0 : i32
    %dma_start3A_206 = arith.constant 0 : i32
    %dma_start3A_207 = tpu.memref_slice %dma_start3A_204[%dma_start3A_205, %dma_start3A_206] : memref<56x128xf32, #tpu.memory_space<hbm>> -> memref<50x64xf32, #tpu.memory_space<hbm>>
    %dma_start3A_208 = arith.constant 0 : i32
    %dma_start3A_209 = arith.constant 0 : i32
    %dma_start3A_210 = tpu.memref_slice %arg6[%dma_start3A_186, %dma_start3A_208, %dma_start3A_209] : memref<8x50x64xf32, #tpu.memory_space<vmem>> -> memref<1x50x64xf32, #tpu.memory_space<vmem>>
    %dma_start3A_211 = tpu.memref_squeeze %dma_start3A_210 : memref<1x50x64xf32, #tpu.memory_space<vmem>> -> memref<50x64xf32, #tpu.memory_space<vmem>>
    tpu.enqueue_dma source(%dma_start3A_211 : memref<50x64xf32, #tpu.memory_space<vmem>>) target(%dma_start3A_207 : memref<50x64xf32, #tpu.memory_space<hbm>>) target_semaphore(%dma_start3A_200 : memref<!tpu.dma_semaphore, #tpu.memory_space<semaphore_mem>>)
    %dma_wait3A_212 = arith.constant 122 : i32
    %dma_wait3A_213 = arith.constant 2 : i32
    %dma_wait3A_214 = arith.constant 2 : i32
    %dma_wait3A_215 = arith.constant 0 : i32
    %dma_wait3A_216 = arith.constant 0 : i32
    %dma_wait3A_217 = tpu.memref_slice %arg6[%dma_wait3A_213, %dma_wait3A_215, %dma_wait3A_216] : memref<8x50x64xf32, #tpu.memory_space<vmem>> -> memref<1x50x64xf32, #tpu.memory_space<vmem>>
    %dma_wait3A_218 = tpu.memref_squeeze %dma_wait3A_217 : memref<1x50x64xf32, #tpu.memory_space<vmem>> -> memref<50x64xf32, #tpu.memory_space<vmem>>
    %dma_wait3A_219 = arith.constant 0 : i32
    %dma_wait3A_220 = tpu.memref_slice %arg5[%dma_wait3A_212, %dma_wait3A_219] : memref<128x50xi32, #tpu.memory_space<vmem>> -> memref<1x50xi32, #tpu.memory_space<vmem>>
    %dma_wait3A_221 = tpu.memref_squeeze %dma_wait3A_220 : memref<1x50xi32, #tpu.memory_space<vmem>> -> memref<50xi32, #tpu.memory_space<vmem>>
    %dma_wait3A_222 = arith.constant 0 : i32
    %dma_wait3A_223 = arith.constant 0 : i32
    %dma_wait3A_224 = tpu.memref_slice %arg2[%dma_wait3A_222, %dma_wait3A_223] : memref<1000000x64xf32, #tpu.memory_space<hbm>> -> memref<1000000x64xf32, #tpu.memory_space<hbm>>
    %dma_wait3A_225 = tpu.memref_slice %arg7[%dma_wait3A_214] : memref<8x!tpu.dma_semaphore, #tpu.memory_space<semaphore_mem>> -> memref<1x!tpu.dma_semaphore, #tpu.memory_space<semaphore_mem>>
    %dma_wait3A_226 = tpu.memref_squeeze %dma_wait3A_225 : memref<1x!tpu.dma_semaphore, #tpu.memory_space<semaphore_mem>> -> memref<!tpu.dma_semaphore, #tpu.memory_space<semaphore_mem>>
    tpu.wait_indirect_dma semaphore(%dma_wait3A_226 : memref<!tpu.dma_semaphore, #tpu.memory_space<semaphore_mem>>) src(%dma_wait3A_224 : memref<1000000x64xf32, #tpu.memory_space<hbm>>) dst(%dma_wait3A_218 : memref<50x64xf32, #tpu.memory_space<vmem>>)
    %add3A_227 = arith.constant 122 : i32
    %add3A_228 = arith.addi %mul3A_2, %add3A_227 : i32
    %dma_start3A_229 = arith.constant 2 : i32
    %dma_start3A_230 = arith.constant 2 : i32
    %dma_start3A_231 = arith.constant 0 : i32
    %dma_start3A_232 = arith.constant 0 : i32
    %dma_start3A_233 = tpu.memref_slice %arg6[%dma_start3A_229, %dma_start3A_231, %dma_start3A_232] : memref<8x50x64xf32, #tpu.memory_space<vmem>> -> memref<1x50x64xf32, #tpu.memory_space<vmem>>
    %dma_start3A_234 = tpu.memref_squeeze %dma_start3A_233 : memref<1x50x64xf32, #tpu.memory_space<vmem>> -> memref<50x64xf32, #tpu.memory_space<vmem>>
    %dma_start3A_235 = arith.constant 0 : i32
    %dma_start3A_236 = arith.constant 0 : i32
    %dma_start3A_237 = tpu.memref_slice %arg4[%add3A_228, %dma_start3A_235, %dma_start3A_236] : memref<4096x56x128xf32, #tpu.memory_space<hbm>> -> memref<1x56x128xf32, #tpu.memory_space<hbm>>
    %dma_start3A_238 = tpu.memref_squeeze %dma_start3A_237 : memref<1x56x128xf32, #tpu.memory_space<hbm>> -> memref<56x128xf32, #tpu.memory_space<hbm>>
    %dma_start3A_239 = arith.constant 0 : i32
    %dma_start3A_240 = arith.constant 0 : i32
    %dma_start3A_241 = tpu.memref_slice %dma_start3A_238[%dma_start3A_239, %dma_start3A_240] : memref<56x128xf32, #tpu.memory_space<hbm>> -> memref<50x64xf32, #tpu.memory_space<hbm>>
    %dma_start3A_242 = tpu.memref_slice %arg8[%dma_start3A_230] : memref<8x!tpu.dma_semaphore, #tpu.memory_space<semaphore_mem>> -> memref<1x!tpu.dma_semaphore, #tpu.memory_space<semaphore_mem>>
    %dma_start3A_243 = tpu.memref_squeeze %dma_start3A_242 : memref<1x!tpu.dma_semaphore, #tpu.memory_space<semaphore_mem>> -> memref<!tpu.dma_semaphore, #tpu.memory_space<semaphore_mem>>
    %dma_start3A_244 = arith.constant 0 : i32
    %dma_start3A_245 = arith.constant 0 : i32
    %dma_start3A_246 = tpu.memref_slice %arg4[%add3A_228, %dma_start3A_244, %dma_start3A_245] : memref<4096x56x128xf32, #tpu.memory_space<hbm>> -> memref<1x56x128xf32, #tpu.memory_space<hbm>>
    %dma_start3A_247 = tpu.memref_squeeze %dma_start3A_246 : memref<1x56x128xf32, #tpu.memory_space<hbm>> -> memref<56x128xf32, #tpu.memory_space<hbm>>
    %dma_start3A_248 = arith.constant 0 : i32
    %dma_start3A_249 = arith.constant 0 : i32
    %dma_start3A_250 = tpu.memref_slice %dma_start3A_247[%dma_start3A_248, %dma_start3A_249] : memref<56x128xf32, #tpu.memory_space<hbm>> -> memref<50x64xf32, #tpu.memory_space<hbm>>
    %dma_start3A_251 = arith.constant 0 : i32
    %dma_start3A_252 = arith.constant 0 : i32
    %dma_start3A_253 = tpu.memref_slice %arg6[%dma_start3A_229, %dma_start3A_251, %dma_start3A_252] : memref<8x50x64xf32, #tpu.memory_space<vmem>> -> memref<1x50x64xf32, #tpu.memory_space<vmem>>
    %dma_start3A_254 = tpu.memref_squeeze %dma_start3A_253 : memref<1x50x64xf32, #tpu.memory_space<vmem>> -> memref<50x64xf32, #tpu.memory_space<vmem>>
    tpu.enqueue_dma source(%dma_start3A_254 : memref<50x64xf32, #tpu.memory_space<vmem>>) target(%dma_start3A_250 : memref<50x64xf32, #tpu.memory_space<hbm>>) target_semaphore(%dma_start3A_243 : memref<!tpu.dma_semaphore, #tpu.memory_space<semaphore_mem>>)
    %dma_wait3A_255 = arith.constant 123 : i32
    %dma_wait3A_256 = arith.constant 3 : i32
    %dma_wait3A_257 = arith.constant 3 : i32
    %dma_wait3A_258 = arith.constant 0 : i32
    %dma_wait3A_259 = arith.constant 0 : i32
    %dma_wait3A_260 = tpu.memref_slice %arg6[%dma_wait3A_256, %dma_wait3A_258, %dma_wait3A_259] : memref<8x50x64xf32, #tpu.memory_space<vmem>> -> memref<1x50x64xf32, #tpu.memory_space<vmem>>
    %dma_wait3A_261 = tpu.memref_squeeze %dma_wait3A_260 : memref<1x50x64xf32, #tpu.memory_space<vmem>> -> memref<50x64xf32, #tpu.memory_space<vmem>>
    %dma_wait3A_262 = arith.constant 0 : i32
    %dma_wait3A_263 = tpu.memref_slice %arg5[%dma_wait3A_255, %dma_wait3A_262] : memref<128x50xi32, #tpu.memory_space<vmem>> -> memref<1x50xi32, #tpu.memory_space<vmem>>
    %dma_wait3A_264 = tpu.memref_squeeze %dma_wait3A_263 : memref<1x50xi32, #tpu.memory_space<vmem>> -> memref<50xi32, #tpu.memory_space<vmem>>
    %dma_wait3A_265 = arith.constant 0 : i32
    %dma_wait3A_266 = arith.constant 0 : i32
    %dma_wait3A_267 = tpu.memref_slice %arg2[%dma_wait3A_265, %dma_wait3A_266] : memref<1000000x64xf32, #tpu.memory_space<hbm>> -> memref<1000000x64xf32, #tpu.memory_space<hbm>>
    %dma_wait3A_268 = tpu.memref_slice %arg7[%dma_wait3A_257] : memref<8x!tpu.dma_semaphore, #tpu.memory_space<semaphore_mem>> -> memref<1x!tpu.dma_semaphore, #tpu.memory_space<semaphore_mem>>
    %dma_wait3A_269 = tpu.memref_squeeze %dma_wait3A_268 : memref<1x!tpu.dma_semaphore, #tpu.memory_space<semaphore_mem>> -> memref<!tpu.dma_semaphore, #tpu.memory_space<semaphore_mem>>
    tpu.wait_indirect_dma semaphore(%dma_wait3A_269 : memref<!tpu.dma_semaphore, #tpu.memory_space<semaphore_mem>>) src(%dma_wait3A_267 : memref<1000000x64xf32, #tpu.memory_space<hbm>>) dst(%dma_wait3A_261 : memref<50x64xf32, #tpu.memory_space<vmem>>)
    %add3A_270 = arith.constant 123 : i32
    %add3A_271 = arith.addi %mul3A_2, %add3A_270 : i32
    %dma_start3A_272 = arith.constant 3 : i32
    %dma_start3A_273 = arith.constant 3 : i32
    %dma_start3A_274 = arith.constant 0 : i32
    %dma_start3A_275 = arith.constant 0 : i32
    %dma_start3A_276 = tpu.memref_slice %arg6[%dma_start3A_272, %dma_start3A_274, %dma_start3A_275] : memref<8x50x64xf32, #tpu.memory_space<vmem>> -> memref<1x50x64xf32, #tpu.memory_space<vmem>>
    %dma_start3A_277 = tpu.memref_squeeze %dma_start3A_276 : memref<1x50x64xf32, #tpu.memory_space<vmem>> -> memref<50x64xf32, #tpu.memory_space<vmem>>
    %dma_start3A_278 = arith.constant 0 : i32
    %dma_start3A_279 = arith.constant 0 : i32
    %dma_start3A_280 = tpu.memref_slice %arg4[%add3A_271, %dma_start3A_278, %dma_start3A_279] : memref<4096x56x128xf32, #tpu.memory_space<hbm>> -> memref<1x56x128xf32, #tpu.memory_space<hbm>>
    %dma_start3A_281 = tpu.memref_squeeze %dma_start3A_280 : memref<1x56x128xf32, #tpu.memory_space<hbm>> -> memref<56x128xf32, #tpu.memory_space<hbm>>
    %dma_start3A_282 = arith.constant 0 : i32
    %dma_start3A_283 = arith.constant 0 : i32
    %dma_start3A_284 = tpu.memref_slice %dma_start3A_281[%dma_start3A_282, %dma_start3A_283] : memref<56x128xf32, #tpu.memory_space<hbm>> -> memref<50x64xf32, #tpu.memory_space<hbm>>
    %dma_start3A_285 = tpu.memref_slice %arg8[%dma_start3A_273] : memref<8x!tpu.dma_semaphore, #tpu.memory_space<semaphore_mem>> -> memref<1x!tpu.dma_semaphore, #tpu.memory_space<semaphore_mem>>
    %dma_start3A_286 = tpu.memref_squeeze %dma_start3A_285 : memref<1x!tpu.dma_semaphore, #tpu.memory_space<semaphore_mem>> -> memref<!tpu.dma_semaphore, #tpu.memory_space<semaphore_mem>>
    %dma_start3A_287 = arith.constant 0 : i32
    %dma_start3A_288 = arith.constant 0 : i32
    %dma_start3A_289 = tpu.memref_slice %arg4[%add3A_271, %dma_start3A_287, %dma_start3A_288] : memref<4096x56x128xf32, #tpu.memory_space<hbm>> -> memref<1x56x128xf32, #tpu.memory_space<hbm>>
    %dma_start3A_290 = tpu.memref_squeeze %dma_start3A_289 : memref<1x56x128xf32, #tpu.memory_space<hbm>> -> memref<56x128xf32, #tpu.memory_space<hbm>>
    %dma_start3A_291 = arith.constant 0 : i32
    %dma_start3A_292 = arith.constant 0 : i32
    %dma_start3A_293 = tpu.memref_slice %dma_start3A_290[%dma_start3A_291, %dma_start3A_292] : memref<56x128xf32, #tpu.memory_space<hbm>> -> memref<50x64xf32, #tpu.memory_space<hbm>>
    %dma_start3A_294 = arith.constant 0 : i32
    %dma_start3A_295 = arith.constant 0 : i32
    %dma_start3A_296 = tpu.memref_slice %arg6[%dma_start3A_272, %dma_start3A_294, %dma_start3A_295] : memref<8x50x64xf32, #tpu.memory_space<vmem>> -> memref<1x50x64xf32, #tpu.memory_space<vmem>>
    %dma_start3A_297 = tpu.memref_squeeze %dma_start3A_296 : memref<1x50x64xf32, #tpu.memory_space<vmem>> -> memref<50x64xf32, #tpu.memory_space<vmem>>
    tpu.enqueue_dma source(%dma_start3A_297 : memref<50x64xf32, #tpu.memory_space<vmem>>) target(%dma_start3A_293 : memref<50x64xf32, #tpu.memory_space<hbm>>) target_semaphore(%dma_start3A_286 : memref<!tpu.dma_semaphore, #tpu.memory_space<semaphore_mem>>)
    %dma_wait3A_298 = arith.constant 124 : i32
    %dma_wait3A_299 = arith.constant 4 : i32
    %dma_wait3A_300 = arith.constant 4 : i32
    %dma_wait3A_301 = arith.constant 0 : i32
    %dma_wait3A_302 = arith.constant 0 : i32
    %dma_wait3A_303 = tpu.memref_slice %arg6[%dma_wait3A_299, %dma_wait3A_301, %dma_wait3A_302] : memref<8x50x64xf32, #tpu.memory_space<vmem>> -> memref<1x50x64xf32, #tpu.memory_space<vmem>>
    %dma_wait3A_304 = tpu.memref_squeeze %dma_wait3A_303 : memref<1x50x64xf32, #tpu.memory_space<vmem>> -> memref<50x64xf32, #tpu.memory_space<vmem>>
    %dma_wait3A_305 = arith.constant 0 : i32
    %dma_wait3A_306 = tpu.memref_slice %arg5[%dma_wait3A_298, %dma_wait3A_305] : memref<128x50xi32, #tpu.memory_space<vmem>> -> memref<1x50xi32, #tpu.memory_space<vmem>>
    %dma_wait3A_307 = tpu.memref_squeeze %dma_wait3A_306 : memref<1x50xi32, #tpu.memory_space<vmem>> -> memref<50xi32, #tpu.memory_space<vmem>>
    %dma_wait3A_308 = arith.constant 0 : i32
    %dma_wait3A_309 = arith.constant 0 : i32
    %dma_wait3A_310 = tpu.memref_slice %arg2[%dma_wait3A_308, %dma_wait3A_309] : memref<1000000x64xf32, #tpu.memory_space<hbm>> -> memref<1000000x64xf32, #tpu.memory_space<hbm>>
    %dma_wait3A_311 = tpu.memref_slice %arg7[%dma_wait3A_300] : memref<8x!tpu.dma_semaphore, #tpu.memory_space<semaphore_mem>> -> memref<1x!tpu.dma_semaphore, #tpu.memory_space<semaphore_mem>>
    %dma_wait3A_312 = tpu.memref_squeeze %dma_wait3A_311 : memref<1x!tpu.dma_semaphore, #tpu.memory_space<semaphore_mem>> -> memref<!tpu.dma_semaphore, #tpu.memory_space<semaphore_mem>>
    tpu.wait_indirect_dma semaphore(%dma_wait3A_312 : memref<!tpu.dma_semaphore, #tpu.memory_space<semaphore_mem>>) src(%dma_wait3A_310 : memref<1000000x64xf32, #tpu.memory_space<hbm>>) dst(%dma_wait3A_304 : memref<50x64xf32, #tpu.memory_space<vmem>>)
    %add3A_313 = arith.constant 124 : i32
    %add3A_314 = arith.addi %mul3A_2, %add3A_313 : i32
    %dma_start3A_315 = arith.constant 4 : i32
    %dma_start3A_316 = arith.constant 4 : i32
    %dma_start3A_317 = arith.constant 0 : i32
    %dma_start3A_318 = arith.constant 0 : i32
    %dma_start3A_319 = tpu.memref_slice %arg6[%dma_start3A_315, %dma_start3A_317, %dma_start3A_318] : memref<8x50x64xf32, #tpu.memory_space<vmem>> -> memref<1x50x64xf32, #tpu.memory_space<vmem>>
    %dma_start3A_320 = tpu.memref_squeeze %dma_start3A_319 : memref<1x50x64xf32, #tpu.memory_space<vmem>> -> memref<50x64xf32, #tpu.memory_space<vmem>>
    %dma_start3A_321 = arith.constant 0 : i32
    %dma_start3A_322 = arith.constant 0 : i32
    %dma_start3A_323 = tpu.memref_slice %arg4[%add3A_314, %dma_start3A_321, %dma_start3A_322] : memref<4096x56x128xf32, #tpu.memory_space<hbm>> -> memref<1x56x128xf32, #tpu.memory_space<hbm>>
    %dma_start3A_324 = tpu.memref_squeeze %dma_start3A_323 : memref<1x56x128xf32, #tpu.memory_space<hbm>> -> memref<56x128xf32, #tpu.memory_space<hbm>>
    %dma_start3A_325 = arith.constant 0 : i32
    %dma_start3A_326 = arith.constant 0 : i32
    %dma_start3A_327 = tpu.memref_slice %dma_start3A_324[%dma_start3A_325, %dma_start3A_326] : memref<56x128xf32, #tpu.memory_space<hbm>> -> memref<50x64xf32, #tpu.memory_space<hbm>>
    %dma_start3A_328 = tpu.memref_slice %arg8[%dma_start3A_316] : memref<8x!tpu.dma_semaphore, #tpu.memory_space<semaphore_mem>> -> memref<1x!tpu.dma_semaphore, #tpu.memory_space<semaphore_mem>>
    %dma_start3A_329 = tpu.memref_squeeze %dma_start3A_328 : memref<1x!tpu.dma_semaphore, #tpu.memory_space<semaphore_mem>> -> memref<!tpu.dma_semaphore, #tpu.memory_space<semaphore_mem>>
    %dma_start3A_330 = arith.constant 0 : i32
    %dma_start3A_331 = arith.constant 0 : i32
    %dma_start3A_332 = tpu.memref_slice %arg4[%add3A_314, %dma_start3A_330, %dma_start3A_331] : memref<4096x56x128xf32, #tpu.memory_space<hbm>> -> memref<1x56x128xf32, #tpu.memory_space<hbm>>
    %dma_start3A_333 = tpu.memref_squeeze %dma_start3A_332 : memref<1x56x128xf32, #tpu.memory_space<hbm>> -> memref<56x128xf32, #tpu.memory_space<hbm>>
    %dma_start3A_334 = arith.constant 0 : i32
    %dma_start3A_335 = arith.constant 0 : i32
    %dma_start3A_336 = tpu.memref_slice %dma_start3A_333[%dma_start3A_334, %dma_start3A_335] : memref<56x128xf32, #tpu.memory_space<hbm>> -> memref<50x64xf32, #tpu.memory_space<hbm>>
    %dma_start3A_337 = arith.constant 0 : i32
    %dma_start3A_338 = arith.constant 0 : i32
    %dma_start3A_339 = tpu.memref_slice %arg6[%dma_start3A_315, %dma_start3A_337, %dma_start3A_338] : memref<8x50x64xf32, #tpu.memory_space<vmem>> -> memref<1x50x64xf32, #tpu.memory_space<vmem>>
    %dma_start3A_340 = tpu.memref_squeeze %dma_start3A_339 : memref<1x50x64xf32, #tpu.memory_space<vmem>> -> memref<50x64xf32, #tpu.memory_space<vmem>>
    tpu.enqueue_dma source(%dma_start3A_340 : memref<50x64xf32, #tpu.memory_space<vmem>>) target(%dma_start3A_336 : memref<50x64xf32, #tpu.memory_space<hbm>>) target_semaphore(%dma_start3A_329 : memref<!tpu.dma_semaphore, #tpu.memory_space<semaphore_mem>>)
    %dma_wait3A_341 = arith.constant 125 : i32
    %dma_wait3A_342 = arith.constant 5 : i32
    %dma_wait3A_343 = arith.constant 5 : i32
    %dma_wait3A_344 = arith.constant 0 : i32
    %dma_wait3A_345 = arith.constant 0 : i32
    %dma_wait3A_346 = tpu.memref_slice %arg6[%dma_wait3A_342, %dma_wait3A_344, %dma_wait3A_345] : memref<8x50x64xf32, #tpu.memory_space<vmem>> -> memref<1x50x64xf32, #tpu.memory_space<vmem>>
    %dma_wait3A_347 = tpu.memref_squeeze %dma_wait3A_346 : memref<1x50x64xf32, #tpu.memory_space<vmem>> -> memref<50x64xf32, #tpu.memory_space<vmem>>
    %dma_wait3A_348 = arith.constant 0 : i32
    %dma_wait3A_349 = tpu.memref_slice %arg5[%dma_wait3A_341, %dma_wait3A_348] : memref<128x50xi32, #tpu.memory_space<vmem>> -> memref<1x50xi32, #tpu.memory_space<vmem>>
    %dma_wait3A_350 = tpu.memref_squeeze %dma_wait3A_349 : memref<1x50xi32, #tpu.memory_space<vmem>> -> memref<50xi32, #tpu.memory_space<vmem>>
    %dma_wait3A_351 = arith.constant 0 : i32
    %dma_wait3A_352 = arith.constant 0 : i32
    %dma_wait3A_353 = tpu.memref_slice %arg2[%dma_wait3A_351, %dma_wait3A_352] : memref<1000000x64xf32, #tpu.memory_space<hbm>> -> memref<1000000x64xf32, #tpu.memory_space<hbm>>
    %dma_wait3A_354 = tpu.memref_slice %arg7[%dma_wait3A_343] : memref<8x!tpu.dma_semaphore, #tpu.memory_space<semaphore_mem>> -> memref<1x!tpu.dma_semaphore, #tpu.memory_space<semaphore_mem>>
    %dma_wait3A_355 = tpu.memref_squeeze %dma_wait3A_354 : memref<1x!tpu.dma_semaphore, #tpu.memory_space<semaphore_mem>> -> memref<!tpu.dma_semaphore, #tpu.memory_space<semaphore_mem>>
    tpu.wait_indirect_dma semaphore(%dma_wait3A_355 : memref<!tpu.dma_semaphore, #tpu.memory_space<semaphore_mem>>) src(%dma_wait3A_353 : memref<1000000x64xf32, #tpu.memory_space<hbm>>) dst(%dma_wait3A_347 : memref<50x64xf32, #tpu.memory_space<vmem>>)
    %add3A_356 = arith.constant 125 : i32
    %add3A_357 = arith.addi %mul3A_2, %add3A_356 : i32
    %dma_start3A_358 = arith.constant 5 : i32
    %dma_start3A_359 = arith.constant 5 : i32
    %dma_start3A_360 = arith.constant 0 : i32
    %dma_start3A_361 = arith.constant 0 : i32
    %dma_start3A_362 = tpu.memref_slice %arg6[%dma_start3A_358, %dma_start3A_360, %dma_start3A_361] : memref<8x50x64xf32, #tpu.memory_space<vmem>> -> memref<1x50x64xf32, #tpu.memory_space<vmem>>
    %dma_start3A_363 = tpu.memref_squeeze %dma_start3A_362 : memref<1x50x64xf32, #tpu.memory_space<vmem>> -> memref<50x64xf32, #tpu.memory_space<vmem>>
    %dma_start3A_364 = arith.constant 0 : i32
    %dma_start3A_365 = arith.constant 0 : i32
    %dma_start3A_366 = tpu.memref_slice %arg4[%add3A_357, %dma_start3A_364, %dma_start3A_365] : memref<4096x56x128xf32, #tpu.memory_space<hbm>> -> memref<1x56x128xf32, #tpu.memory_space<hbm>>
    %dma_start3A_367 = tpu.memref_squeeze %dma_start3A_366 : memref<1x56x128xf32, #tpu.memory_space<hbm>> -> memref<56x128xf32, #tpu.memory_space<hbm>>
    %dma_start3A_368 = arith.constant 0 : i32
    %dma_start3A_369 = arith.constant 0 : i32
    %dma_start3A_370 = tpu.memref_slice %dma_start3A_367[%dma_start3A_368, %dma_start3A_369] : memref<56x128xf32, #tpu.memory_space<hbm>> -> memref<50x64xf32, #tpu.memory_space<hbm>>
    %dma_start3A_371 = tpu.memref_slice %arg8[%dma_start3A_359] : memref<8x!tpu.dma_semaphore, #tpu.memory_space<semaphore_mem>> -> memref<1x!tpu.dma_semaphore, #tpu.memory_space<semaphore_mem>>
    %dma_start3A_372 = tpu.memref_squeeze %dma_start3A_371 : memref<1x!tpu.dma_semaphore, #tpu.memory_space<semaphore_mem>> -> memref<!tpu.dma_semaphore, #tpu.memory_space<semaphore_mem>>
    %dma_start3A_373 = arith.constant 0 : i32
    %dma_start3A_374 = arith.constant 0 : i32
    %dma_start3A_375 = tpu.memref_slice %arg4[%add3A_357, %dma_start3A_373, %dma_start3A_374] : memref<4096x56x128xf32, #tpu.memory_space<hbm>> -> memref<1x56x128xf32, #tpu.memory_space<hbm>>
    %dma_start3A_376 = tpu.memref_squeeze %dma_start3A_375 : memref<1x56x128xf32, #tpu.memory_space<hbm>> -> memref<56x128xf32, #tpu.memory_space<hbm>>
    %dma_start3A_377 = arith.constant 0 : i32
    %dma_start3A_378 = arith.constant 0 : i32
    %dma_start3A_379 = tpu.memref_slice %dma_start3A_376[%dma_start3A_377, %dma_start3A_378] : memref<56x128xf32, #tpu.memory_space<hbm>> -> memref<50x64xf32, #tpu.memory_space<hbm>>
    %dma_start3A_380 = arith.constant 0 : i32
    %dma_start3A_381 = arith.constant 0 : i32
    %dma_start3A_382 = tpu.memref_slice %arg6[%dma_start3A_358, %dma_start3A_380, %dma_start3A_381] : memref<8x50x64xf32, #tpu.memory_space<vmem>> -> memref<1x50x64xf32, #tpu.memory_space<vmem>>
    %dma_start3A_383 = tpu.memref_squeeze %dma_start3A_382 : memref<1x50x64xf32, #tpu.memory_space<vmem>> -> memref<50x64xf32, #tpu.memory_space<vmem>>
    tpu.enqueue_dma source(%dma_start3A_383 : memref<50x64xf32, #tpu.memory_space<vmem>>) target(%dma_start3A_379 : memref<50x64xf32, #tpu.memory_space<hbm>>) target_semaphore(%dma_start3A_372 : memref<!tpu.dma_semaphore, #tpu.memory_space<semaphore_mem>>)
    %dma_wait3A_384 = arith.constant 126 : i32
    %dma_wait3A_385 = arith.constant 6 : i32
    %dma_wait3A_386 = arith.constant 6 : i32
    %dma_wait3A_387 = arith.constant 0 : i32
    %dma_wait3A_388 = arith.constant 0 : i32
    %dma_wait3A_389 = tpu.memref_slice %arg6[%dma_wait3A_385, %dma_wait3A_387, %dma_wait3A_388] : memref<8x50x64xf32, #tpu.memory_space<vmem>> -> memref<1x50x64xf32, #tpu.memory_space<vmem>>
    %dma_wait3A_390 = tpu.memref_squeeze %dma_wait3A_389 : memref<1x50x64xf32, #tpu.memory_space<vmem>> -> memref<50x64xf32, #tpu.memory_space<vmem>>
    %dma_wait3A_391 = arith.constant 0 : i32
    %dma_wait3A_392 = tpu.memref_slice %arg5[%dma_wait3A_384, %dma_wait3A_391] : memref<128x50xi32, #tpu.memory_space<vmem>> -> memref<1x50xi32, #tpu.memory_space<vmem>>
    %dma_wait3A_393 = tpu.memref_squeeze %dma_wait3A_392 : memref<1x50xi32, #tpu.memory_space<vmem>> -> memref<50xi32, #tpu.memory_space<vmem>>
    %dma_wait3A_394 = arith.constant 0 : i32
    %dma_wait3A_395 = arith.constant 0 : i32
    %dma_wait3A_396 = tpu.memref_slice %arg2[%dma_wait3A_394, %dma_wait3A_395] : memref<1000000x64xf32, #tpu.memory_space<hbm>> -> memref<1000000x64xf32, #tpu.memory_space<hbm>>
    %dma_wait3A_397 = tpu.memref_slice %arg7[%dma_wait3A_386] : memref<8x!tpu.dma_semaphore, #tpu.memory_space<semaphore_mem>> -> memref<1x!tpu.dma_semaphore, #tpu.memory_space<semaphore_mem>>
    %dma_wait3A_398 = tpu.memref_squeeze %dma_wait3A_397 : memref<1x!tpu.dma_semaphore, #tpu.memory_space<semaphore_mem>> -> memref<!tpu.dma_semaphore, #tpu.memory_space<semaphore_mem>>
    tpu.wait_indirect_dma semaphore(%dma_wait3A_398 : memref<!tpu.dma_semaphore, #tpu.memory_space<semaphore_mem>>) src(%dma_wait3A_396 : memref<1000000x64xf32, #tpu.memory_space<hbm>>) dst(%dma_wait3A_390 : memref<50x64xf32, #tpu.memory_space<vmem>>)
    %add3A_399 = arith.constant 126 : i32
    %add3A_400 = arith.addi %mul3A_2, %add3A_399 : i32
    %dma_start3A_401 = arith.constant 6 : i32
    %dma_start3A_402 = arith.constant 6 : i32
    %dma_start3A_403 = arith.constant 0 : i32
    %dma_start3A_404 = arith.constant 0 : i32
    %dma_start3A_405 = tpu.memref_slice %arg6[%dma_start3A_401, %dma_start3A_403, %dma_start3A_404] : memref<8x50x64xf32, #tpu.memory_space<vmem>> -> memref<1x50x64xf32, #tpu.memory_space<vmem>>
    %dma_start3A_406 = tpu.memref_squeeze %dma_start3A_405 : memref<1x50x64xf32, #tpu.memory_space<vmem>> -> memref<50x64xf32, #tpu.memory_space<vmem>>
    %dma_start3A_407 = arith.constant 0 : i32
    %dma_start3A_408 = arith.constant 0 : i32
    %dma_start3A_409 = tpu.memref_slice %arg4[%add3A_400, %dma_start3A_407, %dma_start3A_408] : memref<4096x56x128xf32, #tpu.memory_space<hbm>> -> memref<1x56x128xf32, #tpu.memory_space<hbm>>
    %dma_start3A_410 = tpu.memref_squeeze %dma_start3A_409 : memref<1x56x128xf32, #tpu.memory_space<hbm>> -> memref<56x128xf32, #tpu.memory_space<hbm>>
    %dma_start3A_411 = arith.constant 0 : i32
    %dma_start3A_412 = arith.constant 0 : i32
    %dma_start3A_413 = tpu.memref_slice %dma_start3A_410[%dma_start3A_411, %dma_start3A_412] : memref<56x128xf32, #tpu.memory_space<hbm>> -> memref<50x64xf32, #tpu.memory_space<hbm>>
    %dma_start3A_414 = tpu.memref_slice %arg8[%dma_start3A_402] : memref<8x!tpu.dma_semaphore, #tpu.memory_space<semaphore_mem>> -> memref<1x!tpu.dma_semaphore, #tpu.memory_space<semaphore_mem>>
    %dma_start3A_415 = tpu.memref_squeeze %dma_start3A_414 : memref<1x!tpu.dma_semaphore, #tpu.memory_space<semaphore_mem>> -> memref<!tpu.dma_semaphore, #tpu.memory_space<semaphore_mem>>
    %dma_start3A_416 = arith.constant 0 : i32
    %dma_start3A_417 = arith.constant 0 : i32
    %dma_start3A_418 = tpu.memref_slice %arg4[%add3A_400, %dma_start3A_416, %dma_start3A_417] : memref<4096x56x128xf32, #tpu.memory_space<hbm>> -> memref<1x56x128xf32, #tpu.memory_space<hbm>>
    %dma_start3A_419 = tpu.memref_squeeze %dma_start3A_418 : memref<1x56x128xf32, #tpu.memory_space<hbm>> -> memref<56x128xf32, #tpu.memory_space<hbm>>
    %dma_start3A_420 = arith.constant 0 : i32
    %dma_start3A_421 = arith.constant 0 : i32
    %dma_start3A_422 = tpu.memref_slice %dma_start3A_419[%dma_start3A_420, %dma_start3A_421] : memref<56x128xf32, #tpu.memory_space<hbm>> -> memref<50x64xf32, #tpu.memory_space<hbm>>
    %dma_start3A_423 = arith.constant 0 : i32
    %dma_start3A_424 = arith.constant 0 : i32
    %dma_start3A_425 = tpu.memref_slice %arg6[%dma_start3A_401, %dma_start3A_423, %dma_start3A_424] : memref<8x50x64xf32, #tpu.memory_space<vmem>> -> memref<1x50x64xf32, #tpu.memory_space<vmem>>
    %dma_start3A_426 = tpu.memref_squeeze %dma_start3A_425 : memref<1x50x64xf32, #tpu.memory_space<vmem>> -> memref<50x64xf32, #tpu.memory_space<vmem>>
    tpu.enqueue_dma source(%dma_start3A_426 : memref<50x64xf32, #tpu.memory_space<vmem>>) target(%dma_start3A_422 : memref<50x64xf32, #tpu.memory_space<hbm>>) target_semaphore(%dma_start3A_415 : memref<!tpu.dma_semaphore, #tpu.memory_space<semaphore_mem>>)
    %dma_wait3A_427 = arith.constant 127 : i32
    %dma_wait3A_428 = arith.constant 7 : i32
    %dma_wait3A_429 = arith.constant 7 : i32
    %dma_wait3A_430 = arith.constant 0 : i32
    %dma_wait3A_431 = arith.constant 0 : i32
    %dma_wait3A_432 = tpu.memref_slice %arg6[%dma_wait3A_428, %dma_wait3A_430, %dma_wait3A_431] : memref<8x50x64xf32, #tpu.memory_space<vmem>> -> memref<1x50x64xf32, #tpu.memory_space<vmem>>
    %dma_wait3A_433 = tpu.memref_squeeze %dma_wait3A_432 : memref<1x50x64xf32, #tpu.memory_space<vmem>> -> memref<50x64xf32, #tpu.memory_space<vmem>>
    %dma_wait3A_434 = arith.constant 0 : i32
    %dma_wait3A_435 = tpu.memref_slice %arg5[%dma_wait3A_427, %dma_wait3A_434] : memref<128x50xi32, #tpu.memory_space<vmem>> -> memref<1x50xi32, #tpu.memory_space<vmem>>
    %dma_wait3A_436 = tpu.memref_squeeze %dma_wait3A_435 : memref<1x50xi32, #tpu.memory_space<vmem>> -> memref<50xi32, #tpu.memory_space<vmem>>
    %dma_wait3A_437 = arith.constant 0 : i32
    %dma_wait3A_438 = arith.constant 0 : i32
    %dma_wait3A_439 = tpu.memref_slice %arg2[%dma_wait3A_437, %dma_wait3A_438] : memref<1000000x64xf32, #tpu.memory_space<hbm>> -> memref<1000000x64xf32, #tpu.memory_space<hbm>>
    %dma_wait3A_440 = tpu.memref_slice %arg7[%dma_wait3A_429] : memref<8x!tpu.dma_semaphore, #tpu.memory_space<semaphore_mem>> -> memref<1x!tpu.dma_semaphore, #tpu.memory_space<semaphore_mem>>
    %dma_wait3A_441 = tpu.memref_squeeze %dma_wait3A_440 : memref<1x!tpu.dma_semaphore, #tpu.memory_space<semaphore_mem>> -> memref<!tpu.dma_semaphore, #tpu.memory_space<semaphore_mem>>
    tpu.wait_indirect_dma semaphore(%dma_wait3A_441 : memref<!tpu.dma_semaphore, #tpu.memory_space<semaphore_mem>>) src(%dma_wait3A_439 : memref<1000000x64xf32, #tpu.memory_space<hbm>>) dst(%dma_wait3A_433 : memref<50x64xf32, #tpu.memory_space<vmem>>)
    %add3A_442 = arith.constant 127 : i32
    %add3A_443 = arith.addi %mul3A_2, %add3A_442 : i32
    %dma_start3A_444 = arith.constant 7 : i32
    %dma_start3A_445 = arith.constant 7 : i32
    %dma_start3A_446 = arith.constant 0 : i32
    %dma_start3A_447 = arith.constant 0 : i32
    %dma_start3A_448 = tpu.memref_slice %arg6[%dma_start3A_444, %dma_start3A_446, %dma_start3A_447] : memref<8x50x64xf32, #tpu.memory_space<vmem>> -> memref<1x50x64xf32, #tpu.memory_space<vmem>>
    %dma_start3A_449 = tpu.memref_squeeze %dma_start3A_448 : memref<1x50x64xf32, #tpu.memory_space<vmem>> -> memref<50x64xf32, #tpu.memory_space<vmem>>
    %dma_start3A_450 = arith.constant 0 : i32
    %dma_start3A_451 = arith.constant 0 : i32
    %dma_start3A_452 = tpu.memref_slice %arg4[%add3A_443, %dma_start3A_450, %dma_start3A_451] : memref<4096x56x128xf32, #tpu.memory_space<hbm>> -> memref<1x56x128xf32, #tpu.memory_space<hbm>>
    %dma_start3A_453 = tpu.memref_squeeze %dma_start3A_452 : memref<1x56x128xf32, #tpu.memory_space<hbm>> -> memref<56x128xf32, #tpu.memory_space<hbm>>
    %dma_start3A_454 = arith.constant 0 : i32
    %dma_start3A_455 = arith.constant 0 : i32
    %dma_start3A_456 = tpu.memref_slice %dma_start3A_453[%dma_start3A_454, %dma_start3A_455] : memref<56x128xf32, #tpu.memory_space<hbm>> -> memref<50x64xf32, #tpu.memory_space<hbm>>
    %dma_start3A_457 = tpu.memref_slice %arg8[%dma_start3A_445] : memref<8x!tpu.dma_semaphore, #tpu.memory_space<semaphore_mem>> -> memref<1x!tpu.dma_semaphore, #tpu.memory_space<semaphore_mem>>
    %dma_start3A_458 = tpu.memref_squeeze %dma_start3A_457 : memref<1x!tpu.dma_semaphore, #tpu.memory_space<semaphore_mem>> -> memref<!tpu.dma_semaphore, #tpu.memory_space<semaphore_mem>>
    %dma_start3A_459 = arith.constant 0 : i32
    %dma_start3A_460 = arith.constant 0 : i32
    %dma_start3A_461 = tpu.memref_slice %arg4[%add3A_443, %dma_start3A_459, %dma_start3A_460] : memref<4096x56x128xf32, #tpu.memory_space<hbm>> -> memref<1x56x128xf32, #tpu.memory_space<hbm>>
    %dma_start3A_462 = tpu.memref_squeeze %dma_start3A_461 : memref<1x56x128xf32, #tpu.memory_space<hbm>> -> memref<56x128xf32, #tpu.memory_space<hbm>>
    %dma_start3A_463 = arith.constant 0 : i32
    %dma_start3A_464 = arith.constant 0 : i32
    %dma_start3A_465 = tpu.memref_slice %dma_start3A_462[%dma_start3A_463, %dma_start3A_464] : memref<56x128xf32, #tpu.memory_space<hbm>> -> memref<50x64xf32, #tpu.memory_space<hbm>>
    %dma_start3A_466 = arith.constant 0 : i32
    %dma_start3A_467 = arith.constant 0 : i32
    %dma_start3A_468 = tpu.memref_slice %arg6[%dma_start3A_444, %dma_start3A_466, %dma_start3A_467] : memref<8x50x64xf32, #tpu.memory_space<vmem>> -> memref<1x50x64xf32, #tpu.memory_space<vmem>>
    %dma_start3A_469 = tpu.memref_squeeze %dma_start3A_468 : memref<1x50x64xf32, #tpu.memory_space<vmem>> -> memref<50x64xf32, #tpu.memory_space<vmem>>
    tpu.enqueue_dma source(%dma_start3A_469 : memref<50x64xf32, #tpu.memory_space<vmem>>) target(%dma_start3A_465 : memref<50x64xf32, #tpu.memory_space<hbm>>) target_semaphore(%dma_start3A_458 : memref<!tpu.dma_semaphore, #tpu.memory_space<semaphore_mem>>)
    %add3A_470 = arith.constant 120 : i32
    %add3A_471 = arith.addi %mul3A_2, %add3A_470 : i32
    %dma_wait3A_472 = arith.constant 0 : i32
    %dma_wait3A_473 = arith.constant 0 : i32
    %dma_wait3A_474 = arith.constant 0 : i32
    %dma_wait3A_475 = arith.constant 0 : i32
    %dma_wait3A_476 = tpu.memref_slice %arg6[%dma_wait3A_472, %dma_wait3A_474, %dma_wait3A_475] : memref<8x50x64xf32, #tpu.memory_space<vmem>> -> memref<1x50x64xf32, #tpu.memory_space<vmem>>
    %dma_wait3A_477 = tpu.memref_squeeze %dma_wait3A_476 : memref<1x50x64xf32, #tpu.memory_space<vmem>> -> memref<50x64xf32, #tpu.memory_space<vmem>>
    %dma_wait3A_478 = arith.constant 0 : i32
    %dma_wait3A_479 = arith.constant 0 : i32
    %dma_wait3A_480 = tpu.memref_slice %arg4[%add3A_471, %dma_wait3A_478, %dma_wait3A_479] : memref<4096x56x128xf32, #tpu.memory_space<hbm>> -> memref<1x56x128xf32, #tpu.memory_space<hbm>>
    %dma_wait3A_481 = tpu.memref_squeeze %dma_wait3A_480 : memref<1x56x128xf32, #tpu.memory_space<hbm>> -> memref<56x128xf32, #tpu.memory_space<hbm>>
    %dma_wait3A_482 = arith.constant 0 : i32
    %dma_wait3A_483 = arith.constant 0 : i32
    %dma_wait3A_484 = tpu.memref_slice %dma_wait3A_481[%dma_wait3A_482, %dma_wait3A_483] : memref<56x128xf32, #tpu.memory_space<hbm>> -> memref<50x64xf32, #tpu.memory_space<hbm>>
    %dma_wait3A_485 = tpu.memref_slice %arg8[%dma_wait3A_473] : memref<8x!tpu.dma_semaphore, #tpu.memory_space<semaphore_mem>> -> memref<1x!tpu.dma_semaphore, #tpu.memory_space<semaphore_mem>>
    %dma_wait3A_486 = tpu.memref_squeeze %dma_wait3A_485 : memref<1x!tpu.dma_semaphore, #tpu.memory_space<semaphore_mem>> -> memref<!tpu.dma_semaphore, #tpu.memory_space<semaphore_mem>>
    %dma_wait3A_487 = arith.constant 0 : i32
    %dma_wait3A_488 = arith.constant 0 : i32
    %dma_wait3A_489 = tpu.memref_slice %arg4[%add3A_471, %dma_wait3A_487, %dma_wait3A_488] : memref<4096x56x128xf32, #tpu.memory_space<hbm>> -> memref<1x56x128xf32, #tpu.memory_space<hbm>>
    %dma_wait3A_490 = tpu.memref_squeeze %dma_wait3A_489 : memref<1x56x128xf32, #tpu.memory_space<hbm>> -> memref<56x128xf32, #tpu.memory_space<hbm>>
    %dma_wait3A_491 = arith.constant 0 : i32
    %dma_wait3A_492 = arith.constant 0 : i32
    %dma_wait3A_493 = tpu.memref_slice %dma_wait3A_490[%dma_wait3A_491, %dma_wait3A_492] : memref<56x128xf32, #tpu.memory_space<hbm>> -> memref<50x64xf32, #tpu.memory_space<hbm>>
    %dma_wait3A_494 = arith.constant 0 : i32
    %dma_wait3A_495 = arith.constant 0 : i32
    %dma_wait3A_496 = tpu.memref_slice %arg6[%dma_wait3A_472, %dma_wait3A_494, %dma_wait3A_495] : memref<8x50x64xf32, #tpu.memory_space<vmem>> -> memref<1x50x64xf32, #tpu.memory_space<vmem>>
    %dma_wait3A_497 = tpu.memref_squeeze %dma_wait3A_496 : memref<1x50x64xf32, #tpu.memory_space<vmem>> -> memref<50x64xf32, #tpu.memory_space<vmem>>
    tpu.wait_dma2 semaphore(%dma_wait3A_486 : memref<!tpu.dma_semaphore, #tpu.memory_space<semaphore_mem>>) src(%dma_wait3A_497 : memref<50x64xf32, #tpu.memory_space<vmem>>) dst(%dma_wait3A_493 : memref<50x64xf32, #tpu.memory_space<hbm>>)
    %add3A_498 = arith.constant 121 : i32
    %add3A_499 = arith.addi %mul3A_2, %add3A_498 : i32
    %dma_wait3A_500 = arith.constant 1 : i32
    %dma_wait3A_501 = arith.constant 1 : i32
    %dma_wait3A_502 = arith.constant 0 : i32
    %dma_wait3A_503 = arith.constant 0 : i32
    %dma_wait3A_504 = tpu.memref_slice %arg6[%dma_wait3A_500, %dma_wait3A_502, %dma_wait3A_503] : memref<8x50x64xf32, #tpu.memory_space<vmem>> -> memref<1x50x64xf32, #tpu.memory_space<vmem>>
    %dma_wait3A_505 = tpu.memref_squeeze %dma_wait3A_504 : memref<1x50x64xf32, #tpu.memory_space<vmem>> -> memref<50x64xf32, #tpu.memory_space<vmem>>
    %dma_wait3A_506 = arith.constant 0 : i32
    %dma_wait3A_507 = arith.constant 0 : i32
    %dma_wait3A_508 = tpu.memref_slice %arg4[%add3A_499, %dma_wait3A_506, %dma_wait3A_507] : memref<4096x56x128xf32, #tpu.memory_space<hbm>> -> memref<1x56x128xf32, #tpu.memory_space<hbm>>
    %dma_wait3A_509 = tpu.memref_squeeze %dma_wait3A_508 : memref<1x56x128xf32, #tpu.memory_space<hbm>> -> memref<56x128xf32, #tpu.memory_space<hbm>>
    %dma_wait3A_510 = arith.constant 0 : i32
    %dma_wait3A_511 = arith.constant 0 : i32
    %dma_wait3A_512 = tpu.memref_slice %dma_wait3A_509[%dma_wait3A_510, %dma_wait3A_511] : memref<56x128xf32, #tpu.memory_space<hbm>> -> memref<50x64xf32, #tpu.memory_space<hbm>>
    %dma_wait3A_513 = tpu.memref_slice %arg8[%dma_wait3A_501] : memref<8x!tpu.dma_semaphore, #tpu.memory_space<semaphore_mem>> -> memref<1x!tpu.dma_semaphore, #tpu.memory_space<semaphore_mem>>
    %dma_wait3A_514 = tpu.memref_squeeze %dma_wait3A_513 : memref<1x!tpu.dma_semaphore, #tpu.memory_space<semaphore_mem>> -> memref<!tpu.dma_semaphore, #tpu.memory_space<semaphore_mem>>
    %dma_wait3A_515 = arith.constant 0 : i32
    %dma_wait3A_516 = arith.constant 0 : i32
    %dma_wait3A_517 = tpu.memref_slice %arg4[%add3A_499, %dma_wait3A_515, %dma_wait3A_516] : memref<4096x56x128xf32, #tpu.memory_space<hbm>> -> memref<1x56x128xf32, #tpu.memory_space<hbm>>
    %dma_wait3A_518 = tpu.memref_squeeze %dma_wait3A_517 : memref<1x56x128xf32, #tpu.memory_space<hbm>> -> memref<56x128xf32, #tpu.memory_space<hbm>>
    %dma_wait3A_519 = arith.constant 0 : i32
    %dma_wait3A_520 = arith.constant 0 : i32
    %dma_wait3A_521 = tpu.memref_slice %dma_wait3A_518[%dma_wait3A_519, %dma_wait3A_520] : memref<56x128xf32, #tpu.memory_space<hbm>> -> memref<50x64xf32, #tpu.memory_space<hbm>>
    %dma_wait3A_522 = arith.constant 0 : i32
    %dma_wait3A_523 = arith.constant 0 : i32
    %dma_wait3A_524 = tpu.memref_slice %arg6[%dma_wait3A_500, %dma_wait3A_522, %dma_wait3A_523] : memref<8x50x64xf32, #tpu.memory_space<vmem>> -> memref<1x50x64xf32, #tpu.memory_space<vmem>>
    %dma_wait3A_525 = tpu.memref_squeeze %dma_wait3A_524 : memref<1x50x64xf32, #tpu.memory_space<vmem>> -> memref<50x64xf32, #tpu.memory_space<vmem>>
    tpu.wait_dma2 semaphore(%dma_wait3A_514 : memref<!tpu.dma_semaphore, #tpu.memory_space<semaphore_mem>>) src(%dma_wait3A_525 : memref<50x64xf32, #tpu.memory_space<vmem>>) dst(%dma_wait3A_521 : memref<50x64xf32, #tpu.memory_space<hbm>>)
    %add3A_526 = arith.constant 122 : i32
    %add3A_527 = arith.addi %mul3A_2, %add3A_526 : i32
    %dma_wait3A_528 = arith.constant 2 : i32
    %dma_wait3A_529 = arith.constant 2 : i32
    %dma_wait3A_530 = arith.constant 0 : i32
    %dma_wait3A_531 = arith.constant 0 : i32
    %dma_wait3A_532 = tpu.memref_slice %arg6[%dma_wait3A_528, %dma_wait3A_530, %dma_wait3A_531] : memref<8x50x64xf32, #tpu.memory_space<vmem>> -> memref<1x50x64xf32, #tpu.memory_space<vmem>>
    %dma_wait3A_533 = tpu.memref_squeeze %dma_wait3A_532 : memref<1x50x64xf32, #tpu.memory_space<vmem>> -> memref<50x64xf32, #tpu.memory_space<vmem>>
    %dma_wait3A_534 = arith.constant 0 : i32
    %dma_wait3A_535 = arith.constant 0 : i32
    %dma_wait3A_536 = tpu.memref_slice %arg4[%add3A_527, %dma_wait3A_534, %dma_wait3A_535] : memref<4096x56x128xf32, #tpu.memory_space<hbm>> -> memref<1x56x128xf32, #tpu.memory_space<hbm>>
    %dma_wait3A_537 = tpu.memref_squeeze %dma_wait3A_536 : memref<1x56x128xf32, #tpu.memory_space<hbm>> -> memref<56x128xf32, #tpu.memory_space<hbm>>
    %dma_wait3A_538 = arith.constant 0 : i32
    %dma_wait3A_539 = arith.constant 0 : i32
    %dma_wait3A_540 = tpu.memref_slice %dma_wait3A_537[%dma_wait3A_538, %dma_wait3A_539] : memref<56x128xf32, #tpu.memory_space<hbm>> -> memref<50x64xf32, #tpu.memory_space<hbm>>
    %dma_wait3A_541 = tpu.memref_slice %arg8[%dma_wait3A_529] : memref<8x!tpu.dma_semaphore, #tpu.memory_space<semaphore_mem>> -> memref<1x!tpu.dma_semaphore, #tpu.memory_space<semaphore_mem>>
    %dma_wait3A_542 = tpu.memref_squeeze %dma_wait3A_541 : memref<1x!tpu.dma_semaphore, #tpu.memory_space<semaphore_mem>> -> memref<!tpu.dma_semaphore, #tpu.memory_space<semaphore_mem>>
    %dma_wait3A_543 = arith.constant 0 : i32
    %dma_wait3A_544 = arith.constant 0 : i32
    %dma_wait3A_545 = tpu.memref_slice %arg4[%add3A_527, %dma_wait3A_543, %dma_wait3A_544] : memref<4096x56x128xf32, #tpu.memory_space<hbm>> -> memref<1x56x128xf32, #tpu.memory_space<hbm>>
    %dma_wait3A_546 = tpu.memref_squeeze %dma_wait3A_545 : memref<1x56x128xf32, #tpu.memory_space<hbm>> -> memref<56x128xf32, #tpu.memory_space<hbm>>
    %dma_wait3A_547 = arith.constant 0 : i32
    %dma_wait3A_548 = arith.constant 0 : i32
    %dma_wait3A_549 = tpu.memref_slice %dma_wait3A_546[%dma_wait3A_547, %dma_wait3A_548] : memref<56x128xf32, #tpu.memory_space<hbm>> -> memref<50x64xf32, #tpu.memory_space<hbm>>
    %dma_wait3A_550 = arith.constant 0 : i32
    %dma_wait3A_551 = arith.constant 0 : i32
    %dma_wait3A_552 = tpu.memref_slice %arg6[%dma_wait3A_528, %dma_wait3A_550, %dma_wait3A_551] : memref<8x50x64xf32, #tpu.memory_space<vmem>> -> memref<1x50x64xf32, #tpu.memory_space<vmem>>
    %dma_wait3A_553 = tpu.memref_squeeze %dma_wait3A_552 : memref<1x50x64xf32, #tpu.memory_space<vmem>> -> memref<50x64xf32, #tpu.memory_space<vmem>>
    tpu.wait_dma2 semaphore(%dma_wait3A_542 : memref<!tpu.dma_semaphore, #tpu.memory_space<semaphore_mem>>) src(%dma_wait3A_553 : memref<50x64xf32, #tpu.memory_space<vmem>>) dst(%dma_wait3A_549 : memref<50x64xf32, #tpu.memory_space<hbm>>)
    %add3A_554 = arith.constant 123 : i32
    %add3A_555 = arith.addi %mul3A_2, %add3A_554 : i32
    %dma_wait3A_556 = arith.constant 3 : i32
    %dma_wait3A_557 = arith.constant 3 : i32
    %dma_wait3A_558 = arith.constant 0 : i32
    %dma_wait3A_559 = arith.constant 0 : i32
    %dma_wait3A_560 = tpu.memref_slice %arg6[%dma_wait3A_556, %dma_wait3A_558, %dma_wait3A_559] : memref<8x50x64xf32, #tpu.memory_space<vmem>> -> memref<1x50x64xf32, #tpu.memory_space<vmem>>
    %dma_wait3A_561 = tpu.memref_squeeze %dma_wait3A_560 : memref<1x50x64xf32, #tpu.memory_space<vmem>> -> memref<50x64xf32, #tpu.memory_space<vmem>>
    %dma_wait3A_562 = arith.constant 0 : i32
    %dma_wait3A_563 = arith.constant 0 : i32
    %dma_wait3A_564 = tpu.memref_slice %arg4[%add3A_555, %dma_wait3A_562, %dma_wait3A_563] : memref<4096x56x128xf32, #tpu.memory_space<hbm>> -> memref<1x56x128xf32, #tpu.memory_space<hbm>>
    %dma_wait3A_565 = tpu.memref_squeeze %dma_wait3A_564 : memref<1x56x128xf32, #tpu.memory_space<hbm>> -> memref<56x128xf32, #tpu.memory_space<hbm>>
    %dma_wait3A_566 = arith.constant 0 : i32
    %dma_wait3A_567 = arith.constant 0 : i32
    %dma_wait3A_568 = tpu.memref_slice %dma_wait3A_565[%dma_wait3A_566, %dma_wait3A_567] : memref<56x128xf32, #tpu.memory_space<hbm>> -> memref<50x64xf32, #tpu.memory_space<hbm>>
    %dma_wait3A_569 = tpu.memref_slice %arg8[%dma_wait3A_557] : memref<8x!tpu.dma_semaphore, #tpu.memory_space<semaphore_mem>> -> memref<1x!tpu.dma_semaphore, #tpu.memory_space<semaphore_mem>>
    %dma_wait3A_570 = tpu.memref_squeeze %dma_wait3A_569 : memref<1x!tpu.dma_semaphore, #tpu.memory_space<semaphore_mem>> -> memref<!tpu.dma_semaphore, #tpu.memory_space<semaphore_mem>>
    %dma_wait3A_571 = arith.constant 0 : i32
    %dma_wait3A_572 = arith.constant 0 : i32
    %dma_wait3A_573 = tpu.memref_slice %arg4[%add3A_555, %dma_wait3A_571, %dma_wait3A_572] : memref<4096x56x128xf32, #tpu.memory_space<hbm>> -> memref<1x56x128xf32, #tpu.memory_space<hbm>>
    %dma_wait3A_574 = tpu.memref_squeeze %dma_wait3A_573 : memref<1x56x128xf32, #tpu.memory_space<hbm>> -> memref<56x128xf32, #tpu.memory_space<hbm>>
    %dma_wait3A_575 = arith.constant 0 : i32
    %dma_wait3A_576 = arith.constant 0 : i32
    %dma_wait3A_577 = tpu.memref_slice %dma_wait3A_574[%dma_wait3A_575, %dma_wait3A_576] : memref<56x128xf32, #tpu.memory_space<hbm>> -> memref<50x64xf32, #tpu.memory_space<hbm>>
    %dma_wait3A_578 = arith.constant 0 : i32
    %dma_wait3A_579 = arith.constant 0 : i32
    %dma_wait3A_580 = tpu.memref_slice %arg6[%dma_wait3A_556, %dma_wait3A_578, %dma_wait3A_579] : memref<8x50x64xf32, #tpu.memory_space<vmem>> -> memref<1x50x64xf32, #tpu.memory_space<vmem>>
    %dma_wait3A_581 = tpu.memref_squeeze %dma_wait3A_580 : memref<1x50x64xf32, #tpu.memory_space<vmem>> -> memref<50x64xf32, #tpu.memory_space<vmem>>
    tpu.wait_dma2 semaphore(%dma_wait3A_570 : memref<!tpu.dma_semaphore, #tpu.memory_space<semaphore_mem>>) src(%dma_wait3A_581 : memref<50x64xf32, #tpu.memory_space<vmem>>) dst(%dma_wait3A_577 : memref<50x64xf32, #tpu.memory_space<hbm>>)
    %add3A_582 = arith.constant 124 : i32
    %add3A_583 = arith.addi %mul3A_2, %add3A_582 : i32
    %dma_wait3A_584 = arith.constant 4 : i32
    %dma_wait3A_585 = arith.constant 4 : i32
    %dma_wait3A_586 = arith.constant 0 : i32
    %dma_wait3A_587 = arith.constant 0 : i32
    %dma_wait3A_588 = tpu.memref_slice %arg6[%dma_wait3A_584, %dma_wait3A_586, %dma_wait3A_587] : memref<8x50x64xf32, #tpu.memory_space<vmem>> -> memref<1x50x64xf32, #tpu.memory_space<vmem>>
    %dma_wait3A_589 = tpu.memref_squeeze %dma_wait3A_588 : memref<1x50x64xf32, #tpu.memory_space<vmem>> -> memref<50x64xf32, #tpu.memory_space<vmem>>
    %dma_wait3A_590 = arith.constant 0 : i32
    %dma_wait3A_591 = arith.constant 0 : i32
    %dma_wait3A_592 = tpu.memref_slice %arg4[%add3A_583, %dma_wait3A_590, %dma_wait3A_591] : memref<4096x56x128xf32, #tpu.memory_space<hbm>> -> memref<1x56x128xf32, #tpu.memory_space<hbm>>
    %dma_wait3A_593 = tpu.memref_squeeze %dma_wait3A_592 : memref<1x56x128xf32, #tpu.memory_space<hbm>> -> memref<56x128xf32, #tpu.memory_space<hbm>>
    %dma_wait3A_594 = arith.constant 0 : i32
    %dma_wait3A_595 = arith.constant 0 : i32
    %dma_wait3A_596 = tpu.memref_slice %dma_wait3A_593[%dma_wait3A_594, %dma_wait3A_595] : memref<56x128xf32, #tpu.memory_space<hbm>> -> memref<50x64xf32, #tpu.memory_space<hbm>>
    %dma_wait3A_597 = tpu.memref_slice %arg8[%dma_wait3A_585] : memref<8x!tpu.dma_semaphore, #tpu.memory_space<semaphore_mem>> -> memref<1x!tpu.dma_semaphore, #tpu.memory_space<semaphore_mem>>
    %dma_wait3A_598 = tpu.memref_squeeze %dma_wait3A_597 : memref<1x!tpu.dma_semaphore, #tpu.memory_space<semaphore_mem>> -> memref<!tpu.dma_semaphore, #tpu.memory_space<semaphore_mem>>
    %dma_wait3A_599 = arith.constant 0 : i32
    %dma_wait3A_600 = arith.constant 0 : i32
    %dma_wait3A_601 = tpu.memref_slice %arg4[%add3A_583, %dma_wait3A_599, %dma_wait3A_600] : memref<4096x56x128xf32, #tpu.memory_space<hbm>> -> memref<1x56x128xf32, #tpu.memory_space<hbm>>
    %dma_wait3A_602 = tpu.memref_squeeze %dma_wait3A_601 : memref<1x56x128xf32, #tpu.memory_space<hbm>> -> memref<56x128xf32, #tpu.memory_space<hbm>>
    %dma_wait3A_603 = arith.constant 0 : i32
    %dma_wait3A_604 = arith.constant 0 : i32
    %dma_wait3A_605 = tpu.memref_slice %dma_wait3A_602[%dma_wait3A_603, %dma_wait3A_604] : memref<56x128xf32, #tpu.memory_space<hbm>> -> memref<50x64xf32, #tpu.memory_space<hbm>>
    %dma_wait3A_606 = arith.constant 0 : i32
    %dma_wait3A_607 = arith.constant 0 : i32
    %dma_wait3A_608 = tpu.memref_slice %arg6[%dma_wait3A_584, %dma_wait3A_606, %dma_wait3A_607] : memref<8x50x64xf32, #tpu.memory_space<vmem>> -> memref<1x50x64xf32, #tpu.memory_space<vmem>>
    %dma_wait3A_609 = tpu.memref_squeeze %dma_wait3A_608 : memref<1x50x64xf32, #tpu.memory_space<vmem>> -> memref<50x64xf32, #tpu.memory_space<vmem>>
    tpu.wait_dma2 semaphore(%dma_wait3A_598 : memref<!tpu.dma_semaphore, #tpu.memory_space<semaphore_mem>>) src(%dma_wait3A_609 : memref<50x64xf32, #tpu.memory_space<vmem>>) dst(%dma_wait3A_605 : memref<50x64xf32, #tpu.memory_space<hbm>>)
    %add3A_610 = arith.constant 125 : i32
    %add3A_611 = arith.addi %mul3A_2, %add3A_610 : i32
    %dma_wait3A_612 = arith.constant 5 : i32
    %dma_wait3A_613 = arith.constant 5 : i32
    %dma_wait3A_614 = arith.constant 0 : i32
    %dma_wait3A_615 = arith.constant 0 : i32
    %dma_wait3A_616 = tpu.memref_slice %arg6[%dma_wait3A_612, %dma_wait3A_614, %dma_wait3A_615] : memref<8x50x64xf32, #tpu.memory_space<vmem>> -> memref<1x50x64xf32, #tpu.memory_space<vmem>>
    %dma_wait3A_617 = tpu.memref_squeeze %dma_wait3A_616 : memref<1x50x64xf32, #tpu.memory_space<vmem>> -> memref<50x64xf32, #tpu.memory_space<vmem>>
    %dma_wait3A_618 = arith.constant 0 : i32
    %dma_wait3A_619 = arith.constant 0 : i32
    %dma_wait3A_620 = tpu.memref_slice %arg4[%add3A_611, %dma_wait3A_618, %dma_wait3A_619] : memref<4096x56x128xf32, #tpu.memory_space<hbm>> -> memref<1x56x128xf32, #tpu.memory_space<hbm>>
    %dma_wait3A_621 = tpu.memref_squeeze %dma_wait3A_620 : memref<1x56x128xf32, #tpu.memory_space<hbm>> -> memref<56x128xf32, #tpu.memory_space<hbm>>
    %dma_wait3A_622 = arith.constant 0 : i32
    %dma_wait3A_623 = arith.constant 0 : i32
    %dma_wait3A_624 = tpu.memref_slice %dma_wait3A_621[%dma_wait3A_622, %dma_wait3A_623] : memref<56x128xf32, #tpu.memory_space<hbm>> -> memref<50x64xf32, #tpu.memory_space<hbm>>
    %dma_wait3A_625 = tpu.memref_slice %arg8[%dma_wait3A_613] : memref<8x!tpu.dma_semaphore, #tpu.memory_space<semaphore_mem>> -> memref<1x!tpu.dma_semaphore, #tpu.memory_space<semaphore_mem>>
    %dma_wait3A_626 = tpu.memref_squeeze %dma_wait3A_625 : memref<1x!tpu.dma_semaphore, #tpu.memory_space<semaphore_mem>> -> memref<!tpu.dma_semaphore, #tpu.memory_space<semaphore_mem>>
    %dma_wait3A_627 = arith.constant 0 : i32
    %dma_wait3A_628 = arith.constant 0 : i32
    %dma_wait3A_629 = tpu.memref_slice %arg4[%add3A_611, %dma_wait3A_627, %dma_wait3A_628] : memref<4096x56x128xf32, #tpu.memory_space<hbm>> -> memref<1x56x128xf32, #tpu.memory_space<hbm>>
    %dma_wait3A_630 = tpu.memref_squeeze %dma_wait3A_629 : memref<1x56x128xf32, #tpu.memory_space<hbm>> -> memref<56x128xf32, #tpu.memory_space<hbm>>
    %dma_wait3A_631 = arith.constant 0 : i32
    %dma_wait3A_632 = arith.constant 0 : i32
    %dma_wait3A_633 = tpu.memref_slice %dma_wait3A_630[%dma_wait3A_631, %dma_wait3A_632] : memref<56x128xf32, #tpu.memory_space<hbm>> -> memref<50x64xf32, #tpu.memory_space<hbm>>
    %dma_wait3A_634 = arith.constant 0 : i32
    %dma_wait3A_635 = arith.constant 0 : i32
    %dma_wait3A_636 = tpu.memref_slice %arg6[%dma_wait3A_612, %dma_wait3A_634, %dma_wait3A_635] : memref<8x50x64xf32, #tpu.memory_space<vmem>> -> memref<1x50x64xf32, #tpu.memory_space<vmem>>
    %dma_wait3A_637 = tpu.memref_squeeze %dma_wait3A_636 : memref<1x50x64xf32, #tpu.memory_space<vmem>> -> memref<50x64xf32, #tpu.memory_space<vmem>>
    tpu.wait_dma2 semaphore(%dma_wait3A_626 : memref<!tpu.dma_semaphore, #tpu.memory_space<semaphore_mem>>) src(%dma_wait3A_637 : memref<50x64xf32, #tpu.memory_space<vmem>>) dst(%dma_wait3A_633 : memref<50x64xf32, #tpu.memory_space<hbm>>)
    %add3A_638 = arith.constant 126 : i32
    %add3A_639 = arith.addi %mul3A_2, %add3A_638 : i32
    %dma_wait3A_640 = arith.constant 6 : i32
    %dma_wait3A_641 = arith.constant 6 : i32
    %dma_wait3A_642 = arith.constant 0 : i32
    %dma_wait3A_643 = arith.constant 0 : i32
    %dma_wait3A_644 = tpu.memref_slice %arg6[%dma_wait3A_640, %dma_wait3A_642, %dma_wait3A_643] : memref<8x50x64xf32, #tpu.memory_space<vmem>> -> memref<1x50x64xf32, #tpu.memory_space<vmem>>
    %dma_wait3A_645 = tpu.memref_squeeze %dma_wait3A_644 : memref<1x50x64xf32, #tpu.memory_space<vmem>> -> memref<50x64xf32, #tpu.memory_space<vmem>>
    %dma_wait3A_646 = arith.constant 0 : i32
    %dma_wait3A_647 = arith.constant 0 : i32
    %dma_wait3A_648 = tpu.memref_slice %arg4[%add3A_639, %dma_wait3A_646, %dma_wait3A_647] : memref<4096x56x128xf32, #tpu.memory_space<hbm>> -> memref<1x56x128xf32, #tpu.memory_space<hbm>>
    %dma_wait3A_649 = tpu.memref_squeeze %dma_wait3A_648 : memref<1x56x128xf32, #tpu.memory_space<hbm>> -> memref<56x128xf32, #tpu.memory_space<hbm>>
    %dma_wait3A_650 = arith.constant 0 : i32
    %dma_wait3A_651 = arith.constant 0 : i32
    %dma_wait3A_652 = tpu.memref_slice %dma_wait3A_649[%dma_wait3A_650, %dma_wait3A_651] : memref<56x128xf32, #tpu.memory_space<hbm>> -> memref<50x64xf32, #tpu.memory_space<hbm>>
    %dma_wait3A_653 = tpu.memref_slice %arg8[%dma_wait3A_641] : memref<8x!tpu.dma_semaphore, #tpu.memory_space<semaphore_mem>> -> memref<1x!tpu.dma_semaphore, #tpu.memory_space<semaphore_mem>>
    %dma_wait3A_654 = tpu.memref_squeeze %dma_wait3A_653 : memref<1x!tpu.dma_semaphore, #tpu.memory_space<semaphore_mem>> -> memref<!tpu.dma_semaphore, #tpu.memory_space<semaphore_mem>>
    %dma_wait3A_655 = arith.constant 0 : i32
    %dma_wait3A_656 = arith.constant 0 : i32
    %dma_wait3A_657 = tpu.memref_slice %arg4[%add3A_639, %dma_wait3A_655, %dma_wait3A_656] : memref<4096x56x128xf32, #tpu.memory_space<hbm>> -> memref<1x56x128xf32, #tpu.memory_space<hbm>>
    %dma_wait3A_658 = tpu.memref_squeeze %dma_wait3A_657 : memref<1x56x128xf32, #tpu.memory_space<hbm>> -> memref<56x128xf32, #tpu.memory_space<hbm>>
    %dma_wait3A_659 = arith.constant 0 : i32
    %dma_wait3A_660 = arith.constant 0 : i32
    %dma_wait3A_661 = tpu.memref_slice %dma_wait3A_658[%dma_wait3A_659, %dma_wait3A_660] : memref<56x128xf32, #tpu.memory_space<hbm>> -> memref<50x64xf32, #tpu.memory_space<hbm>>
    %dma_wait3A_662 = arith.constant 0 : i32
    %dma_wait3A_663 = arith.constant 0 : i32
    %dma_wait3A_664 = tpu.memref_slice %arg6[%dma_wait3A_640, %dma_wait3A_662, %dma_wait3A_663] : memref<8x50x64xf32, #tpu.memory_space<vmem>> -> memref<1x50x64xf32, #tpu.memory_space<vmem>>
    %dma_wait3A_665 = tpu.memref_squeeze %dma_wait3A_664 : memref<1x50x64xf32, #tpu.memory_space<vmem>> -> memref<50x64xf32, #tpu.memory_space<vmem>>
    tpu.wait_dma2 semaphore(%dma_wait3A_654 : memref<!tpu.dma_semaphore, #tpu.memory_space<semaphore_mem>>) src(%dma_wait3A_665 : memref<50x64xf32, #tpu.memory_space<vmem>>) dst(%dma_wait3A_661 : memref<50x64xf32, #tpu.memory_space<hbm>>)
    %add3A_666 = arith.constant 127 : i32
    %add3A_667 = arith.addi %mul3A_2, %add3A_666 : i32
    %dma_wait3A_668 = arith.constant 7 : i32
    %dma_wait3A_669 = arith.constant 7 : i32
    %dma_wait3A_670 = arith.constant 0 : i32
    %dma_wait3A_671 = arith.constant 0 : i32
    %dma_wait3A_672 = tpu.memref_slice %arg6[%dma_wait3A_668, %dma_wait3A_670, %dma_wait3A_671] : memref<8x50x64xf32, #tpu.memory_space<vmem>> -> memref<1x50x64xf32, #tpu.memory_space<vmem>>
    %dma_wait3A_673 = tpu.memref_squeeze %dma_wait3A_672 : memref<1x50x64xf32, #tpu.memory_space<vmem>> -> memref<50x64xf32, #tpu.memory_space<vmem>>
    %dma_wait3A_674 = arith.constant 0 : i32
    %dma_wait3A_675 = arith.constant 0 : i32
    %dma_wait3A_676 = tpu.memref_slice %arg4[%add3A_667, %dma_wait3A_674, %dma_wait3A_675] : memref<4096x56x128xf32, #tpu.memory_space<hbm>> -> memref<1x56x128xf32, #tpu.memory_space<hbm>>
    %dma_wait3A_677 = tpu.memref_squeeze %dma_wait3A_676 : memref<1x56x128xf32, #tpu.memory_space<hbm>> -> memref<56x128xf32, #tpu.memory_space<hbm>>
    %dma_wait3A_678 = arith.constant 0 : i32
    %dma_wait3A_679 = arith.constant 0 : i32
    %dma_wait3A_680 = tpu.memref_slice %dma_wait3A_677[%dma_wait3A_678, %dma_wait3A_679] : memref<56x128xf32, #tpu.memory_space<hbm>> -> memref<50x64xf32, #tpu.memory_space<hbm>>
    %dma_wait3A_681 = tpu.memref_slice %arg8[%dma_wait3A_669] : memref<8x!tpu.dma_semaphore, #tpu.memory_space<semaphore_mem>> -> memref<1x!tpu.dma_semaphore, #tpu.memory_space<semaphore_mem>>
    %dma_wait3A_682 = tpu.memref_squeeze %dma_wait3A_681 : memref<1x!tpu.dma_semaphore, #tpu.memory_space<semaphore_mem>> -> memref<!tpu.dma_semaphore, #tpu.memory_space<semaphore_mem>>
    %dma_wait3A_683 = arith.constant 0 : i32
    %dma_wait3A_684 = arith.constant 0 : i32
    %dma_wait3A_685 = tpu.memref_slice %arg4[%add3A_667, %dma_wait3A_683, %dma_wait3A_684] : memref<4096x56x128xf32, #tpu.memory_space<hbm>> -> memref<1x56x128xf32, #tpu.memory_space<hbm>>
    %dma_wait3A_686 = tpu.memref_squeeze %dma_wait3A_685 : memref<1x56x128xf32, #tpu.memory_space<hbm>> -> memref<56x128xf32, #tpu.memory_space<hbm>>
    %dma_wait3A_687 = arith.constant 0 : i32
    %dma_wait3A_688 = arith.constant 0 : i32
    %dma_wait3A_689 = tpu.memref_slice %dma_wait3A_686[%dma_wait3A_687, %dma_wait3A_688] : memref<56x128xf32, #tpu.memory_space<hbm>> -> memref<50x64xf32, #tpu.memory_space<hbm>>
    %dma_wait3A_690 = arith.constant 0 : i32
    %dma_wait3A_691 = arith.constant 0 : i32
    %dma_wait3A_692 = tpu.memref_slice %arg6[%dma_wait3A_668, %dma_wait3A_690, %dma_wait3A_691] : memref<8x50x64xf32, #tpu.memory_space<vmem>> -> memref<1x50x64xf32, #tpu.memory_space<vmem>>
    %dma_wait3A_693 = tpu.memref_squeeze %dma_wait3A_692 : memref<1x50x64xf32, #tpu.memory_space<vmem>> -> memref<50x64xf32, #tpu.memory_space<vmem>>
    tpu.wait_dma2 semaphore(%dma_wait3A_682 : memref<!tpu.dma_semaphore, #tpu.memory_space<semaphore_mem>>) src(%dma_wait3A_693 : memref<50x64xf32, #tpu.memory_space<vmem>>) dst(%dma_wait3A_689 : memref<50x64xf32, #tpu.memory_space<hbm>>)
    return
  }
}

</mosaic_0001>

<sc_bundles>
// kernel: kernel.3.cloned.1.call-start
scs
__scs_entry_jumppad:
0x0: {  	(pc) =	sbr.rel $0x88, $3  }
0x1: {  	(tag) =	ssettag $0x0;
	lr =	simm.s32 $0x1  }
0x2: {  	[smem:$0x3F9F] =	sst lr;
	_ =	strace $0xD0000000  }
0x3: {  	_ = 	snop  }
0x4: {  	_ = 	snop  }
0x5: {  	_ = 	snop  }
0x6: {  	_ = 	snop  }
0x7: {  	_ = 	snop  }
__scs_overlays_trampoline_lowered:
0x8: {  	[smem:$0x3FAE] =	sst s0  }
0x9: {  	[smem:$0x3FAF] =	sst s1  }
0xa: {  	[smem:$0x3FB0] =	sst s2  }
0xb: {  	[smem:$0x3FB1] =	sst s3  }
0xc: {  	[smem:$0x3FB2] =	sst s4  }
0xd: {  	[smem:$0x3FB3] =	sst s5  }
0xe: {  	[smem:$0x3FB4] =	sst s6  }
0xf: {  	[smem:$0x3FB5] =	sst s7  }
0x10: {  	[smem:$0x3FB6] =	sst s8  }
0x11: {  	[smem:$0x3FB7] =	sst s9;
	s0 =	simm.s32 @!p0 $0x0  }
0x12: {  	s1 =	sld [smem:$0x3F9D];
	s0 =	simm.s32 @p0 $0x1  }
0x13: {  	[smem:$0x3FB8] =	sst s0;
	s0 =	simm.s32 @!p1 $0x0  }
0x14: {  	s2 =	sld [smem:$0x3F9C];
	s0 =	simm.s32 @p1 $0x1  }
0x15: {  	[smem:$0x3FB9] =	sst s0;
	s0 =	simm.s32 @!p2 $0x0  }
0x16: {  	s3 =	sld [smem:$0x3FDB];
	s0 =	simm.s32 @p2 $0x1  }
0x17: {  	s4 =	simm.s32 $0x1BF5;
	[smem:$0x3FBB] =	sst s0  }
0x18: {  	s0 =	sld [smem:$0x3F9E];
	_ =	swait.ge [sflag:s4], $0x0  }
0x19: {  	s7 =	sld [smem:$0x3F9F]  }
0x1a: {  	s8 =	sadd.s32 $0xFFFFE003, lr  }
0x1b: {  	s9 =	sadd.s32 $0xFFFFFEF7, lr;
	s5 =	simm.s32 $0xFFFFFFFF;
	p2 =	slt.u32 s8, $0xFFFFF086  }
0x1c: {  	p1 =	slt.u32 s9, $0xF7A;
	s5 =	simm.s32 @!p2 $0x0  }
0x1d: {  	s5 =	simm.s32 @p1 $0x1;
	p0 =	seq.s32 s7, s2  }
0x1e: {  	s7 =	smul.u32 @!p0 $0xF7A, s2;
	p2 =	seq.s32 @!p0 s5, $0x0  }
0x1f: {  	s9 =	smul.u32 $0xF7A, s1;
	s8 =	simm.s32 @!p0 $0x1BF5;
	p2 =	por !p2, p0  }
0x20: {  	[sflag:s8] =	ssyncset.s32 @!p0 $0xFFFFF086;
	s6 =	sadd.s32 @!p0 s3, s7;
	s7 =	simm.s32 @!p0 $0x108  }
0x21: {  	s3 =	sadd.s32 s3, s9;
	s6 =	sadd.s32 @!p0 $0x88, s6;
	s7 =	simm.s32 @p2 $0x1082  }
0x22: {  	[simem:s7], [sflag:s8] =	dma.local @!p0 [hbm:s6], $0xF7A  }
0x23: {  	s9 =	sor.u32 $0xD0000000, s2;
	s6 =	simm.s32 $0x108;
	_ =	swait.ge @!p0 [sflag:s8], $0x0  }
0x24: {  	s3 =	sadd.s32 $0x88, s3;
	s6 =	simm.s32 @!p1 $0x1082;
	[sflag:s4] =	ssyncset.s32 $0xFFFFF086  }
0x25: {  	[simem:s6], [sflag:s4] =	dma.local [hbm:s3], $0xF7A  }
0x26: {  	[smem:$0x3F9F] =	sst s1;
	(tag) =	ssettag s2;
	_ =	strace s9  }
0x27: {  	s1 =	sld [smem:$0x3FAF]  }
0x28: {  	s2 =	sld [smem:$0x3FB0]  }
0x29: {  	s4 =	sld [smem:$0x3FB2]  }
0x2a: {  	p0 =	seq.s32 s5, $0x0;
	s5 =	sld [smem:$0x3FB3]  }
0x2b: {  	s6 =	sld [smem:$0x3FB4]  }
0x2c: {  	s7 =	sld [smem:$0x3FB5]  }
0x2d: {  	s3 =	simm.s32 $0x108;
	s8 =	sld [smem:$0x3FB6]  }
0x2e: {  	s3 =	simm.s32 @!p0 $0x1082;
	s9 =	sld [smem:$0x3FB7]  }
0x2f: {  	lr =	sadd.s32 s0, s3;
	s0 =	sld [smem:$0x3FAE]  }
0x30: {  	s3 =	sld [smem:$0x3FB1]  }
0x31: {  	[smem:$0x3FBA] =	sst s10  }
0x32: {  	s10 =	sld [smem:$0x3FB8];
	_ =	sdelay $0x3  }
0x33: {  	p0 =	seq.s32 s10, $0x1;
	s10 =	sld [smem:$0x3FBA];
	_ =	sdelay $0x3  }
0x34: {  	[smem:$0x3FBA] =	sst s10  }
0x35: {  	s10 =	sld [smem:$0x3FB9];
	_ =	sdelay $0x3  }
0x36: {  	p1 =	seq.s32 s10, $0x1;
	s10 =	sld [smem:$0x3FBA];
	_ =	sdelay $0x3  }
0x37: {  	[smem:$0x3FBA] =	sst s10  }
0x38: {  	s10 =	sld [smem:$0x3FBB]  }
0x39: {  	_ = 	snop;
	(pc) =	sbr.ind lr, $3  }
0x3a: {  	_ = 	snop  }
0x3b: {  	_ = 	snop  }
0x3c: {  	p2 =	seq.s32 s10, $0x1;
	s10 =	sld [smem:$0x3FBA]  }
0x3d: {  	_ =	shalt  }
0x3e: {  	_ =	shalt  }
0x3f: {  	_ =	shalt  }
0x40: {  	_ =	shalt  }
0x41: {  	_ =	shalt  }
0x42: {  	_ =	shalt  }
0x43: {  	_ =	shalt  }
0x44: {  	_ =	shalt  }
0x45: {  	_ =	shalt  }
0x46: {  	_ =	shalt  }
0x47: {  	_ =	shalt  }
0x48: {  	_ =	shalt  }
0x49: {  	_ =	shalt  }
0x4a: {  	_ =	shalt  }
0x4b: {  	_ =	shalt  }
0x4c: {  	_ =	shalt  }
0x4d: {  	_ =	shalt  }
0x4e: {  	_ =	shalt  }
0x4f: {  	_ =	shalt  }
0x50: {  	_ =	shalt  }
0x51: {  	_ =	shalt  }
0x52: {  	_ =	shalt  }
0x53: {  	_ =	shalt  }
0x54: {  	_ =	shalt  }
0x55: {  	_ =	shalt  }
0x56: {  	_ =	shalt  }
0x57: {  	_ =	shalt  }
0x58: {  	_ =	shalt  }
0x59: {  	_ =	shalt  }
0x5a: {  	_ =	shalt  }
0x5b: {  	_ =	shalt  }
0x5c: {  	_ =	shalt  }
0x5d: {  	_ =	shalt  }
0x5e: {  	_ =	shalt  }
0x5f: {  	_ =	shalt  }
0x60: {  	_ =	shalt  }
0x61: {  	_ =	shalt  }
0x62: {  	_ =	shalt  }
0x63: {  	_ =	shalt  }
0x64: {  	_ =	shalt  }
0x65: {  	_ =	shalt  }
0x66: {  	_ =	shalt  }
0x67: {  	_ =	shalt  }
0x68: {  	_ =	shalt  }
0x69: {  	_ =	shalt  }
0x6a: {  	_ =	shalt  }
0x6b: {  	_ =	shalt  }
0x6c: {  	_ =	shalt  }
0x6d: {  	_ =	shalt  }
0x6e: {  	_ =	shalt  }
0x6f: {  	_ =	shalt  }
0x70: {  	_ =	shalt  }
0x71: {  	_ =	shalt  }
0x72: {  	_ =	shalt  }
0x73: {  	_ =	shalt  }
0x74: {  	_ =	shalt  }
0x75: {  	_ =	shalt  }
0x76: {  	_ =	shalt  }
0x77: {  	_ =	shalt  }
0x78: {  	_ =	shalt  }
0x79: {  	_ =	shalt  }
0x7a: {  	_ =	shalt  }
0x7b: {  	_ =	shalt  }
0x7c: {  	_ =	shalt  }
0x7d: {  	_ =	shalt  }
0x7e: {  	_ =	shalt  }
0x7f: {  	_ =	shalt  }
0x80: {  	_ =	shalt  }
0x81: {  	_ =	shalt  }
0x82: {  	_ =	shalt  }
0x83: {  	_ =	shalt  }
0x84: {  	_ =	shalt  }
0x85: {  	_ =	shalt  }
0x86: {  	_ =	shalt  }
0x87: {  	_ =	shalt  }
.Lfunc_end0:
.L_simem_size_0:
called_computation.1_lowered:
.L_overlay_start_0:
0x88: {  	s2 =	sld [smem:$0x3FD9]  }
0x89: {  	s3 =	sld [smem:$0x3FFE];
	_ =	sdelay $0x1  }
0x8a: {  	s1 =	srdreg.scid  }
0x8b: {  	s0 =	sand.u32 $0x1, s1  }
0x8c: {  	s17 =	sshll.u32 s0, $0xA;
	s2 =	sadd.s32 s3, s2  }
0x8d: {  	s2 =	sadd.s32 s2, s17  }
0x8e: {  	[smem:$0x3FC6] =	sst s2  }
0x8f: {  	_ = 	snop  }
0x90: {  	s2 =	sld [smem:$0x3FD0];
	(tm) =	ssettm $0x1  }
0x91: {  	s18 =	sld [smem:$0x3FFB];
	_ =	sdelay $0x3  }
0x92: {  	_ =	strace s18  }
0x93: {  	s3 =	sld [smem:$0x3FFC];
	_ =	sdelay $0x3  }
0x94: {  	_ =	strace s3  }
0x95: {  	s3 =	sld [smem:$0x3FFD];
	_ =	sdelay $0x3  }
0x96: {  	_ =	strace s3  }
0x97: {  	_ =	strace $0x8FFFFFFF  }
0x98: {  	s19 =	sld [smem:$0x3FDB];
	_ =	sdelay $0x1  }
0x99: {  	s4 =	simm.s32 $_scs_section_size  }
0x9a: {  	s5 =	simm.s32 $_size__tile_overlayer_lowered;
	s6 =	simm.s32 $_tile_overlayer_lowered  }
0x9b: {  	s22 =	simm.s32 $0x1BFF;
	s21 =	sshll.u32 s6, $0x1;
	s3 =	sadd.s32 s4, s19  }
0x9c: {  	s7 =	simm.s32 $0x0;
	s20 =	sshll.u32 s5, $0x1;
	s5 =	sadd.s32 s21, s3  }
0x9d: {  	[timem:s7], [sflag:s22] =	dma.local [hbm:s5], s20  }
0x9e: {  	_ =	swait.ge [sflag:s22], s20  }
0x9f: {  	s4 =	ssub.s32 $0x0, s20;
	[sflag:s22] =	ssyncset.done $0x0  }
0xa0: {  	[sflag:s22] =	ssyncadd.s32 s4;
	_ =	sdelay $0x1  }
0xa1: {  	s23 =	simm.s32 $0x1B8B  }
0xa2: {  	_ =	swait.ge [sflag:s23], $0x1  }
0xa3: {  	[sflag:s23] =	ssyncset.done $0x0  }
0xa4: {  	s25 =	simm.s32 $0x1B8E;
	s24 =	sld [smem:$0x3FFE];
	[sflag:s23] =	ssyncadd.s32 $0xFFFFFFFF  }
0xa5: {  	s26 =	simm.s32 $execute0_lowered;
	[smem:$0x3FD2] =	sst s25  }
0xa6: {  	s5 =	sshll.u32 s26, $0x1;
	_ =	strace $0x80000046;
	[dreg:$0x1] =	wrdreg $0xFFFFFFFF  }
0xa7: {  	s28 =	simm.s32 $_size_execute0_lowered;
	s3 =	sadd.s32 s3, s5;
	[dreg:$0x0] =	wrdreg $0x0  }
0xa8: {  	s5 =	sshll.u32 s28, $0x1;
	[dreg:$0x2] =	wrdreg s3  }
0xa9: {  	[dreg:$0x3] =	wrdreg s5  }
0xaa: {  	[dreg:$0x4] =	wrdreg $0xC0  }
0xab: {  	_ =	task [dreg:s7], $0x5FFFF  }
0xac: {  	[dreg:$0x1] =	wrdreg $0xFFFFFFFF  }
0xad: {  	[dreg:$0x0] =	wrdreg $0x60  }
0xae: {  	[dreg:$0x2] =	wrdreg s24  }
0xaf: {  	[dreg:$0x3] =	wrdreg s2  }
0xb0: {  	[dreg:$0x4] =	wrdreg $0x9  }
0xb1: {  	_ =	task.clear_ibuf [dreg:s7], $0x5FFFF;
	_ =	strace $0x90000046  }
0xb2: {  	s29 =	simm.s32 $0x9;
	_ =	strace $0x80000048  }
0xb3: {  	_ =	swait.ge [sflag:s29], $0x1  }
0xb4: {  	[sflag:s29] =	ssyncadd.s32 $0xFFFFFFFF  }
0xb5: {  	_ =	strace $0x90000048  }
0xb6: {  	_ =	sfence  }
0xb7: {  	s30 =	sld [smem:$0x0];
	_ =	sdelay $0x2  }
0xb8: {  	s31 =	sshll.u32 s1, $0xD;
	s1 =	sshrl.u32 s1, $0x2  }
0xb9: {  	s3 =	sand.u32 $0x4000, s31;
	s1 =	sadd.s32 s1, s30  }
0xba: {  	s0 =	sor.u32 s3, s0;
	s1 =	sshll.u32 s1, $0x11  }
0xbb: {  	s0 =	sor.u32 s1, s0  }
0xbc: {  	s0 =	sadd.s32 $0x8F2B, s0  }
0xbd: {  	[sflag:s0] =	ssyncadd.remote.s32 $0x1  }
0xbe: {  	_ =	sfence.sel $0xFFFF  }
0xbf: {  	[dreg:$0x0] =	wrdreg $0xFFFFFFFF;
	(pc) =	sbr.abs _section_cstart, $3  }
0xc0: {  	[dreg:$0x1] =	wrdreg $0xFFFFFFFF  }
0xc1: {  	_ =	task.clear_ibuf [dreg:s7], $0x2FFFF;
	_ =	strace $0x9FFFFFFF  }
0xc2: {  	(tm) =	ssettm $0x7FFFFFFF  }
0xc3: {  	_ =	shalt  }
tec
execute0_lowered:
.L_overlay_start_1:
0x0: {  	(tag) =	ssettag $0x1  }
0x1: {  	s0 =	srdreg.scid;
	s1 =	rddreg [dreg:$0x0]  }
0x2: {  	s8 =	stileid.u32;
	s2 =	rddreg [dreg:$0x1]  }
0x3: {  	s5 =	simm.s32 $0x0;
	s16 =	simm.s32 $0x32;
	s18 =	simm.s32 $0x40  }
0x4: {  	s29 =	simm.s32 $0x3;
	s31 =	simm.s32 $0xB;
	s9 =	simm.s32 $0x7  }
0x5: {  	s10 =	simm.s32 $0xF;
	s11 =	simm.s32 $0x8;
	s0 =	sand.u32 $0x1, s0  }
0x6: {  	s12 =	simm.s32 $0x10;
	s3 =	sshll.u32 s8, $0x8;
	s4 =	sshll.u32 s0, $0x7  }
0x7: {  	[smem:$0x7FF] =	sst s5;
	s6 =	ssub.s32 $0x2, s0;
	s3 =	sor.u32 s4, s3  }
0x8: {  	s19 =	sadd.s32 $0xA00, s1;
	s20 =	sshrl.u32 s6, $0x1;
	s4 =	smul.u32 $0x1C00, s3  }
0x9: {  	s7 =	smul.u32 $0x7, s3;
	s3 =	sadd.s32 $0xF42E00, s1;
	s1 =	ssub.s32 s6, s20  }
0xa: {  	_ =	strace $0x80000047;
	s1 =	smax.u32 s1, $0x1;
	s4 =	sshrl.u32 s4, $0x3  }
0xb: {  	s2 =	sadd.s32 s2, s7;
	[dreg:$0xc] =	wrdreg s1;
	s4 =	sadd.s32 s19, s4  }
0xc: {  	s24 =	smul.u32 $0x38000, s8;
	[dreg:$0x3] =	wrdreg s2;
	s21 =	sadd.s32 $0x1A400, s4  }
0xd: {  	s5 =	simm.s32 $0x5;
	s22 =	sadd.s32 $0x1A780, s4;
	[dreg:$0x4] =	wrdreg s21  }
0xe: {  	s8 =	simm.s32 $0xE;
	s23 =	sadd.s32 $0x1AB00, s4;
	[dreg:$0x5] =	wrdreg s22  }
0xf: {  	s0 =	smul.u32 $0x1C000, s0;
	s25 =	sadd.s32 $0x1AE80, s4;
	[dreg:$0x6] =	wrdreg s23  }
0x10: {  	s20 =	simm.s32 $0x80;
	s26 =	sadd.s32 $0x1B200, s4;
	[dreg:$0x7] =	wrdreg s25  }
0x11: {  	s6 =	simm.s32 $0xD;
	s28 =	sadd.s32 $0x1B580, s4;
	[dreg:$0x8] =	wrdreg s26  }
0x12: {  	s7 =	simm.s32 $0x6;
	s30 =	sadd.s32 $0x1B900, s4;
	[dreg:$0x9] =	wrdreg s28  }
0x13: {  	s2 =	sadd.s32 s24, s19;
	s4 =	sadd.s32 $0x1BC80, s4;
	[dreg:$0xa] =	wrdreg s30  }
0x14: {  	s24 =	simm.s32 $0x2;
	s0 =	sadd.s32 s0, s2;
	[dreg:$0xb] =	wrdreg s4  }
0x15: {  	s2 =	simm.s32 $0x4;
	[dreg:$0xd] =	wrdreg s0;
	s26 =	simm.s32 $0xA  }
0x16: {  	s4 =	simm.s32 $0xC;
	s0 =	simm.s32 $0x0;
	s22 =	simm.s32 $0x7380  }
.LBB2_1:
0x17: {  	[dreg:$0xe] =	wrdreg s0  }
0x18: {  	s13 =	simm.s32 $0x0;
	s14 =	rddreg [dreg:$0x3];
	s23 =	simm.s32 $0x11  }
0x19: {  	[tilespmem:s13], [sflag:$0x11] =	stream.linear.gather [hbm4b:s14+s13], $0x1C00, $0x38;
	[tilespmem:$0x8000] =	vst v63  }
0x1a: {  	_ =	swait.ge [sflag:s23], $0x1C00  }
0x1b: {  	[sflag:s23] =	ssyncset.done $0x0  }
0x1c: {  	s14 =	simm.s32 $0x1C00;
	[sflag:s23] =	ssyncadd.s32 $0xFFFFE400  }
0x1d: {  	[tilespmem:s14], [sflag:$0x1] =	stream.indirect.gather [hbm4b:s3+s16], $0x40, s13, s16, $0xb8;
	[tilespmem:$0x8000] =	vst v63  }
0x1e: {  	s25 =	simm.s32 $0x38;
	s15 =	simm.s32 $0x2880  }
0x1f: {  	[tilespmem:s15], [sflag:$0x2] =	stream.indirect.gather [hbm4b:s3+s16], $0x40, s25, s16, $0xb8;
	[tilespmem:$0x8000] =	vst v63  }
0x20: {  	s28 =	simm.s32 $0x70;
	s19 =	simm.s32 $0x3500  }
0x21: {  	[tilespmem:s19], [sflag:$0x3] =	stream.indirect.gather [hbm4b:s3+s16], $0x40, s28, s16, $0xb8;
	[tilespmem:$0x8000] =	vst v63  }
0x22: {  	s30 =	simm.s32 $0xA8;
	s21 =	simm.s32 $0x4180  }
0x23: {  	[tilespmem:s21], [sflag:$0x4] =	stream.indirect.gather [hbm4b:s3+s16], $0x40, s30, s16, $0xb8;
	[tilespmem:$0x8000] =	vst v63  }
0x24: {  	s0 =	simm.s32 $0xE0;
	s23 =	simm.s32 $0x4E00  }
0x25: {  	[tilespmem:s23], [sflag:$0x5] =	stream.indirect.gather [hbm4b:s3+s16], $0x40, s0, s16, $0xb8;
	[tilespmem:$0x8000] =	vst v63  }
0x26: {  	s1 =	simm.s32 $0x118;
	s25 =	simm.s32 $0x5A80  }
0x27: {  	[tilespmem:s25], [sflag:$0x6] =	stream.indirect.gather [hbm4b:s3+s16], $0x40, s1, s16, $0xb8;
	[tilespmem:$0x8000] =	vst v63  }
0x28: {  	s28 =	simm.s32 $0x6700;
	s1 =	simm.s32 $0x150  }
0x29: {  	[tilespmem:s28], [sflag:$0x7] =	stream.indirect.gather [hbm4b:s3+s16], $0x40, s1, s16, $0xb8;
	[tilespmem:$0x8000] =	vst v63  }
0x2a: {  	s17 =	simm.s32 $0x1;
	s13 =	simm.s32 $0x188;
	s1 =	simm.s32 $0x7380  }
0x2b: {  	[tilespmem:s1], [sflag:$0x8] =	stream.indirect.gather [hbm4b:s3+s16], $0x40, s13, s16, $0xb8;
	[tilespmem:$0x8000] =	vst v63  }
0x2c: {  	_ =	swait.ge [sflag:s17], $0xC80  }
0x2d: {  	[sflag:s17] =	ssyncset.done $0x0  }
0x2e: {  	s30 =	simm.s32 $0x9;
	[sflag:s17] =	ssyncadd.s32 $0xFFFFF380;
	s17 =	rddreg [dreg:$0xd]  }
0x2f: {  	[hbm4b:s17+s18] =	stream.strided.scatter [tilespmem:s14], [sflag:$0x9], $0xC80, s20, s18, $0x38;
	[tilespmem:$0x8000] =	vst v63  }
0x30: {  	_ =	swait.ge [sflag:s30], $0xC80  }
0x31: {  	[sflag:s30] =	ssyncset.done $0x0  }
0x32: {  	s0 =	simm.s32 $0x1C0;
	[sflag:s30] =	ssyncadd.s32 $0xFFFFF380  }
0x33: {  	[tilespmem:s14], [sflag:$0x1] =	stream.indirect.gather [hbm4b:s3+s16], $0x40, s0, s16, $0xb8;
	[tilespmem:$0x8000] =	vst v63  }
0x34: {  	_ =	swait.ge [sflag:s24], $0xC80  }
0x35: {  	[sflag:s24] =	ssyncset.done $0x0  }
0x36: {  	s30 =	sadd.s32 $0x380, s17;
	[sflag:s24] =	ssyncadd.s32 $0xFFFFF380  }
0x37: {  	[hbm4b:s30+s18] =	stream.strided.scatter [tilespmem:s15], [sflag:$0xA], $0xC80, s20, s18, $0x38;
	[tilespmem:$0x8000] =	vst v63  }
0x38: {  	_ =	swait.ge [sflag:s26], $0xC80  }
0x39: {  	[sflag:s26] =	ssyncset.done $0x0  }
0x3a: {  	s0 =	simm.s32 $0x1F8;
	[sflag:s26] =	ssyncadd.s32 $0xFFFFF380  }
0x3b: {  	[tilespmem:s15], [sflag:$0x2] =	stream.indirect.gather [hbm4b:s3+s16], $0x40, s0, s16, $0xb8;
	[tilespmem:$0x8000] =	vst v63  }
0x3c: {  	_ =	swait.ge [sflag:s29], $0xC80  }
0x3d: {  	[sflag:s29] =	ssyncset.done $0x0  }
0x3e: {  	s14 =	sadd.s32 $0x700, s17;
	[sflag:s29] =	ssyncadd.s32 $0xFFFFF380  }
0x3f: {  	[hbm4b:s14+s18] =	stream.strided.scatter [tilespmem:s19], [sflag:$0xB], $0xC80, s20, s18, $0x38;
	[tilespmem:$0x8000] =	vst v63  }
0x40: {  	_ =	swait.ge [sflag:s31], $0xC80  }
0x41: {  	[sflag:s31] =	ssyncset.done $0x0  }
0x42: {  	s15 =	simm.s32 $0x230;
	[sflag:s31] =	ssyncadd.s32 $0xFFFFF380  }
0x43: {  	[tilespmem:s19], [sflag:$0x3] =	stream.indirect.gather [hbm4b:s3+s16], $0x40, s15, s16, $0xb8;
	[tilespmem:$0x8000] =	vst v63  }
0x44: {  	_ =	swait.ge [sflag:s2], $0xC80  }
0x45: {  	[sflag:s2] =	ssyncset.done $0x0  }
0x46: {  	s30 =	sadd.s32 $0xA80, s17;
	[sflag:s2] =	ssyncadd.s32 $0xFFFFF380  }
0x47: {  	[hbm4b:s30+s18] =	stream.strided.scatter [tilespmem:s21], [sflag:$0xC], $0xC80, s20, s18, $0x38;
	[tilespmem:$0x8000] =	vst v63  }
0x48: {  	_ =	swait.ge [sflag:s4], $0xC80  }
0x49: {  	[sflag:s4] =	ssyncset.done $0x0  }
0x4a: {  	s0 =	simm.s32 $0x268;
	[sflag:s4] =	ssyncadd.s32 $0xFFFFF380  }
0x4b: {  	[tilespmem:s21], [sflag:$0x4] =	stream.indirect.gather [hbm4b:s3+s16], $0x40, s0, s16, $0xb8;
	[tilespmem:$0x8000] =	vst v63  }
0x4c: {  	_ =	swait.ge [sflag:s5], $0xC80  }
0x4d: {  	[sflag:s5] =	ssyncset.done $0x0  }
0x4e: {  	s14 =	sadd.s32 $0xE00, s17;
	[sflag:s5] =	ssyncadd.s32 $0xFFFFF380  }
0x4f: {  	[hbm4b:s14+s18] =	stream.strided.scatter [tilespmem:s23], [sflag:$0xD], $0xC80, s20, s18, $0x38;
	[tilespmem:$0x8000] =	vst v63  }
0x50: {  	_ =	swait.ge [sflag:s6], $0xC80  }
0x51: {  	[sflag:s6] =	ssyncset.done $0x0  }
0x52: {  	s15 =	simm.s32 $0x2A0;
	[sflag:s6] =	ssyncadd.s32 $0xFFFFF380  }
0x53: {  	[tilespmem:s23], [sflag:$0x5] =	stream.indirect.gather [hbm4b:s3+s16], $0x40, s15, s16, $0xb8;
	[tilespmem:$0x8000] =	vst v63  }
0x54: {  	_ =	swait.ge [sflag:s7], $0xC80  }
0x55: {  	[sflag:s7] =	ssyncset.done $0x0  }
0x56: {  	s19 =	sadd.s32 $0x1180, s17;
	[sflag:s7] =	ssyncadd.s32 $0xFFFFF380  }
0x57: {  	[hbm4b:s19+s18] =	stream.strided.scatter [tilespmem:s25], [sflag:$0xE], $0xC80, s20, s18, $0x38;
	[tilespmem:$0x8000] =	vst v63  }
0x58: {  	_ =	swait.ge [sflag:s8], $0xC80  }
0x59: {  	[sflag:s8] =	ssyncset.done $0x0  }
0x5a: {  	s21 =	simm.s32 $0x2D8;
	[sflag:s8] =	ssyncadd.s32 $0xFFFFF380  }
0x5b: {  	[tilespmem:s25], [sflag:$0x6] =	stream.indirect.gather [hbm4b:s3+s16], $0x40, s21, s16, $0xb8;
	[tilespmem:$0x8000] =	vst v63  }
0x5c: {  	_ =	swait.ge [sflag:s9], $0xC80  }
0x5d: {  	[sflag:s9] =	ssyncset.done $0x0  }
0x5e: {  	s23 =	sadd.s32 $0x1500, s17;
	[sflag:s9] =	ssyncadd.s32 $0xFFFFF380  }
0x5f: {  	[hbm4b:s23+s18] =	stream.strided.scatter [tilespmem:s28], [sflag:$0xF], $0xC80, s20, s18, $0x38;
	[tilespmem:$0x8000] =	vst v63  }
0x60: {  	_ =	swait.ge [sflag:s10], $0xC80  }
0x61: {  	[sflag:s10] =	ssyncset.done $0x0  }
0x62: {  	s25 =	simm.s32 $0x310;
	[sflag:s10] =	ssyncadd.s32 $0xFFFFF380  }
0x63: {  	[tilespmem:s28], [sflag:$0x7] =	stream.indirect.gather [hbm4b:s3+s16], $0x40, s25, s16, $0xb8;
	[tilespmem:$0x8000] =	vst v63  }
0x64: {  	_ =	swait.ge [sflag:s11], $0xC80  }
0x65: {  	[sflag:s11] =	ssyncset.done $0x0  }
0x66: {  	s30 =	sadd.s32 $0x1880, s17;
	[sflag:s11] =	ssyncadd.s32 $0xFFFFF380  }
0x67: {  	[hbm4b:s30+s18] =	stream.strided.scatter [tilespmem:s1], [sflag:$0x10], $0xC80, s20, s18, $0x38;
	[tilespmem:$0x8000] =	vst v63  }
0x68: {  	_ =	swait.ge [sflag:s12], $0xC80  }
0x69: {  	s13 =	sadd.s32 $0x1C00, s17;
	[sflag:s12] =	ssyncset.done $0x0  }
0x6a: {  	s14 =	simm.s32 $0x348;
	s15 =	simm.s32 $0x700;
	[sflag:s12] =	ssyncadd.s32 $0xFFFFF380  }
.LBB2_2:
0x6b: {  	[tilespmem:s22], [sflag:$0x8] =	stream.indirect.gather [hbm4b:s3+s16], $0x40, s14, s16, $0xb8;
	[tilespmem:$0x8000] =	vst v63  }
0x6c: {  	s14 =	smov.u32 s15;
	s0 =	simm.s32 $0x1  }
0x6d: {  	p0 =	sne.s32 s15, $0x6200;
	s15 =	sadd.s32 $0x700, s15;
	_ =	swait.ge [sflag:s0], $0xC80  }
0x6e: {  	[sflag:s0] =	ssyncset.done $0x0  }
0x6f: {  	s21 =	simm.s32 $0x1C00;
	[sflag:s0] =	ssyncadd.s32 $0xFFFFF380;
	s0 =	simm.s32 $0x9  }
0x70: {  	[hbm4b:s13+s18] =	stream.strided.scatter [tilespmem:s21], [sflag:$0x9], $0xC80, s20, s18, $0x38;
	[tilespmem:$0x8000] =	vst v63  }
0x71: {  	_ =	swait.ge [sflag:s0], $0xC80  }
0x72: {  	s14 =	sshra.s32 s14, $0x2;
	[sflag:s0] =	ssyncset.done $0x0  }
0x73: {  	s19 =	simm.s32 $0x1C00;
	s17 =	sadd.s32 $0x1C0, s14;
	[sflag:s0] =	ssyncadd.s32 $0xFFFFF380  }
0x74: {  	[tilespmem:s21], [sflag:$0x1] =	stream.indirect.gather [hbm4b:s3+s16], $0x40, s17, s16, $0xb8;
	[tilespmem:$0x8000] =	vst v63  }
0x75: {  	_ =	swait.ge [sflag:s24], $0xC80  }
0x76: {  	[sflag:s24] =	ssyncset.done $0x0  }
0x77: {  	s23 =	simm.s32 $0x2880;
	s17 =	sadd.s32 $0x380, s13;
	[sflag:s24] =	ssyncadd.s32 $0xFFFFF380  }
0x78: {  	[hbm4b:s17+s18] =	stream.strided.scatter [tilespmem:s23], [sflag:$0xA], $0xC80, s20, s18, $0x38;
	[tilespmem:$0x8000] =	vst v63  }
0x79: {  	_ =	swait.ge [sflag:s26], $0xC80  }
0x7a: {  	[sflag:s26] =	ssyncset.done $0x0  }
0x7b: {  	s21 =	simm.s32 $0x2880;
	s17 =	sadd.s32 $0x1F8, s14;
	[sflag:s26] =	ssyncadd.s32 $0xFFFFF380  }
0x7c: {  	[tilespmem:s23], [sflag:$0x2] =	stream.indirect.gather [hbm4b:s3+s16], $0x40, s17, s16, $0xb8;
	[tilespmem:$0x8000] =	vst v63  }
0x7d: {  	_ =	swait.ge [sflag:s29], $0xC80  }
0x7e: {  	[sflag:s29] =	ssyncset.done $0x0  }
0x7f: {  	s25 =	simm.s32 $0x3500;
	s17 =	sadd.s32 $0x700, s13;
	[sflag:s29] =	ssyncadd.s32 $0xFFFFF380  }
0x80: {  	[hbm4b:s17+s18] =	stream.strided.scatter [tilespmem:s25], [sflag:$0xB], $0xC80, s20, s18, $0x38;
	[tilespmem:$0x8000] =	vst v63  }
0x81: {  	_ =	swait.ge [sflag:s31], $0xC80  }
0x82: {  	[sflag:s31] =	ssyncset.done $0x0  }
0x83: {  	s23 =	simm.s32 $0x3500;
	s17 =	sadd.s32 $0x230, s14;
	[sflag:s31] =	ssyncadd.s32 $0xFFFFF380  }
0x84: {  	[tilespmem:s25], [sflag:$0x3] =	stream.indirect.gather [hbm4b:s3+s16], $0x40, s17, s16, $0xb8;
	[tilespmem:$0x8000] =	vst v63  }
0x85: {  	_ =	swait.ge [sflag:s2], $0xC80  }
0x86: {  	[sflag:s2] =	ssyncset.done $0x0  }
0x87: {  	s28 =	simm.s32 $0x4180;
	s17 =	sadd.s32 $0xA80, s13;
	[sflag:s2] =	ssyncadd.s32 $0xFFFFF380  }
0x88: {  	[hbm4b:s17+s18] =	stream.strided.scatter [tilespmem:s28], [sflag:$0xC], $0xC80, s20, s18, $0x38;
	[tilespmem:$0x8000] =	vst v63  }
0x89: {  	_ =	swait.ge [sflag:s4], $0xC80  }
0x8a: {  	[sflag:s4] =	ssyncset.done $0x0  }
0x8b: {  	s25 =	simm.s32 $0x4180;
	s17 =	sadd.s32 $0x268, s14;
	[sflag:s4] =	ssyncadd.s32 $0xFFFFF380  }
0x8c: {  	[tilespmem:s28], [sflag:$0x4] =	stream.indirect.gather [hbm4b:s3+s16], $0x40, s17, s16, $0xb8;
	[tilespmem:$0x8000] =	vst v63  }
0x8d: {  	_ =	swait.ge [sflag:s5], $0xC80  }
0x8e: {  	[sflag:s5] =	ssyncset.done $0x0  }
0x8f: {  	s30 =	simm.s32 $0x4E00;
	s17 =	sadd.s32 $0xE00, s13;
	[sflag:s5] =	ssyncadd.s32 $0xFFFFF380  }
0x90: {  	[hbm4b:s17+s18] =	stream.strided.scatter [tilespmem:s30], [sflag:$0xD], $0xC80, s20, s18, $0x38;
	[tilespmem:$0x8000] =	vst v63  }
0x91: {  	_ =	swait.ge [sflag:s6], $0xC80  }
0x92: {  	[sflag:s6] =	ssyncset.done $0x0  }
0x93: {  	s28 =	simm.s32 $0x4E00;
	s17 =	sadd.s32 $0x2A0, s14;
	[sflag:s6] =	ssyncadd.s32 $0xFFFFF380  }
0x94: {  	[tilespmem:s30], [sflag:$0x5] =	stream.indirect.gather [hbm4b:s3+s16], $0x40, s17, s16, $0xb8;
	[tilespmem:$0x8000] =	vst v63  }
0x95: {  	_ =	swait.ge [sflag:s7], $0xC80  }
0x96: {  	[sflag:s7] =	ssyncset.done $0x0  }
0x97: {  	s1 =	simm.s32 $0x5A80;
	s17 =	sadd.s32 $0x1180, s13;
	[sflag:s7] =	ssyncadd.s32 $0xFFFFF380  }
0x98: {  	[hbm4b:s17+s18] =	stream.strided.scatter [tilespmem:s1], [sflag:$0xE], $0xC80, s20, s18, $0x38;
	[tilespmem:$0x8000] =	vst v63  }
0x99: {  	_ =	swait.ge [sflag:s8], $0xC80  }
0x9a: {  	[sflag:s8] =	ssyncset.done $0x0  }
0x9b: {  	s30 =	simm.s32 $0x5A80;
	s17 =	sadd.s32 $0x2D8, s14;
	[sflag:s8] =	ssyncadd.s32 $0xFFFFF380  }
0x9c: {  	[tilespmem:s1], [sflag:$0x6] =	stream.indirect.gather [hbm4b:s3+s16], $0x40, s17, s16, $0xb8;
	[tilespmem:$0x8000] =	vst v63  }
0x9d: {  	_ =	swait.ge [sflag:s9], $0xC80  }
0x9e: {  	[sflag:s9] =	ssyncset.done $0x0  }
0x9f: {  	s0 =	simm.s32 $0x6700;
	s17 =	sadd.s32 $0x1500, s13;
	[sflag:s9] =	ssyncadd.s32 $0xFFFFF380  }
0xa0: {  	[hbm4b:s17+s18] =	stream.strided.scatter [tilespmem:s0], [sflag:$0xF], $0xC80, s20, s18, $0x38;
	[tilespmem:$0x8000] =	vst v63  }
0xa1: {  	_ =	swait.ge [sflag:s10], $0xC80  }
0xa2: {  	[sflag:s10] =	ssyncset.done $0x0  }
0xa3: {  	s1 =	simm.s32 $0x6700;
	s17 =	sadd.s32 $0x310, s14;
	[sflag:s10] =	ssyncadd.s32 $0xFFFFF380  }
0xa4: {  	[tilespmem:s0], [sflag:$0x7] =	stream.indirect.gather [hbm4b:s3+s16], $0x40, s17, s16, $0xb8;
	[tilespmem:$0x8000] =	vst v63  }
0xa5: {  	_ =	swait.ge [sflag:s11], $0xC80  }
0xa6: {  	[sflag:s11] =	ssyncset.done $0x0  }
.Ltmp0:
0xa7: {  	s17 =	sadd.s32 $0x1880, s13;
	[sflag:s11] =	ssyncadd.s32 $0xFFFFF380;
	(pc) =	sbr.rel @p0 .LBB2_2-.Ltmp0, $4  }
0xa8: {  	[hbm4b:s17+s18] =	stream.strided.scatter [tilespmem:s22], [sflag:$0x10], $0xC80, s20, s18, $0x38;
	[tilespmem:$0x8000] =	vst v63  }
0xa9: {  	_ =	swait.ge [sflag:s12], $0xC80  }
0xaa: {  	[sflag:s12] =	ssyncset.done $0x0  }
0xab: {  	s14 =	sadd.s32 $0x348, s14;
	s13 =	sadd.s32 $0x1C00, s13;
	[sflag:s12] =	ssyncadd.s32 $0xFFFFF380  }
0xac: {  	s0 =	simm.s32 $0x7380;
	s13 =	simm.s32 $0x1  }
0xad: {  	[tilespmem:s0], [sflag:$0x8] =	stream.indirect.gather [hbm4b:s3+s16], $0x40, s14, s16, $0xb8;
	[tilespmem:$0x8000] =	vst v63  }
0xae: {  	_ =	swait.ge [sflag:s13], $0xC80  }
0xaf: {  	[sflag:s13] =	ssyncset.done $0x0  }
0xb0: {  	s17 =	rddreg [dreg:$0x4];
	[sflag:s13] =	ssyncadd.s32 $0xFFFFF380  }
0xb1: {  	[hbm4b:s17+s18] =	stream.strided.scatter [tilespmem:s19], [sflag:$0x9], $0xC80, s20, s18, $0x38;
	[tilespmem:$0x8000] =	vst v63  }
0xb2: {  	_ =	swait.ge [sflag:s24], $0xC80  }
0xb3: {  	[sflag:s24] =	ssyncset.done $0x0  }
0xb4: {  	s19 =	rddreg [dreg:$0x5];
	[sflag:s24] =	ssyncadd.s32 $0xFFFFF380  }
0xb5: {  	[hbm4b:s19+s18] =	stream.strided.scatter [tilespmem:s21], [sflag:$0xA], $0xC80, s20, s18, $0x38;
	[tilespmem:$0x8000] =	vst v63  }
0xb6: {  	_ =	swait.ge [sflag:s29], $0xC80  }
0xb7: {  	[sflag:s29] =	ssyncset.done $0x0  }
0xb8: {  	s14 =	rddreg [dreg:$0x6];
	[sflag:s29] =	ssyncadd.s32 $0xFFFFF380  }
0xb9: {  	[hbm4b:s14+s18] =	stream.strided.scatter [tilespmem:s23], [sflag:$0xB], $0xC80, s20, s18, $0x38;
	[tilespmem:$0x8000] =	vst v63  }
0xba: {  	_ =	swait.ge [sflag:s2], $0xC80  }
0xbb: {  	[sflag:s2] =	ssyncset.done $0x0  }
0xbc: {  	s15 =	rddreg [dreg:$0x7];
	[sflag:s2] =	ssyncadd.s32 $0xFFFFF380  }
0xbd: {  	[hbm4b:s15+s18] =	stream.strided.scatter [tilespmem:s25], [sflag:$0xC], $0xC80, s20, s18, $0x38;
	[tilespmem:$0x8000] =	vst v63  }
0xbe: {  	_ =	swait.ge [sflag:s5], $0xC80  }
0xbf: {  	[sflag:s5] =	ssyncset.done $0x0  }
0xc0: {  	s17 =	rddreg [dreg:$0x8];
	[sflag:s5] =	ssyncadd.s32 $0xFFFFF380  }
0xc1: {  	[hbm4b:s17+s18] =	stream.strided.scatter [tilespmem:s28], [sflag:$0xD], $0xC80, s20, s18, $0x38;
	[tilespmem:$0x8000] =	vst v63  }
0xc2: {  	_ =	swait.ge [sflag:s7], $0xC80  }
0xc3: {  	[sflag:s7] =	ssyncset.done $0x0  }
0xc4: {  	s19 =	rddreg [dreg:$0x9];
	[sflag:s7] =	ssyncadd.s32 $0xFFFFF380  }
0xc5: {  	[hbm4b:s19+s18] =	stream.strided.scatter [tilespmem:s30], [sflag:$0xE], $0xC80, s20, s18, $0x38;
	[tilespmem:$0x8000] =	vst v63  }
0xc6: {  	_ =	swait.ge [sflag:s9], $0xC80  }
0xc7: {  	[sflag:s9] =	ssyncset.done $0x0  }
0xc8: {  	s21 =	rddreg [dreg:$0xa];
	[sflag:s9] =	ssyncadd.s32 $0xFFFFF380  }
0xc9: {  	[hbm4b:s21+s18] =	stream.strided.scatter [tilespmem:s1], [sflag:$0xF], $0xC80, s20, s18, $0x38;
	[tilespmem:$0x8000] =	vst v63  }
0xca: {  	_ =	swait.ge [sflag:s11], $0xC80  }
0xcb: {  	[sflag:s11] =	ssyncset.done $0x0  }
0xcc: {  	s25 =	simm.s32 $0x9;
	s23 =	rddreg [dreg:$0xb];
	[sflag:s11] =	ssyncadd.s32 $0xFFFFF380  }
0xcd: {  	[hbm4b:s23+s18] =	stream.strided.scatter [tilespmem:s0], [sflag:$0x10], $0xC80, s20, s18, $0x38;
	[tilespmem:$0x8000] =	vst v63  }
0xce: {  	_ =	swait.ge [sflag:s25], $0xC80  }
0xcf: {  	[sflag:s25] =	ssyncset.done $0x0  }
0xd0: {  	[sflag:s25] =	ssyncadd.s32 $0xFFFFF380  }
0xd1: {  	_ =	swait.ge [sflag:s26], $0xC80  }
0xd2: {  	[sflag:s26] =	ssyncset.done $0x0  }
0xd3: {  	[sflag:s26] =	ssyncadd.s32 $0xFFFFF380  }
0xd4: {  	_ =	swait.ge [sflag:s31], $0xC80  }
0xd5: {  	[sflag:s31] =	ssyncset.done $0x0  }
0xd6: {  	[sflag:s31] =	ssyncadd.s32 $0xFFFFF380  }
0xd7: {  	_ =	swait.ge [sflag:s4], $0xC80  }
0xd8: {  	[sflag:s4] =	ssyncset.done $0x0  }
0xd9: {  	[sflag:s4] =	ssyncadd.s32 $0xFFFFF380  }
0xda: {  	_ =	swait.ge [sflag:s6], $0xC80  }
0xdb: {  	[sflag:s6] =	ssyncset.done $0x0  }
0xdc: {  	[sflag:s6] =	ssyncadd.s32 $0xFFFFF380  }
0xdd: {  	_ =	swait.ge [sflag:s8], $0xC80  }
0xde: {  	[sflag:s8] =	ssyncset.done $0x0  }
0xdf: {  	[sflag:s8] =	ssyncadd.s32 $0xFFFFF380  }
0xe0: {  	_ =	swait.ge [sflag:s10], $0xC80  }
0xe1: {  	[sflag:s10] =	ssyncset.done $0x0  }
0xe2: {  	[sflag:s10] =	ssyncadd.s32 $0xFFFFF380  }
0xe3: {  	_ =	swait.ge [sflag:s12], $0xC80  }
0xe4: {  	s28 =	rddreg [dreg:$0xe]  }
0xe5: {  	s30 =	rddreg [dreg:$0xc];
	s0 =	sadd.s32 $0x1, s28  }
0xe6: {  	p0 =	sne.s32 s0, s30  }
.Ltmp1:
0xe7: {  	_ = 	snop;
	(pc) =	sbr.rel @p0 .LBB2_1-.Ltmp1, $3  }
0xe8: {  	_ =	sdelay $0x1  }
0xe9: {  	[sflag:s12] =	ssyncset.done $0x0  }
0xea: {  	[sflag:s12] =	ssyncadd.s32 $0xFFFFF380  }
0xeb: {  	_ =	sfence.sel $0x180000  }
0xec: {  	[bflag:$0x0] =	sbarrier.arrive $0xFFFF  }
0xed: {  	_ =	strace $0x90000047  }
0xee: {  	s0 =	stileid.u32;
	[bflag:$0x2] =	sbarrier.arrive $0xFFFF  }
0xef: {  	p0 =	sne.s32 s0, $0x0;
	s0 =	rddreg [dreg:$0x2]  }
0xf0: {  	s0 =	sadd.s32 @!p0 $0x100000, s0  }
0xf1: {  	[sflag:s0] =	ssyncadd.tile.s32 @!p0 $0x1;
	_ =	shalt  }
.Lfunc_end2:
_tile_overlayer_lowered:
.L_overlay_start_2:
0xf2: {  	(tag) =	ssettag $0x2  }
0xf3: {  	s0 =	rddreg [dreg:$0x0];
	s2 =	stileid.u32  }
0xf4: {  	s1 =	rddreg [dreg:$0x1];
	p0 =	sne.s32 s2, $0x0  }
0xf5: {  	s3 =	rddreg [dreg:$0x2];
	[bflag:$0x3] =	sbarrier.arrive $0xFFFF;
	s2 =	simm.s32 @!p0 $0x1C11  }
0xf6: {  	[timem:s3], [sflag:s2] =	dma.local @!p0 [hbm:s0], s1  }
0xf7: {  	s0 =	simm.s32 @!p0 $0x11  }
0xf8: {  	_ =	swait.ge @!p0 [sflag:s0], s1  }
0xf9: {  	s1 =	ssub.s32 @!p0 $0x0, s1;
	[sflag:s0] =	ssyncset.done @!p0 $0x0  }
0xfa: {  	[sflag:s0] =	ssyncadd.s32 @!p0 s1  }
0xfb: {  	[bflag:$0x3] =	sbarrier.arrive $0xFFFF  }
0xfc: {  	_ =	shalt  }

// kernel: sparse-core-data-format-call.cloned.1.call-start
scs
called_computation_lowered:
.L_overlay_start_0:
0x0: {  	s2 =	sld [smem:$0x3FD9]  }
0x1: {  	s3 =	sld [smem:$0x3FFE];
	_ =	sdelay $0x1  }
0x2: {  	s1 =	srdreg.scid  }
0x3: {  	s0 =	sand.u32 $0x1, s1  }
0x4: {  	s18 =	sshll.u32 s0, $0xA;
	s2 =	sadd.s32 s3, s2  }
0x5: {  	s2 =	sadd.s32 s2, s18  }
0x6: {  	[smem:$0x3FC6] =	sst s2  }
0x7: {  	_ = 	snop  }
0x8: {  	s2 =	sld [smem:$0x3FD0];
	(tm) =	ssettm $0x1  }
0x9: {  	s19 =	sld [smem:$0x3FFB];
	_ =	sdelay $0x3  }
0xa: {  	_ =	strace s19  }
0xb: {  	s3 =	sld [smem:$0x3FFC];
	_ =	sdelay $0x3  }
0xc: {  	_ =	strace s3  }
0xd: {  	s3 =	sld [smem:$0x3FFD];
	_ =	sdelay $0x3  }
0xe: {  	_ =	strace s3  }
0xf: {  	_ =	strace $0x8FFFFFFF  }
0x10: {  	s20 =	sld [smem:$0x3FDB];
	_ =	sdelay $0x1  }
0x11: {  	s4 =	simm.s32 $_scs_section_size  }
0x12: {  	s5 =	simm.s32 $_size__tile_overlayer_lowered;
	s6 =	simm.s32 $_tile_overlayer_lowered  }
0x13: {  	s23 =	simm.s32 $0x1BFF;
	s22 =	sshll.u32 s6, $0x1;
	s3 =	sadd.s32 s4, s20  }
0x14: {  	s7 =	simm.s32 $0x0;
	s21 =	sshll.u32 s5, $0x1;
	s5 =	sadd.s32 s22, s3  }
0x15: {  	[timem:s7], [sflag:s23] =	dma.local [hbm:s5], s21  }
0x16: {  	_ =	swait.ge [sflag:s23], s21  }
0x17: {  	s4 =	ssub.s32 $0x0, s21;
	[sflag:s23] =	ssyncset.done $0x0  }
0x18: {  	[sflag:s23] =	ssyncadd.s32 s4;
	_ =	sdelay $0x1  }
0x19: {  	s24 =	simm.s32 $0x1B8B  }
0x1a: {  	_ =	swait.ge [sflag:s24], $0x1  }
0x1b: {  	[sflag:s24] =	ssyncset.done $0x0  }
0x1c: {  	s26 =	simm.s32 $0x1B8E;
	s25 =	sld [smem:$0x3FFE];
	[sflag:s24] =	ssyncadd.s32 $0xFFFFFFFF  }
0x1d: {  	s27 =	simm.s32 $execute0_lowered;
	[smem:$0x3FD2] =	sst s26  }
0x1e: {  	s5 =	sshll.u32 s27, $0x1;
	_ =	strace $0x80000049;
	[dreg:$0x1] =	wrdreg $0xFFFFFFFF  }
0x1f: {  	s28 =	simm.s32 $_size_execute0_lowered;
	s3 =	sadd.s32 s3, s5;
	[dreg:$0x0] =	wrdreg $0x0  }
0x20: {  	s5 =	sshll.u32 s28, $0x1;
	[dreg:$0x2] =	wrdreg s3  }
0x21: {  	[dreg:$0x3] =	wrdreg s5  }
0x22: {  	[dreg:$0x4] =	wrdreg $0xC0  }
0x23: {  	_ =	task [dreg:s7], $0x5FFFF  }
0x24: {  	[dreg:$0x1] =	wrdreg $0xFFFFFFFF  }
0x25: {  	[dreg:$0x0] =	wrdreg $0x60  }
0x26: {  	[dreg:$0x2] =	wrdreg s25  }
0x27: {  	[dreg:$0x3] =	wrdreg s2  }
0x28: {  	[dreg:$0x4] =	wrdreg $0x9  }
0x29: {  	_ =	task.clear_ibuf [dreg:s7], $0x5FFFF;
	_ =	strace $0x90000049  }
0x2a: {  	s29 =	simm.s32 $0x9;
	_ =	strace $0x8000004B  }
0x2b: {  	_ =	swait.ge [sflag:s29], $0x1  }
0x2c: {  	[sflag:s29] =	ssyncadd.s32 $0xFFFFFFFF  }
0x2d: {  	_ =	strace $0x9000004B  }
0x2e: {  	_ =	sfence  }
0x2f: {  	s30 =	sld [smem:$0x0];
	_ =	sdelay $0x2  }
0x30: {  	s31 =	sshll.u32 s1, $0xD;
	s1 =	sshrl.u32 s1, $0x2  }
0x31: {  	s3 =	sand.u32 $0x4000, s31;
	s1 =	sadd.s32 s1, s30  }
0x32: {  	s0 =	sor.u32 s3, s0;
	s1 =	sshll.u32 s1, $0x11  }
0x33: {  	s0 =	sor.u32 s1, s0  }
0x34: {  	s0 =	sadd.s32 $0x8F2B, s0  }
0x35: {  	[sflag:s0] =	ssyncadd.remote.s32 $0x1  }
0x36: {  	_ =	sfence.sel $0xFFFF  }
0x37: {  	[dreg:$0x0] =	wrdreg $0xFFFFFFFF;
	(pc) =	sbr.abs _section_cstart, $3  }
0x38: {  	[dreg:$0x1] =	wrdreg $0xFFFFFFFF  }
0x39: {  	_ =	task.clear_ibuf [dreg:s7], $0x2FFFF;
	_ =	strace $0x9FFFFFFF  }
0x3a: {  	(tm) =	ssettm $0x7FFFFFFF  }
0x3b: {  	_ =	shalt  }
tec
execute0_lowered:
.L_overlay_start_1:
0x0: {  	(tag) =	ssettag $0x1  }
0x1: {  	s0 =	srdreg.scid  }
0x2: {  	s1 =	sshll.u32 s0, $0x4  }
0x3: {  	s0 =	stileid.u32;
	s1 =	sand.u32 $0x10, s1  }
0x4: {  	s1 =	sor.u32 s0, s1  }
0x5: {  	s6 =	rddreg [dreg:$0x0];
	s4 =	simm.s32 $0x1;
	s2 =	sshll.u32 s1, $0x7  }
0x6: {  	s7 =	simm.s32 $0x2;
	s12 =	simm.s32 $0x0;
	s1 =	ssub.s32 $0x1000, s2  }
0x7: {  	s8 =	simm.s32 $0x8000;
	s13 =	simm.s32 $0x0;
	s3 =	sand.u32 $0xF80, s1  }
0x8: {  	s9 =	simm.s32 $0x0;
	s5 =	sshrl.u32 s1, $0xC;
	p0 =	sne.s32 s3, $0x0  }
.Ltmp0:
0x9: {  	s1 =	rddreg [dreg:$0x2];
	s4 =	simm.s32 @!p0 $0x0;
	(pc) =	sbr.rel .LBB1_1-.Ltmp0, $4  }
0xa: {  	s11 =	simm.s32 $0x0;
	s3 =	rddreg [dreg:$0x1];
	s5 =	sadd.s32 s4, s5  }
0xb: {  	_ =	strace $0x8000004A;
	s4 =	simm.s32 $0x1;
	s5 =	smul.u32 $0x32, s5  }
0xc: {  	s6 =	sadd.s32 $0xA00, s6;
	s10 =	smov.u32 s2;
	[sflag:s4] =	ssyncpa.u1 $0x0  }
0xd: {  	p0 =	por $0x0, $0x0;
	[sflag:s7] =	ssyncpa.u1 $0x0;
	s7 =	sor.u32 $0x1, s5  }
.LBB1_4:
0xe: {  	s16 =	sshll.u32 s13, $0x3;
	s17 =	sand.u32 $0x78, s13  }
0xf: {  	s30 =	sand.u32 $0x7E00, s13;
	s12 =	sshll.u32 s12, $0xF;
	s16 =	sand.u32 $0xC00, s16  }
0x10: {  	[tilespmem:s15+$0x810 ss:$0x81] =	vst.msk $0xffff, v2;
	s31 =	sand.u32 $0x7, s13;
	s16 =	sor.u32 s17, s16;
	s17 =	sadd.s32 s3, s30  }
0x11: {  	[tilespmem:s15+$0x1020 ss:$0x81] =	vst.msk $0xffff, v0;
	s13 =	sshll.u32 s31, $0x12;
	s12 =	sadd.s32 s12, s17;
	s16 =	sshrl.u32 s16, $0x3  }
0x12: {  	[tilespmem:s15+$0x0 ss:$0x81] =	vst.msk $0xffff, v1;
	s13 =	sor.u32 $0x400, s13;
	s12 =	sadd.s32 s16, s12  }
0x13: {  	[hbm4b:s12+s13] =	stream.strided.scatter [tilespmem:s14], [sflag:$0x2], $0x2000, s8, s13, $0x20;
	[tilespmem:$0x8080] =	vst v63  }
.LBB1_5:
0x14: {  	s14 =	sadd.s32 $0x1, s9  }
0x15: {  	s12 =	sadd.s32 $0x1000, s10;
	s16 =	smov.u32 s10;
	p2 =	sgt.s32 s14, $0x31  }
0x16: {  	s16 =	smov.u32 @p2 s12  }
0x17: {  	s14 =	simm.s32 @p2 $0x0;
	p2 =	sgt.s32 s16, $0xFFF  }
0x18: {  	s16 =	smov.u32 @p2 s2;
	p2 =	sne.s32 s11, s7  }
.Ltmp1:
0x19: {  	p1 =	slt.u32 s11, $0x2;
	(pc) =	sbr.rel @!p2 .LBB1_6-.Ltmp1, $4  }
0x1a: {  	s15 =	simm.s32 @!p1 $0x2  }
0x1b: {  	s13 =	smov.u32 s10;
	p0 =	por !p0, !p0;
	_ =	swait.ge @!p1 [sflag:s15], $0x2000  }
0x1c: {  	s12 =	smov.u32 s9;
	[sflag:s15] =	ssyncset.done @!p1 $0x0;
	s9 =	smov.u32 s14  }
0x1d: {  	s11 =	sadd.s32 $0x1, s11;
	[sflag:s15] =	ssyncadd.s32 @!p1 $0xFFFFE000;
	s10 =	smov.u32 s16  }
.LBB1_1:
0x1e: {  	p1 =	sge.u32 s11, s5  }
0x1f: {  	s14 =	sand.u32 @!p1 $0x1FFFFFF, s9  }
0x20: {  	s15 =	smulhi.u32 @!p1 $0x4924925, s14;
	_ =	sdelay $0x1  }
0x21: {  	s15 =	smul.u32 @!p1 $0x38, s15  }
0x22: {  	s16 =	sxor.u32 @!p1 $0xFFFFFFFF, s11;
	s17 =	smul.u32 @!p1 $0x380, s10  }
0x23: {  	s31 =	sadd.s32 $0xFFFFFFFF, s11;
	s16 =	sshll.u32 @!p1 s16, $0xD;
	s14 =	ssub.s32 @!p1 s14, s15  }
0x24: {  	s15 =	sand.u32 @!p1 $0x2000, s16;
	s16 =	sadd.s32 @!p1 s6, s17;
	s14 =	sshll.u32 @!p1 s14, $0x4  }
0x25: {  	s17 =	simm.s32 @!p1 $0x1C00;
	s14 =	sadd.s32 @!p1 s14, s16;
	s16 =	simm.s32 @!p1 $0x40  }
0x26: {  	[tilespmem:s15], [sflag:$0x1] =	stream.strided.gather @!p1 [hbm4b:s14+s16], $0x2000, s17, s16, $0x38;
	[tilespmem:$0x8080] =	vst v63  }
0x27: {  	p1 =	sge.u32 s31, s5  }
.Ltmp2:
0x28: {  	_ = 	snop;
	(pc) =	sbr.rel @p1 .LBB1_5-.Ltmp2, $1  }
0x29: {  	_ =	sdelay $0x3  }
0x2a: {  	s14 =	simm.s32 $0x1  }
0x2b: {  	_ =	swait.ge [sflag:s4], $0x2000;
	s14 =	simm.s32 @!p0 $0x0  }
0x2c: {  	[sflag:s4] =	ssyncset.done $0x0;
	s15 =	sshll.u32 s14, $0xD  }
0x2d: {  	[sflag:s4] =	ssyncadd.s32 $0xFFFFE000;
	s18 =	sor.u32 $0x20, s15  }
0x2e: {  	s14 =	smul.u32 $0x8100, s14;
	v3 =	vld [tilespmem:s18+$0x10]  }
0x2f: {  	s30 =	sand.u32 $0x1, s11;
	v2 =	vld [tilespmem:s18+$0xFFFFFFF0]  }
0x30: {  	s15 =	smul.u32 $0x8100, s30;
	s14 =	sshrl.u32 s14, $0x2;
	v0 =	vld [tilespmem:s18+$0x0]  }
0x31: {  	v1 =	vld [tilespmem:s18+$0xFFFFFFE0];
	s16 =	sor.u32 $0x4000, s14  }
0x32: {  	s31 =	sshrl.u32 s15, $0x2;
	s15 =	sadd.s32 $0x0, s16  }
0x33: {  	s17 =	simm.s32 $0x4;
	s18 =	sadd.s32 $0x40, s18;
	s14 =	sor.u32 $0x4000, s31;
	[tilespmem:s15+$0x1830 ss:$0x81] =	vst.msk $0xffff, v3  }
.LBB1_3:
0x34: {  	v3 =	vld [tilespmem:s18+$0x10];
	p1 =	sne.s32 s17, $0x1FC;
	[tilespmem:s15+$0x810 ss:$0x81] =	vst.msk $0xffff, v2;
	s19 =	smov.u32 s17;
	s17 =	sadd.s32 $0x4, s17  }
.Ltmp3:
0x35: {  	v2 =	vld [tilespmem:s18+$0xFFFFFFF0];
	[tilespmem:s15+$0x1020 ss:$0x81] =	vst.msk $0xffff, v0;
	(pc) =	sbr.rel @p1 .LBB1_3-.Ltmp3, $4  }
0x36: {  	v0 =	vld [tilespmem:s18+$0x0];
	[tilespmem:s15+$0x0 ss:$0x81] =	vst.msk $0xffff, v1  }
0x37: {  	s15 =	sshra.s32 s19, $0x2;
	v1 =	vld [tilespmem:s18+$0xFFFFFFE0]  }
0x38: {  	s15 =	sadd.s32 s15, s16  }
0x39: {  	s18 =	sadd.s32 $0x40, s18;
	[tilespmem:s15+$0x1830 ss:$0x81] =	vst.msk $0xffff, v3  }
.Ltmp4:
0x3a: {  	_ = 	snop;
	(pc) =	sbr.rel .LBB1_4-.Ltmp4, $1  }
0x3b: {  	_ =	sdelay $0x3  }
.LBB1_6:
0x3c: {  	_ =	sfence.sel $0x180000  }
0x3d: {  	s2 =	simm.s32 $0x1;
	[bflag:$0x0] =	sbarrier.arrive $0xFFFF  }
0x3e: {  	s31 =	simm.s32 $0x2;
	[sflag:s2] =	ssyncpa.u1 $0x1  }
0x3f: {  	[sflag:s31] =	ssyncpa.u1 $0x1  }
0x40: {  	p0 =	sne.s32 s0, $0x0;
	_ =	strace $0x9000004A  }
0x41: {  	s0 =	sadd.s32 @!p0 $0x100000, s1;
	[bflag:$0x2] =	sbarrier.arrive $0xFFFF  }
0x42: {  	[sflag:s0] =	ssyncadd.tile.s32 @!p0 $0x1;
	_ =	shalt  }
.Lfunc_end1:
_tile_overlayer_lowered:
.L_overlay_start_2:
0x43: {  	(tag) =	ssettag $0x2  }
0x44: {  	s0 =	rddreg [dreg:$0x0];
	s2 =	stileid.u32  }
0x45: {  	s1 =	rddreg [dreg:$0x1];
	p0 =	sne.s32 s2, $0x0  }
0x46: {  	s3 =	rddreg [dreg:$0x2];
	[bflag:$0x3] =	sbarrier.arrive $0xFFFF;
	s2 =	simm.s32 @!p0 $0x1C01  }
0x47: {  	[timem:s3], [sflag:s2] =	dma.local @!p0 [hbm:s0], s1  }
0x48: {  	s0 =	simm.s32 @!p0 $0x1  }
0x49: {  	_ =	swait.ge @!p0 [sflag:s0], s1  }
0x4a: {  	s1 =	ssub.s32 @!p0 $0x0, s1;
	[sflag:s0] =	ssyncset.done @!p0 $0x0  }
0x4b: {  	[sflag:s0] =	ssyncadd.s32 @!p0 s1  }
0x4c: {  	[bflag:$0x3] =	sbarrier.arrive $0xFFFF  }
0x4d: {  	_ =	shalt  }

</sc_bundles>
